<compile_context>
chip_gen: v7x
topology: tpu7x:2x2x1
jax: 0.10.2.dev20260603
libtpu: 0.0.44.dev20260713+nightly
codegen_flags: <defaults>
</compile_context>

<pallas_src>
import jax
import jax.numpy as jnp
from jax import lax
from jax.experimental import pallas as pl
from jax.experimental.pallas import tpu as pltpu
from jax.experimental.pallas import tpu_sc as plsc

VOCAB = 1000000
DIM = 32
B = 16384
L = 200

NC = 2
NS = 16
LANES = 16

NW = NC * NS
RPW = B // NW
CH = 8
NCHUNK = RPW // CH
LP = 208
NSL = LP // LANES
GI = CH * LP
NIDX = 128
NBLK = GI // NIDX


def _body(stacks_hbm, lens_hbm, table_hbm, out_hbm,
          idx_raw, idx_m0, idx_m1, gath0, gath1, lens_v, out_v, row0_v,
          sem0, sem1):
    wid = lax.axis_index("s") * NC + lax.axis_index("c")
    wbase = wid * RPW

    iota = lax.iota(jnp.int32, LANES)
    zero16i = jnp.zeros((LANES,), jnp.int32)

    pltpu.sync_copy(lens_hbm.at[pl.ds(wbase, RPW)], lens_v)
    pltpu.sync_copy(table_hbm.at[pl.ds(0, 1)], row0_v)
    r0a = row0_v[0, pl.ds(0, LANES)]
    r0b = row0_v[0, pl.ds(LANES, LANES)]

    spread = wid * 4096 + iota

    def init_m(i, _):
        v = spread + i * LANES
        idx_m0[i >> 3, pl.ds((i & 7) * LANES, LANES)] = v
        idx_m1[i >> 3, pl.ds((i & 7) * LANES, LANES)] = v
        return 0

    lax.fori_loop(0, NBLK * (NIDX // LANES), init_m, 0)
    for r in range(CH):
        idx_raw[r, pl.ds(L - 8, LANES)] = spread + (GI + r * LANES)

    def get_len(lb):
        off = (lb >> 4) << 4
        lane = lb & (LANES - 1)
        v16 = lens_v[pl.ds(off, LANES)]
        return jnp.sum(jnp.where(iota == lane, v16, 0))

    def prep(c, idx_m, gath, sem):
        base = wbase + c * CH
        pltpu.sync_copy(stacks_hbm.at[pl.ds(base, CH)],
                        idx_raw.at[:, pl.ds(0, L)])

        def copy_row(r, off):
            len_s = get_len(c * CH + r)
            nsl_r = (len_s + 15) >> 4

            def copy_slice(j, _):
                f = off + j * LANES
                idx_m[f >> 7, pl.ds(f & (NIDX - 1), LANES)] = (
                    idx_raw[r, pl.ds(j * LANES, LANES)])
                return 0

            lax.fori_loop(0, nsl_r, copy_slice, 0)
            return off + (nsl_r << 4)

        total = lax.fori_loop(0, CH, copy_row, 0)
        ndma = (total + NIDX - 1) >> 7

        def fire(j, _):
            pltpu.async_copy(table_hbm.at[idx_m.at[j]],
                             gath.at[pl.ds(j * NIDX, NIDX)], sem)
            return 0

        lax.fori_loop(0, ndma, fire, 0)
        return ndma

    def finish(c, ndma, idx_m, gath, sem):
        base = wbase + c * CH

        def drain(j, _):
            pltpu.make_async_copy(table_hbm.at[idx_m.at[j]],
                                  gath.at[pl.ds(j * NIDX, NIDX)], sem).wait()
            return 0

        lax.fori_loop(0, ndma, drain, 0)

        def fin_row(r, off):
            len_s = get_len(c * CH + r)
            nfull = len_s >> 4
            nsl_r = (len_s + 15) >> 4

            def acc_slice(j, carry):
                a0, a1, b0, b1 = carry
                g = off + j * LANES
                for q in range(0, LANES, 2):
                    a0 = a0 + gath[g + q, pl.ds(0, LANES)]
                    a1 = a1 + gath[g + q, pl.ds(LANES, LANES)]
                    b0 = b0 + gath[g + q + 1, pl.ds(0, LANES)]
                    b1 = b1 + gath[g + q + 1, pl.ds(LANES, LANES)]
                return (a0, a1, b0, b1)

            zero = jnp.zeros((LANES,), jnp.float32)
            a0, a1, b0, b1 = lax.fori_loop(0, nfull, acc_slice,
                                           (zero, zero, zero, zero))
            a0 = a0 + b0
            a1 = a1 + b1

            def acc_tail(p, carry):
                t0, t1 = carry
                g = off + p
                return (t0 + gath[g, pl.ds(0, LANES)],
                        t1 + gath[g, pl.ds(LANES, LANES)])

            a0, a1 = lax.fori_loop(nfull << 4, len_s, acc_tail, (a0, a1))

            def z_body(j, zc):
                f = off + j * LANES
                sel = idx_m[f >> 7, pl.ds(f & (NIDX - 1), LANES)]
                pos = j * LANES + iota
                return zc + jnp.where((pos < len_s) & (sel == 0), 1, 0)

            zc = lax.fori_loop(0, nsl_r, z_body, zero16i)
            zf = jnp.broadcast_to(jnp.sum(zc), (LANES,)).astype(jnp.float32)

            den = jnp.broadcast_to(jnp.maximum(len_s, 1), (LANES,))
            inv = jnp.ones((LANES,), jnp.float32) / den.astype(jnp.float32)
            out_v[r, pl.ds(0, LANES)] = (a0 - zf * r0a) * inv
            out_v[r, pl.ds(LANES, LANES)] = (a1 - zf * r0b) * inv
            return off + (nsl_r << 4)

        lax.fori_loop(0, CH, fin_row, 0)
        pltpu.sync_copy(out_v, out_hbm.at[pl.ds(base, CH)])

    prev0 = prep(0, idx_m0, gath0, sem0)

    def body(c, prev):
        def odd():
            nd = prep(c, idx_m1, gath1, sem1)
            finish(c - 1, prev, idx_m0, gath0, sem0)
            return nd

        def even():
            nd = prep(c, idx_m0, gath0, sem0)
            finish(c - 1, prev, idx_m1, gath1, sem1)
            return nd

        return lax.cond((c & 1) == 1, odd, even)

    last = lax.fori_loop(1, NCHUNK, body, prev0)
    finish(NCHUNK - 1, last, idx_m1, gath1, sem1)


@jax.jit
def _run(stacks, stack_lens, table):
    mesh = plsc.VectorSubcoreMesh(core_axis_name="c", subcore_axis_name="s")
    f = pl.kernel(
        _body,
        out_type=jax.ShapeDtypeStruct((B, DIM), jnp.float32),
        mesh=mesh,
        scratch_types=[
            pltpu.VMEM((CH, LP), jnp.int32),
            pltpu.VMEM((NBLK, NIDX), jnp.int32),
            pltpu.VMEM((NBLK, NIDX), jnp.int32),
            pltpu.VMEM((GI, DIM), jnp.float32),
            pltpu.VMEM((GI, DIM), jnp.float32),
            pltpu.VMEM((RPW,), jnp.int32),
            pltpu.VMEM((CH, DIM), jnp.float32),
            pltpu.VMEM((1, DIM), jnp.float32),
            pltpu.SemaphoreType.DMA,
            pltpu.SemaphoreType.DMA,
        ],
        compiler_params=pltpu.CompilerParams(use_tc_tiling_on_sc=False,
                                             needs_layout_passes=False),
    )
    return f(stacks, stack_lens, table)


def kernel(stacks, stack_lens, table):
    return _run(stacks.astype(jnp.int32), stack_lens.astype(jnp.int32), table)

# --- scband reference (transcript-rebuilt; emitter-appended) ---
"""Pipeline reference for scband-stack-neural-embedding-54726473286211 (READ-ONLY COPY).

The authoritative reference and input builder live on the scoring server;
editing this copy changes nothing except your own understanding.
"""

import jax, jax.numpy as jnp
import numpy as np

VOCAB = 1000000
DIM = 32
B = 16384
L = 200


def setup_inputs(seed: int = 0) -> dict:
    key = jax.random.key(seed)
    k1, k2, k3 = jax.random.split(key, 3)
    stacks = jax.random.randint(k1, (B, L), 0, VOCAB)
    stack_lens = jax.random.randint(k2, (B,), 0, L)
    table = jax.random.normal(k3, (VOCAB, DIM), dtype=jnp.float32) * 0.02
    return {"stacks": stacks, "stack_lens": stack_lens, "table": table}


def reference(stacks, stack_lens, table):
    # nn.Embedding with padding_idx=0: row 0 is forced to zero
    table = table.at[0].set(0.0)
    # embedding lookup: gather rows of the table
    embedded = jnp.take(table, stacks, axis=0)  # [B, L, DIM]
    # dropout_prob=0.0 / eval mode -> identity
    # emb_module: masked mean pooling over valid stack positions
    mask = (jnp.arange(embedded.shape[1])[None, :] < stack_lens[:, None]).astype(embedded.dtype)
    summed = jnp.sum(embedded * mask[..., None], axis=1)  # [B, DIM]
    denom = jnp.maximum(stack_lens, 1).astype(embedded.dtype)[:, None]
    return summed / denom

if __name__ == "__main__":
    import jax
    _d = setup_inputs()
    print(jax.jit(kernel)(*tuple(_d.values())))

</pallas_src>

<mosaic_0001>
#map = affine_map<(d0, d1) -> (0, 0)>
#map1 = affine_map<(d0, d1) -> (0)>
module attributes {stable_mosaic.version = 14 : i64} {
  func.func @_body(%arg0: i32, %arg1: i32, %arg2: memref<16384x200xi32, #tpu.memory_space<hbm>>, %arg3: memref<16384xi32, #tpu.memory_space<hbm>>, %arg4: memref<1000000x32xf32, #tpu.memory_space<hbm>>, %arg5: memref<16384x32xf32, #tpu.memory_space<hbm>>, %arg6: memref<8x208xi32, #tpu.memory_space<vmem>>, %arg7: memref<13x128xi32, #tpu.memory_space<vmem>>, %arg8: memref<13x128xi32, #tpu.memory_space<vmem>>, %arg9: memref<1664x32xf32, #tpu.memory_space<vmem>>, %arg10: memref<1664x32xf32, #tpu.memory_space<vmem>>, %arg11: memref<512xi32, #tpu.memory_space<vmem>>, %arg12: memref<8x32xf32, #tpu.memory_space<vmem>>, %arg13: memref<1x32xf32, #tpu.memory_space<vmem>>, %arg14: memref<!tpu.dma_semaphore, #tpu.memory_space<semaphore_mem>>, %arg15: memref<!tpu.dma_semaphore, #tpu.memory_space<semaphore_mem>>) attributes {dimension_semantics = [#tpu.dimension_semantics<core_parallel>, #tpu.dimension_semantics<subcore_parallel>], iteration_bounds = array<i64: 2, 16>, scalar_prefetch = 0 : i64, scratch_operands = 10 : i64, tpu.core_type = #tpu.core_type<sc_vector_subcore>, window_params = [{transform_indices = #map}, {transform_indices = #map1}, {transform_indices = #map}, {transform_indices = #map}]} {
    %mul3A = arith.constant 2 : i32
    %mul3A_0 = arith.muli %arg1, %mul3A : i32
    %add3A = arith.addi %mul3A_0, %arg0 : i32
    %mul3A_1 = arith.constant 512 : i32
    %mul3A_2 = arith.muli %add3A, %mul3A_1 : i32
    %iota3A = tpu.iota {dimensions = array<i32: 0>} : vector<16xi32>
    %broadcast_in_dim3A = arith.constant 0 : i32
    %broadcast_in_dim3A_3 = vector.broadcast %broadcast_in_dim3A : i32 to vector<16xi32>
    "tpu.region"() ({
      %run_scoped3A = tpu.sem_alloc : memref<!tpu.dma_semaphore, #tpu.memory_space<semaphore_mem>>
      %dma_start3A = tpu.memref_slice %arg3[%mul3A_2] : memref<16384xi32, #tpu.memory_space<hbm>> -> memref<512xi32, #tpu.memory_space<hbm>>
      %dma_start3A_127 = tpu.memref_slice %arg3[%mul3A_2] : memref<16384xi32, #tpu.memory_space<hbm>> -> memref<512xi32, #tpu.memory_space<hbm>>
      tpu.enqueue_dma source(%dma_start3A_127 : memref<512xi32, #tpu.memory_space<hbm>>) target(%arg11 : memref<512xi32, #tpu.memory_space<vmem>>) target_semaphore(%run_scoped3A : memref<!tpu.dma_semaphore, #tpu.memory_space<semaphore_mem>>)
      %dma_wait3A = tpu.memref_slice %arg3[%mul3A_2] : memref<16384xi32, #tpu.memory_space<hbm>> -> memref<512xi32, #tpu.memory_space<hbm>>
      %dma_wait3A_128 = tpu.memref_slice %arg3[%mul3A_2] : memref<16384xi32, #tpu.memory_space<hbm>> -> memref<512xi32, #tpu.memory_space<hbm>>
      tpu.wait_dma2 semaphore(%run_scoped3A : memref<!tpu.dma_semaphore, #tpu.memory_space<semaphore_mem>>) src(%dma_wait3A_128 : memref<512xi32, #tpu.memory_space<hbm>>) dst(%arg11 : memref<512xi32, #tpu.memory_space<vmem>>)
      tpu.yield
    }) : () -> ()
    "tpu.region"() ({
      %run_scoped3A = tpu.sem_alloc : memref<!tpu.dma_semaphore, #tpu.memory_space<semaphore_mem>>
      %dma_start3A = arith.constant 0 : i32
      %dma_start3A_127 = arith.constant 0 : i32
      %dma_start3A_128 = tpu.memref_slice %arg4[%dma_start3A, %dma_start3A_127] : memref<1000000x32xf32, #tpu.memory_space<hbm>> -> memref<1x32xf32, #tpu.memory_space<hbm>>
      %dma_start3A_129 = arith.constant 0 : i32
      %dma_start3A_130 = arith.constant 0 : i32
      %dma_start3A_131 = tpu.memref_slice %arg4[%dma_start3A_129, %dma_start3A_130] : memref<1000000x32xf32, #tpu.memory_space<hbm>> -> memref<1x32xf32, #tpu.memory_space<hbm>>
      tpu.enqueue_dma source(%dma_start3A_131 : memref<1x32xf32, #tpu.memory_space<hbm>>) target(%arg13 : memref<1x32xf32, #tpu.memory_space<vmem>>) target_semaphore(%run_scoped3A : memref<!tpu.dma_semaphore, #tpu.memory_space<semaphore_mem>>)
      %dma_wait3A = arith.constant 0 : i32
      %dma_wait3A_132 = arith.constant 0 : i32
      %dma_wait3A_133 = tpu.memref_slice %arg4[%dma_wait3A, %dma_wait3A_132] : memref<1000000x32xf32, #tpu.memory_space<hbm>> -> memref<1x32xf32, #tpu.memory_space<hbm>>
      %dma_wait3A_134 = arith.constant 0 : i32
      %dma_wait3A_135 = arith.constant 0 : i32
      %dma_wait3A_136 = tpu.memref_slice %arg4[%dma_wait3A_134, %dma_wait3A_135] : memref<1000000x32xf32, #tpu.memory_space<hbm>> -> memref<1x32xf32, #tpu.memory_space<hbm>>
      tpu.wait_dma2 semaphore(%run_scoped3A : memref<!tpu.dma_semaphore, #tpu.memory_space<semaphore_mem>>) src(%dma_wait3A_136 : memref<1x32xf32, #tpu.memory_space<hbm>>) dst(%arg13 : memref<1x32xf32, #tpu.memory_space<vmem>>)
      tpu.yield
    }) : () -> ()
    %get3A = arith.constant 0 : i32
    %get3A_4 = arith.index_cast %get3A : i32 to index
    %get3A_5 = arith.constant 0 : index
    %get3A_6 = tpu.vector_load %arg13[%get3A_4, %get3A_5] {strides = array<i32>} : memref<1x32xf32, #tpu.memory_space<vmem>>, vector<16xf32>,
    %get3A_7 = arith.constant 0 : i32
    %get3A_8 = arith.index_cast %get3A_7 : i32 to index
    %get3A_9 = arith.constant 16 : index
    %get3A_10 = tpu.vector_load %arg13[%get3A_8, %get3A_9] {strides = array<i32>} : memref<1x32xf32, #tpu.memory_space<vmem>>, vector<16xf32>,
    %mul3A_11 = arith.constant 4096 : i32
    %mul3A_12 = arith.muli %add3A, %mul3A_11 : i32
    %add3A_13 = vector.broadcast %mul3A_12 : i32 to vector<16xi32>
    %add3A_14 = arith.addi %add3A_13, %iota3A : vector<16xi32>
    %scan3A = arith.constant 0 : i32
    %scan3A_15 = arith.constant 0 : i32
    %scan3A_16 = arith.constant 104 : i32
    %scan3A_17 = arith.addi %scan3A_15, %scan3A_16 : i32
    %scan3A_18 = arith.constant 1 : i32
    %scan3A_19 = scf.for %scan3A_127 = %scan3A_15 to %scan3A_17 step %scan3A_18 iter_args(%scan3A_128 = %scan3A) -> (i32)  : i32 {
      %mul3A_129 = arith.constant 16 : i32
      %mul3A_130 = arith.muli %scan3A_127, %mul3A_129 : i32
      %add3A_131 = vector.broadcast %mul3A_130 : i32 to vector<16xi32>
      %add3A_132 = arith.addi %add3A_14, %add3A_131 : vector<16xi32>
      %shift_right_arithmetic3A_133 = arith.constant 3 : i32
      %shift_right_arithmetic3A_134 = arith.shrsi %scan3A_127, %shift_right_arithmetic3A_133 : i32
      %and3A = arith.constant 7 : i32
      %and3A_135 = arith.andi %scan3A_127, %and3A : i32
      %mul3A_136 = arith.constant 16 : i32
      %mul3A_137 = arith.muli %and3A_135, %mul3A_136 : i32
      %swap3A_138 = arith.index_cast %shift_right_arithmetic3A_134 : i32 to index
      %swap3A_139 = arith.index_cast %mul3A_137 : i32 to index
      %swap3A_140 = tpu.vector_load %arg7[%swap3A_138, %swap3A_139] {strides = array<i32>} : memref<13x128xi32, #tpu.memory_space<vmem>>, vector<16xi32>,
      tpu.vector_store %arg7[%swap3A_138, %swap3A_139], %add3A_132 {strides = array<i32>} : memref<13x128xi32, #tpu.memory_space<vmem>>, vector<16xi32>,
      %shift_right_arithmetic3A_141 = arith.constant 3 : i32
      %shift_right_arithmetic3A_142 = arith.shrsi %scan3A_127, %shift_right_arithmetic3A_141 : i32
      %and3A_143 = arith.constant 7 : i32
      %and3A_144 = arith.andi %scan3A_127, %and3A_143 : i32
      %mul3A_145 = arith.constant 16 : i32
      %mul3A_146 = arith.muli %and3A_144, %mul3A_145 : i32
      %swap3A_147 = arith.index_cast %shift_right_arithmetic3A_142 : i32 to index
      %swap3A_148 = arith.index_cast %mul3A_146 : i32 to index
      %swap3A_149 = tpu.vector_load %arg8[%swap3A_147, %swap3A_148] {strides = array<i32>} : memref<13x128xi32, #tpu.memory_space<vmem>>, vector<16xi32>,
      tpu.vector_store %arg8[%swap3A_147, %swap3A_148], %add3A_132 {strides = array<i32>} : memref<13x128xi32, #tpu.memory_space<vmem>>, vector<16xi32>,
      %scan3A_150 = arith.constant 0 : i32
      scf.yield %scan3A_150 : i32
    }
    %scan3A_20 = arith.constant 104 : i32
    %add3A_21 = arith.constant 1664 : i32
    %add3A_22 = vector.broadcast %add3A_21 : i32 to vector<16xi32>
    %add3A_23 = arith.addi %add3A_14, %add3A_22 : vector<16xi32>
    %swap3A = arith.constant 0 : i32
    %swap3A_24 = arith.index_cast %swap3A : i32 to index
    %swap3A_25 = arith.constant 192 : index
    %swap3A_26 = tpu.vector_load %arg6[%swap3A_24, %swap3A_25] {strides = array<i32>} : memref<8x208xi32, #tpu.memory_space<vmem>>, vector<16xi32>,
    tpu.vector_store %arg6[%swap3A_24, %swap3A_25], %add3A_23 {strides = array<i32>} : memref<8x208xi32, #tpu.memory_space<vmem>>, vector<16xi32>,
    %add3A_27 = arith.constant 1680 : i32
    %add3A_28 = vector.broadcast %add3A_27 : i32 to vector<16xi32>
    %add3A_29 = arith.addi %add3A_14, %add3A_28 : vector<16xi32>
    %swap3A_30 = arith.constant 1 : i32
    %swap3A_31 = arith.index_cast %swap3A_30 : i32 to index
    %swap3A_32 = arith.constant 192 : index
    %swap3A_33 = tpu.vector_load %arg6[%swap3A_31, %swap3A_32] {strides = array<i32>} : memref<8x208xi32, #tpu.memory_space<vmem>>, vector<16xi32>,
    tpu.vector_store %arg6[%swap3A_31, %swap3A_32], %add3A_29 {strides = array<i32>} : memref<8x208xi32, #tpu.memory_space<vmem>>, vector<16xi32>,
    %add3A_34 = arith.constant 1696 : i32
    %add3A_35 = vector.broadcast %add3A_34 : i32 to vector<16xi32>
    %add3A_36 = arith.addi %add3A_14, %add3A_35 : vector<16xi32>
    %swap3A_37 = arith.constant 2 : i32
    %swap3A_38 = arith.index_cast %swap3A_37 : i32 to index
    %swap3A_39 = arith.constant 192 : index
    %swap3A_40 = tpu.vector_load %arg6[%swap3A_38, %swap3A_39] {strides = array<i32>} : memref<8x208xi32, #tpu.memory_space<vmem>>, vector<16xi32>,
    tpu.vector_store %arg6[%swap3A_38, %swap3A_39], %add3A_36 {strides = array<i32>} : memref<8x208xi32, #tpu.memory_space<vmem>>, vector<16xi32>,
    %add3A_41 = arith.constant 1712 : i32
    %add3A_42 = vector.broadcast %add3A_41 : i32 to vector<16xi32>
    %add3A_43 = arith.addi %add3A_14, %add3A_42 : vector<16xi32>
    %swap3A_44 = arith.constant 3 : i32
    %swap3A_45 = arith.index_cast %swap3A_44 : i32 to index
    %swap3A_46 = arith.constant 192 : index
    %swap3A_47 = tpu.vector_load %arg6[%swap3A_45, %swap3A_46] {strides = array<i32>} : memref<8x208xi32, #tpu.memory_space<vmem>>, vector<16xi32>,
    tpu.vector_store %arg6[%swap3A_45, %swap3A_46], %add3A_43 {strides = array<i32>} : memref<8x208xi32, #tpu.memory_space<vmem>>, vector<16xi32>,
    %add3A_48 = arith.constant 1728 : i32
    %add3A_49 = vector.broadcast %add3A_48 : i32 to vector<16xi32>
    %add3A_50 = arith.addi %add3A_14, %add3A_49 : vector<16xi32>
    %swap3A_51 = arith.constant 4 : i32
    %swap3A_52 = arith.index_cast %swap3A_51 : i32 to index
    %swap3A_53 = arith.constant 192 : index
    %swap3A_54 = tpu.vector_load %arg6[%swap3A_52, %swap3A_53] {strides = array<i32>} : memref<8x208xi32, #tpu.memory_space<vmem>>, vector<16xi32>,
    tpu.vector_store %arg6[%swap3A_52, %swap3A_53], %add3A_50 {strides = array<i32>} : memref<8x208xi32, #tpu.memory_space<vmem>>, vector<16xi32>,
    %add3A_55 = arith.constant 1744 : i32
    %add3A_56 = vector.broadcast %add3A_55 : i32 to vector<16xi32>
    %add3A_57 = arith.addi %add3A_14, %add3A_56 : vector<16xi32>
    %swap3A_58 = arith.constant 5 : i32
    %swap3A_59 = arith.index_cast %swap3A_58 : i32 to index
    %swap3A_60 = arith.constant 192 : index
    %swap3A_61 = tpu.vector_load %arg6[%swap3A_59, %swap3A_60] {strides = array<i32>} : memref<8x208xi32, #tpu.memory_space<vmem>>, vector<16xi32>,
    tpu.vector_store %arg6[%swap3A_59, %swap3A_60], %add3A_57 {strides = array<i32>} : memref<8x208xi32, #tpu.memory_space<vmem>>, vector<16xi32>,
    %add3A_62 = arith.constant 1760 : i32
    %add3A_63 = vector.broadcast %add3A_62 : i32 to vector<16xi32>
    %add3A_64 = arith.addi %add3A_14, %add3A_63 : vector<16xi32>
    %swap3A_65 = arith.constant 6 : i32
    %swap3A_66 = arith.index_cast %swap3A_65 : i32 to index
    %swap3A_67 = arith.constant 192 : index
    %swap3A_68 = tpu.vector_load %arg6[%swap3A_66, %swap3A_67] {strides = array<i32>} : memref<8x208xi32, #tpu.memory_space<vmem>>, vector<16xi32>,
    tpu.vector_store %arg6[%swap3A_66, %swap3A_67], %add3A_64 {strides = array<i32>} : memref<8x208xi32, #tpu.memory_space<vmem>>, vector<16xi32>,
    %add3A_69 = arith.constant 1776 : i32
    %add3A_70 = vector.broadcast %add3A_69 : i32 to vector<16xi32>
    %add3A_71 = arith.addi %add3A_14, %add3A_70 : vector<16xi32>
    %swap3A_72 = arith.constant 7 : i32
    %swap3A_73 = arith.index_cast %swap3A_72 : i32 to index
    %swap3A_74 = arith.constant 192 : index
    %swap3A_75 = tpu.vector_load %arg6[%swap3A_73, %swap3A_74] {strides = array<i32>} : memref<8x208xi32, #tpu.memory_space<vmem>>, vector<16xi32>,
    tpu.vector_store %arg6[%swap3A_73, %swap3A_74], %add3A_71 {strides = array<i32>} : memref<8x208xi32, #tpu.memory_space<vmem>>, vector<16xi32>,
    %add3A_76 = arith.constant 0 : i32
    %add3A_77 = arith.addi %mul3A_2, %add3A_76 : i32
    "tpu.region"() ({
      %run_scoped3A = tpu.sem_alloc : memref<!tpu.dma_semaphore, #tpu.memory_space<semaphore_mem>>
      %dma_start3A = arith.constant 0 : i32
      %dma_start3A_127 = arith.constant 0 : i32
      %dma_start3A_128 = tpu.memref_slice %arg6[%dma_start3A, %dma_start3A_127] : memref<8x208xi32, #tpu.memory_space<vmem>> -> memref<8x200xi32, #tpu.memory_space<vmem>>
      %dma_start3A_129 = arith.constant 0 : i32
      %dma_start3A_130 = tpu.memref_slice %arg2[%add3A_77, %dma_start3A_129] : memref<16384x200xi32, #tpu.memory_space<hbm>> -> memref<8x200xi32, #tpu.memory_space<hbm>>
      %dma_start3A_131 = arith.constant 0 : i32
      %dma_start3A_132 = arith.constant 0 : i32
      %dma_start3A_133 = tpu.memref_slice %arg6[%dma_start3A_131, %dma_start3A_132] : memref<8x208xi32, #tpu.memory_space<vmem>> -> memref<8x200xi32, #tpu.memory_space<vmem>>
      %dma_start3A_134 = arith.constant 0 : i32
      %dma_start3A_135 = tpu.memref_slice %arg2[%add3A_77, %dma_start3A_134] : memref<16384x200xi32, #tpu.memory_space<hbm>> -> memref<8x200xi32, #tpu.memory_space<hbm>>
      tpu.enqueue_dma source(%dma_start3A_135 : memref<8x200xi32, #tpu.memory_space<hbm>>) target(%dma_start3A_133 : memref<8x200xi32, #tpu.memory_space<vmem>>) target_semaphore(%run_scoped3A : memref<!tpu.dma_semaphore, #tpu.memory_space<semaphore_mem>>)
      %dma_wait3A = arith.constant 0 : i32
      %dma_wait3A_136 = arith.constant 0 : i32
      %dma_wait3A_137 = tpu.memref_slice %arg6[%dma_wait3A, %dma_wait3A_136] : memref<8x208xi32, #tpu.memory_space<vmem>> -> memref<8x200xi32, #tpu.memory_space<vmem>>
      %dma_wait3A_138 = arith.constant 0 : i32
      %dma_wait3A_139 = tpu.memref_slice %arg2[%add3A_77, %dma_wait3A_138] : memref<16384x200xi32, #tpu.memory_space<hbm>> -> memref<8x200xi32, #tpu.memory_space<hbm>>
      %dma_wait3A_140 = arith.constant 0 : i32
      %dma_wait3A_141 = arith.constant 0 : i32
      %dma_wait3A_142 = tpu.memref_slice %arg6[%dma_wait3A_140, %dma_wait3A_141] : memref<8x208xi32, #tpu.memory_space<vmem>> -> memref<8x200xi32, #tpu.memory_space<vmem>>
      %dma_wait3A_143 = arith.constant 0 : i32
      %dma_wait3A_144 = tpu.memref_slice %arg2[%add3A_77, %dma_wait3A_143] : memref<16384x200xi32, #tpu.memory_space<hbm>> -> memref<8x200xi32, #tpu.memory_space<hbm>>
      tpu.wait_dma2 semaphore(%run_scoped3A : memref<!tpu.dma_semaphore, #tpu.memory_space<semaphore_mem>>) src(%dma_wait3A_144 : memref<8x200xi32, #tpu.memory_space<hbm>>) dst(%dma_wait3A_142 : memref<8x200xi32, #tpu.memory_space<vmem>>)
      tpu.yield
    }) : () -> ()
    %scan3A_78 = arith.constant 0 : i32
    %scan3A_79 = arith.constant 0 : i32
    %scan3A_80 = arith.constant 8 : i32
    %scan3A_81 = arith.addi %scan3A_79, %scan3A_80 : i32
    %scan3A_82 = arith.constant 1 : i32
    %scan3A_83 = scf.for %scan3A_127 = %scan3A_79 to %scan3A_81 step %scan3A_82 iter_args(%scan3A_128 = %scan3A_78) -> (i32)  : i32 {
      %add3A_129 = arith.constant 0 : i32
      %add3A_130 = arith.addi %add3A_129, %scan3A_127 : i32
      %shift_right_arithmetic3A_131 = arith.constant 4 : i32
      %shift_right_arithmetic3A_132 = arith.shrsi %add3A_130, %shift_right_arithmetic3A_131 : i32
      %shift_left3A = arith.constant 4 : i32
      %shift_left3A_133 = arith.shli %shift_right_arithmetic3A_132, %shift_left3A : i32
      %and3A = arith.constant 15 : i32
      %and3A_134 = arith.andi %add3A_130, %and3A : i32
      %get3A_135 = arith.index_cast %shift_left3A_133 : i32 to index
      %get3A_136 = tpu.vector_load %arg11[%get3A_135] {strides = array<i32>} : memref<512xi32, #tpu.memory_space<vmem>>, vector<16xi32>,
      %eq3A = vector.broadcast %and3A_134 : i32 to vector<16xi32>
      %eq3A_137 = arith.cmpi eq, %iota3A, %eq3A : vector<16xi32>
      %jit3A = arith.constant 0 : i32
      %broadcast_in_dim3A_138 = vector.broadcast %jit3A : i32 to vector<16xi32>
      %select_n3A = arith.select %eq3A_137, %get3A_136, %broadcast_in_dim3A_138 : vector<16xi1>, vector<16xi32>
      %reduce_sum3A = arith.constant true
      %reduce_sum3A_139 = vector.broadcast %reduce_sum3A : i1 to vector<16xi1>
      %reduce_sum3A_140 = tpu.scan <sum>, %select_n3A masked %reduce_sum3A_139 : vector<16xi32>, vector<16xi1> -> vector<16xi32>
      %reduce_sum3A_141 = vector.extract %reduce_sum3A_140[15] : i32 from vector<16xi32>
      %add3A_142 = arith.constant 15 : i32
      %add3A_143 = arith.addi %reduce_sum3A_141, %add3A_142 : i32
      %shift_right_arithmetic3A_144 = arith.constant 4 : i32
      %shift_right_arithmetic3A_145 = arith.shrsi %add3A_143, %shift_right_arithmetic3A_144 : i32
      %while3A_146 = arith.constant 0 : i32
      %while3A_147 = arith.constant 0 : i32
      %while3A_148 = arith.subi %shift_right_arithmetic3A_145, %while3A_146 : i32
      %while3A_149 = arith.addi %while3A_146, %while3A_148 : i32
      %while3A_150 = arith.constant 1 : i32
      %while3A_151 = arith.divsi %while3A_148, %while3A_150 : i32
      %while3A_152 = arith.muli %while3A_151, %while3A_150 : i32
      %while3A_153 = arith.addi %while3A_146, %while3A_152 : i32
      %while3A_154 = arith.constant 1 : i32
      %while3A_155 = scf.for %while3A_161 = %while3A_146 to %while3A_153 step %while3A_154 iter_args(%while3A_162 = %while3A_147) -> (i32)  : i32 {
        %mul3A_163 = arith.constant 16 : i32
        %mul3A_164 = arith.muli %while3A_161, %mul3A_163 : i32
        %add3A_165 = arith.addi %scan3A_128, %mul3A_164 : i32
        %mul3A_166 = arith.constant 16 : i32
        %mul3A_167 = arith.muli %while3A_161, %mul3A_166 : i32
        %get3A_168 = arith.index_cast %scan3A_127 : i32 to index
        %get3A_169 = arith.index_cast %mul3A_167 : i32 to index
        %get3A_170 = tpu.vector_load %arg6[%get3A_168, %get3A_169] {strides = array<i32>} : memref<8x208xi32, #tpu.memory_space<vmem>>, vector<16xi32>,
        %shift_right_arithmetic3A_171 = arith.constant 7 : i32
        %shift_right_arithmetic3A_172 = arith.shrsi %add3A_165, %shift_right_arithmetic3A_171 : i32
        %and3A_173 = arith.constant 127 : i32
        %and3A_174 = arith.andi %add3A_165, %and3A_173 : i32
        %swap3A_175 = arith.index_cast %shift_right_arithmetic3A_172 : i32 to index
        %swap3A_176 = arith.index_cast %and3A_174 : i32 to index
        %swap3A_177 = tpu.vector_load %arg7[%swap3A_175, %swap3A_176] {strides = array<i32>} : memref<13x128xi32, #tpu.memory_space<vmem>>, vector<16xi32>,
        tpu.vector_store %arg7[%swap3A_175, %swap3A_176], %get3A_170 {strides = array<i32>} : memref<13x128xi32, #tpu.memory_space<vmem>>, vector<16xi32>,
        %while3A_178 = arith.constant 0 : i32
        scf.yield %while3A_178 : i32
      }
      %while3A_156 = arith.constant 1 : i32
      %while3A_157 = scf.for %while3A_161 = %while3A_153 to %while3A_149 step %while3A_156 iter_args(%while3A_162 = %while3A_155) -> (i32)  : i32 {
        %mul3A_163 = arith.constant 16 : i32
        %mul3A_164 = arith.muli %while3A_161, %mul3A_163 : i32
        %add3A_165 = arith.addi %scan3A_128, %mul3A_164 : i32
        %mul3A_166 = arith.constant 16 : i32
        %mul3A_167 = arith.muli %while3A_161, %mul3A_166 : i32
        %get3A_168 = arith.index_cast %scan3A_127 : i32 to index
        %get3A_169 = arith.index_cast %mul3A_167 : i32 to index
        %get3A_170 = tpu.vector_load %arg6[%get3A_168, %get3A_169] {strides = array<i32>} : memref<8x208xi32, #tpu.memory_space<vmem>>, vector<16xi32>,
        %shift_right_arithmetic3A_171 = arith.constant 7 : i32
        %shift_right_arithmetic3A_172 = arith.shrsi %add3A_165, %shift_right_arithmetic3A_171 : i32
        %and3A_173 = arith.constant 127 : i32
        %and3A_174 = arith.andi %add3A_165, %and3A_173 : i32
        %swap3A_175 = arith.index_cast %shift_right_arithmetic3A_172 : i32 to index
        %swap3A_176 = arith.index_cast %and3A_174 : i32 to index
        %swap3A_177 = tpu.vector_load %arg7[%swap3A_175, %swap3A_176] {strides = array<i32>} : memref<13x128xi32, #tpu.memory_space<vmem>>, vector<16xi32>,
        tpu.vector_store %arg7[%swap3A_175, %swap3A_176], %get3A_170 {strides = array<i32>} : memref<13x128xi32, #tpu.memory_space<vmem>>, vector<16xi32>,
        %while3A_178 = arith.constant 0 : i32
        scf.yield %while3A_178 : i32
      }
      %shift_left3A_158 = arith.constant 4 : i32
      %shift_left3A_159 = arith.shli %shift_right_arithmetic3A_145, %shift_left3A_158 : i32
      %add3A_160 = arith.addi %scan3A_128, %shift_left3A_159 : i32
      scf.yield %add3A_160 : i32
    }
    %scan3A_84 = arith.constant 8 : i32
    %add3A_85 = arith.constant 128 : i32
    %add3A_86 = arith.addi %scan3A_83, %add3A_85 : i32
    %sub3A = arith.constant 1 : i32
    %sub3A_87 = arith.subi %add3A_86, %sub3A : i32
    %shift_right_arithmetic3A = arith.constant 7 : i32
    %shift_right_arithmetic3A_88 = arith.shrsi %sub3A_87, %shift_right_arithmetic3A : i32
    %while3A = arith.constant 0 : i32
    %while3A_89 = arith.constant 0 : i32
    %while3A_90 = arith.subi %shift_right_arithmetic3A_88, %while3A : i32
    %while3A_91 = arith.addi %while3A, %while3A_90 : i32
    %while3A_92 = arith.constant 1 : i32
    %while3A_93 = arith.divsi %while3A_90, %while3A_92 : i32
    %while3A_94 = arith.muli %while3A_93, %while3A_92 : i32
    %while3A_95 = arith.addi %while3A, %while3A_94 : i32
    %while3A_96 = arith.constant 1 : i32
    %while3A_97 = scf.for %while3A_127 = %while3A to %while3A_95 step %while3A_96 iter_args(%while3A_128 = %while3A_89) -> (i32)  : i32 {
      %mul3A_129 = arith.constant 128 : i32
      %mul3A_130 = arith.muli %while3A_127, %mul3A_129 : i32
      %dma_start3A = arith.constant 0 : i32
      %dma_start3A_131 = tpu.memref_slice %arg9[%mul3A_130, %dma_start3A] : memref<1664x32xf32, #tpu.memory_space<vmem>> -> memref<128x32xf32, #tpu.memory_space<vmem>>
      %dma_start3A_132 = arith.constant 0 : i32
      %dma_start3A_133 = tpu.memref_slice %arg7[%while3A_127, %dma_start3A_132] : memref<13x128xi32, #tpu.memory_space<vmem>> -> memref<1x128xi32, #tpu.memory_space<vmem>>
      %dma_start3A_134 = tpu.memref_squeeze %dma_start3A_133 : memref<1x128xi32, #tpu.memory_space<vmem>> -> memref<128xi32, #tpu.memory_space<vmem>>
      %dma_start3A_135 = arith.constant 0 : i32
      %dma_start3A_136 = arith.constant 0 : i32
      %dma_start3A_137 = tpu.memref_slice %arg4[%dma_start3A_135, %dma_start3A_136] : memref<1000000x32xf32, #tpu.memory_space<hbm>> -> memref<1000000x32xf32, #tpu.memory_space<hbm>>
      tpu.enqueue_indirect_dma source(%dma_start3A_137 : memref<1000000x32xf32, #tpu.memory_space<hbm>>) target(%dma_start3A_131 : memref<128x32xf32, #tpu.memory_space<vmem>>) offsets(%dma_start3A_134 : memref<128xi32, #tpu.memory_space<vmem>>) semaphore(%arg14 : memref<!tpu.dma_semaphore, #tpu.memory_space<semaphore_mem>>)
      %while3A_138 = arith.constant 0 : i32
      scf.yield %while3A_138 : i32
    }
    %while3A_98 = arith.constant 1 : i32
    %while3A_99 = scf.for %while3A_127 = %while3A_95 to %while3A_91 step %while3A_98 iter_args(%while3A_128 = %while3A_97) -> (i32)  : i32 {
      %mul3A_129 = arith.constant 128 : i32
      %mul3A_130 = arith.muli %while3A_127, %mul3A_129 : i32
      %dma_start3A = arith.constant 0 : i32
      %dma_start3A_131 = tpu.memref_slice %arg9[%mul3A_130, %dma_start3A] : memref<1664x32xf32, #tpu.memory_space<vmem>> -> memref<128x32xf32, #tpu.memory_space<vmem>>
      %dma_start3A_132 = arith.constant 0 : i32
      %dma_start3A_133 = tpu.memref_slice %arg7[%while3A_127, %dma_start3A_132] : memref<13x128xi32, #tpu.memory_space<vmem>> -> memref<1x128xi32, #tpu.memory_space<vmem>>
      %dma_start3A_134 = tpu.memref_squeeze %dma_start3A_133 : memref<1x128xi32, #tpu.memory_space<vmem>> -> memref<128xi32, #tpu.memory_space<vmem>>
      %dma_start3A_135 = arith.constant 0 : i32
      %dma_start3A_136 = arith.constant 0 : i32
      %dma_start3A_137 = tpu.memref_slice %arg4[%dma_start3A_135, %dma_start3A_136] : memref<1000000x32xf32, #tpu.memory_space<hbm>> -> memref<1000000x32xf32, #tpu.memory_space<hbm>>
      tpu.enqueue_indirect_dma source(%dma_start3A_137 : memref<1000000x32xf32, #tpu.memory_space<hbm>>) target(%dma_start3A_131 : memref<128x32xf32, #tpu.memory_space<vmem>>) offsets(%dma_start3A_134 : memref<128xi32, #tpu.memory_space<vmem>>) semaphore(%arg14 : memref<!tpu.dma_semaphore, #tpu.memory_space<semaphore_mem>>)
      %while3A_138 = arith.constant 0 : i32
      scf.yield %while3A_138 : i32
    }
    %scan3A_100 = arith.constant 1 : i32
    %scan3A_101 = arith.constant 63 : i32
    %scan3A_102 = arith.addi %scan3A_100, %scan3A_101 : i32
    %scan3A_103 = arith.constant 1 : i32
    %scan3A_104 = scf.for %scan3A_127 = %scan3A_100 to %scan3A_102 step %scan3A_103 iter_args(%scan3A_128 = %shift_right_arithmetic3A_88) -> (i32)  : i32 {
      %and3A = arith.constant 1 : i32
      %and3A_129 = arith.andi %scan3A_127, %and3A : i32
      %eq3A = arith.constant 1 : i32
      %eq3A_130 = arith.cmpi eq, %and3A_129, %eq3A : i32
      %convert_element_type3A = arith.extui %eq3A_130 : i1 to i32
      %cond3A = arith.constant 0 : i32
      %cond3A_131 = arith.cmpi ne, %convert_element_type3A, %cond3A : i32
      %cond3A_132 = scf.if %cond3A_131 -> (i32) {
        %mul3A_133 = arith.constant 8 : i32
        %mul3A_134 = arith.muli %scan3A_127, %mul3A_133 : i32
        %add3A_135 = arith.addi %mul3A_2, %mul3A_134 : i32
        "tpu.region"() ({
          %run_scoped3A = tpu.sem_alloc : memref<!tpu.dma_semaphore, #tpu.memory_space<semaphore_mem>>
          %dma_start3A = arith.constant 0 : i32
          %dma_start3A_185 = arith.constant 0 : i32
          %dma_start3A_186 = tpu.memref_slice %arg6[%dma_start3A, %dma_start3A_185] : memref<8x208xi32, #tpu.memory_space<vmem>> -> memref<8x200xi32, #tpu.memory_space<vmem>>
          %dma_start3A_187 = arith.constant 0 : i32
          %dma_start3A_188 = tpu.memref_slice %arg2[%add3A_135, %dma_start3A_187] : memref<16384x200xi32, #tpu.memory_space<hbm>> -> memref<8x200xi32, #tpu.memory_space<hbm>>
          %dma_start3A_189 = arith.constant 0 : i32
          %dma_start3A_190 = arith.constant 0 : i32
          %dma_start3A_191 = tpu.memref_slice %arg6[%dma_start3A_189, %dma_start3A_190] : memref<8x208xi32, #tpu.memory_space<vmem>> -> memref<8x200xi32, #tpu.memory_space<vmem>>
          %dma_start3A_192 = arith.constant 0 : i32
          %dma_start3A_193 = tpu.memref_slice %arg2[%add3A_135, %dma_start3A_192] : memref<16384x200xi32, #tpu.memory_space<hbm>> -> memref<8x200xi32, #tpu.memory_space<hbm>>
          tpu.enqueue_dma source(%dma_start3A_193 : memref<8x200xi32, #tpu.memory_space<hbm>>) target(%dma_start3A_191 : memref<8x200xi32, #tpu.memory_space<vmem>>) target_semaphore(%run_scoped3A : memref<!tpu.dma_semaphore, #tpu.memory_space<semaphore_mem>>)
          %dma_wait3A = arith.constant 0 : i32
          %dma_wait3A_194 = arith.constant 0 : i32
          %dma_wait3A_195 = tpu.memref_slice %arg6[%dma_wait3A, %dma_wait3A_194] : memref<8x208xi32, #tpu.memory_space<vmem>> -> memref<8x200xi32, #tpu.memory_space<vmem>>
          %dma_wait3A_196 = arith.constant 0 : i32
          %dma_wait3A_197 = tpu.memref_slice %arg2[%add3A_135, %dma_wait3A_196] : memref<16384x200xi32, #tpu.memory_space<hbm>> -> memref<8x200xi32, #tpu.memory_space<hbm>>
          %dma_wait3A_198 = arith.constant 0 : i32
          %dma_wait3A_199 = arith.constant 0 : i32
          %dma_wait3A_200 = tpu.memref_slice %arg6[%dma_wait3A_198, %dma_wait3A_199] : memref<8x208xi32, #tpu.memory_space<vmem>> -> memref<8x200xi32, #tpu.memory_space<vmem>>
          %dma_wait3A_201 = arith.constant 0 : i32
          %dma_wait3A_202 = tpu.memref_slice %arg2[%add3A_135, %dma_wait3A_201] : memref<16384x200xi32, #tpu.memory_space<hbm>> -> memref<8x200xi32, #tpu.memory_space<hbm>>
          tpu.wait_dma2 semaphore(%run_scoped3A : memref<!tpu.dma_semaphore, #tpu.memory_space<semaphore_mem>>) src(%dma_wait3A_202 : memref<8x200xi32, #tpu.memory_space<hbm>>) dst(%dma_wait3A_200 : memref<8x200xi32, #tpu.memory_space<vmem>>)
          tpu.yield
        }) : () -> ()
        %scan3A_136 = arith.constant 0 : i32
        %scan3A_137 = arith.constant 0 : i32
        %scan3A_138 = arith.constant 8 : i32
        %scan3A_139 = arith.addi %scan3A_137, %scan3A_138 : i32
        %scan3A_140 = arith.constant 1 : i32
        %scan3A_141 = scf.for %scan3A_185 = %scan3A_137 to %scan3A_139 step %scan3A_140 iter_args(%scan3A_186 = %scan3A_136) -> (i32)  : i32 {
          %mul3A_187 = arith.constant 8 : i32
          %mul3A_188 = arith.muli %scan3A_127, %mul3A_187 : i32
          %add3A_189 = arith.addi %mul3A_188, %scan3A_185 : i32
          %shift_right_arithmetic3A_190 = arith.constant 4 : i32
          %shift_right_arithmetic3A_191 = arith.shrsi %add3A_189, %shift_right_arithmetic3A_190 : i32
          %shift_left3A = arith.constant 4 : i32
          %shift_left3A_192 = arith.shli %shift_right_arithmetic3A_191, %shift_left3A : i32
          %and3A_193 = arith.constant 15 : i32
          %and3A_194 = arith.andi %add3A_189, %and3A_193 : i32
          %get3A_195 = arith.index_cast %shift_left3A_192 : i32 to index
          %get3A_196 = tpu.vector_load %arg11[%get3A_195] {strides = array<i32>} : memref<512xi32, #tpu.memory_space<vmem>>, vector<16xi32>,
          %eq3A_197 = vector.broadcast %and3A_194 : i32 to vector<16xi32>
          %eq3A_198 = arith.cmpi eq, %iota3A, %eq3A_197 : vector<16xi32>
          %jit3A = arith.constant 0 : i32
          %broadcast_in_dim3A_199 = vector.broadcast %jit3A : i32 to vector<16xi32>
          %select_n3A = arith.select %eq3A_198, %get3A_196, %broadcast_in_dim3A_199 : vector<16xi1>, vector<16xi32>
          %reduce_sum3A = arith.constant true
          %reduce_sum3A_200 = vector.broadcast %reduce_sum3A : i1 to vector<16xi1>
          %reduce_sum3A_201 = tpu.scan <sum>, %select_n3A masked %reduce_sum3A_200 : vector<16xi32>, vector<16xi1> -> vector<16xi32>
          %reduce_sum3A_202 = vector.extract %reduce_sum3A_201[15] : i32 from vector<16xi32>
          %add3A_203 = arith.constant 15 : i32
          %add3A_204 = arith.addi %reduce_sum3A_202, %add3A_203 : i32
          %shift_right_arithmetic3A_205 = arith.constant 4 : i32
          %shift_right_arithmetic3A_206 = arith.shrsi %add3A_204, %shift_right_arithmetic3A_205 : i32
          %while3A_207 = arith.constant 0 : i32
          %while3A_208 = arith.constant 0 : i32
          %while3A_209 = arith.subi %shift_right_arithmetic3A_206, %while3A_207 : i32
          %while3A_210 = arith.addi %while3A_207, %while3A_209 : i32
          %while3A_211 = arith.constant 1 : i32
          %while3A_212 = arith.divsi %while3A_209, %while3A_211 : i32
          %while3A_213 = arith.muli %while3A_212, %while3A_211 : i32
          %while3A_214 = arith.addi %while3A_207, %while3A_213 : i32
          %while3A_215 = arith.constant 1 : i32
          %while3A_216 = scf.for %while3A_222 = %while3A_207 to %while3A_214 step %while3A_215 iter_args(%while3A_223 = %while3A_208) -> (i32)  : i32 {
            %mul3A_224 = arith.constant 16 : i32
            %mul3A_225 = arith.muli %while3A_222, %mul3A_224 : i32
            %add3A_226 = arith.addi %scan3A_186, %mul3A_225 : i32
            %mul3A_227 = arith.constant 16 : i32
            %mul3A_228 = arith.muli %while3A_222, %mul3A_227 : i32
            %get3A_229 = arith.index_cast %scan3A_185 : i32 to index
            %get3A_230 = arith.index_cast %mul3A_228 : i32 to index
            %get3A_231 = tpu.vector_load %arg6[%get3A_229, %get3A_230] {strides = array<i32>} : memref<8x208xi32, #tpu.memory_space<vmem>>, vector<16xi32>,
            %shift_right_arithmetic3A_232 = arith.constant 7 : i32
            %shift_right_arithmetic3A_233 = arith.shrsi %add3A_226, %shift_right_arithmetic3A_232 : i32
            %and3A_234 = arith.constant 127 : i32
            %and3A_235 = arith.andi %add3A_226, %and3A_234 : i32
            %swap3A_236 = arith.index_cast %shift_right_arithmetic3A_233 : i32 to index
            %swap3A_237 = arith.index_cast %and3A_235 : i32 to index
            %swap3A_238 = tpu.vector_load %arg8[%swap3A_236, %swap3A_237] {strides = array<i32>} : memref<13x128xi32, #tpu.memory_space<vmem>>, vector<16xi32>,
            tpu.vector_store %arg8[%swap3A_236, %swap3A_237], %get3A_231 {strides = array<i32>} : memref<13x128xi32, #tpu.memory_space<vmem>>, vector<16xi32>,
            %while3A_239 = arith.constant 0 : i32
            scf.yield %while3A_239 : i32
          }
          %while3A_217 = arith.constant 1 : i32
          %while3A_218 = scf.for %while3A_222 = %while3A_214 to %while3A_210 step %while3A_217 iter_args(%while3A_223 = %while3A_216) -> (i32)  : i32 {
            %mul3A_224 = arith.constant 16 : i32
            %mul3A_225 = arith.muli %while3A_222, %mul3A_224 : i32
            %add3A_226 = arith.addi %scan3A_186, %mul3A_225 : i32
            %mul3A_227 = arith.constant 16 : i32
            %mul3A_228 = arith.muli %while3A_222, %mul3A_227 : i32
            %get3A_229 = arith.index_cast %scan3A_185 : i32 to index
            %get3A_230 = arith.index_cast %mul3A_228 : i32 to index
            %get3A_231 = tpu.vector_load %arg6[%get3A_229, %get3A_230] {strides = array<i32>} : memref<8x208xi32, #tpu.memory_space<vmem>>, vector<16xi32>,
            %shift_right_arithmetic3A_232 = arith.constant 7 : i32
            %shift_right_arithmetic3A_233 = arith.shrsi %add3A_226, %shift_right_arithmetic3A_232 : i32
            %and3A_234 = arith.constant 127 : i32
            %and3A_235 = arith.andi %add3A_226, %and3A_234 : i32
            %swap3A_236 = arith.index_cast %shift_right_arithmetic3A_233 : i32 to index
            %swap3A_237 = arith.index_cast %and3A_235 : i32 to index
            %swap3A_238 = tpu.vector_load %arg8[%swap3A_236, %swap3A_237] {strides = array<i32>} : memref<13x128xi32, #tpu.memory_space<vmem>>, vector<16xi32>,
            tpu.vector_store %arg8[%swap3A_236, %swap3A_237], %get3A_231 {strides = array<i32>} : memref<13x128xi32, #tpu.memory_space<vmem>>, vector<16xi32>,
            %while3A_239 = arith.constant 0 : i32
            scf.yield %while3A_239 : i32
          }
          %shift_left3A_219 = arith.constant 4 : i32
          %shift_left3A_220 = arith.shli %shift_right_arithmetic3A_206, %shift_left3A_219 : i32
          %add3A_221 = arith.addi %scan3A_186, %shift_left3A_220 : i32
          scf.yield %add3A_221 : i32
        }
        %scan3A_142 = arith.constant 8 : i32
        %add3A_143 = arith.constant 128 : i32
        %add3A_144 = arith.addi %scan3A_141, %add3A_143 : i32
        %sub3A_145 = arith.constant 1 : i32
        %sub3A_146 = arith.subi %add3A_144, %sub3A_145 : i32
        %shift_right_arithmetic3A_147 = arith.constant 7 : i32
        %shift_right_arithmetic3A_148 = arith.shrsi %sub3A_146, %shift_right_arithmetic3A_147 : i32
        %while3A_149 = arith.constant 0 : i32
        %while3A_150 = arith.constant 0 : i32
        %while3A_151 = arith.subi %shift_right_arithmetic3A_148, %while3A_149 : i32
        %while3A_152 = arith.addi %while3A_149, %while3A_151 : i32
        %while3A_153 = arith.constant 1 : i32
        %while3A_154 = arith.divsi %while3A_151, %while3A_153 : i32
        %while3A_155 = arith.muli %while3A_154, %while3A_153 : i32
        %while3A_156 = arith.addi %while3A_149, %while3A_155 : i32
        %while3A_157 = arith.constant 1 : i32
        %while3A_158 = scf.for %while3A_185 = %while3A_149 to %while3A_156 step %while3A_157 iter_args(%while3A_186 = %while3A_150) -> (i32)  : i32 {
          %mul3A_187 = arith.constant 128 : i32
          %mul3A_188 = arith.muli %while3A_185, %mul3A_187 : i32
          %dma_start3A = arith.constant 0 : i32
          %dma_start3A_189 = tpu.memref_slice %arg10[%mul3A_188, %dma_start3A] : memref<1664x32xf32, #tpu.memory_space<vmem>> -> memref<128x32xf32, #tpu.memory_space<vmem>>
          %dma_start3A_190 = arith.constant 0 : i32
          %dma_start3A_191 = tpu.memref_slice %arg8[%while3A_185, %dma_start3A_190] : memref<13x128xi32, #tpu.memory_space<vmem>> -> memref<1x128xi32, #tpu.memory_space<vmem>>
          %dma_start3A_192 = tpu.memref_squeeze %dma_start3A_191 : memref<1x128xi32, #tpu.memory_space<vmem>> -> memref<128xi32, #tpu.memory_space<vmem>>
          %dma_start3A_193 = arith.constant 0 : i32
          %dma_start3A_194 = arith.constant 0 : i32
          %dma_start3A_195 = tpu.memref_slice %arg4[%dma_start3A_193, %dma_start3A_194] : memref<1000000x32xf32, #tpu.memory_space<hbm>> -> memref<1000000x32xf32, #tpu.memory_space<hbm>>
          tpu.enqueue_indirect_dma source(%dma_start3A_195 : memref<1000000x32xf32, #tpu.memory_space<hbm>>) target(%dma_start3A_189 : memref<128x32xf32, #tpu.memory_space<vmem>>) offsets(%dma_start3A_192 : memref<128xi32, #tpu.memory_space<vmem>>) semaphore(%arg15 : memref<!tpu.dma_semaphore, #tpu.memory_space<semaphore_mem>>)
          %while3A_196 = arith.constant 0 : i32
          scf.yield %while3A_196 : i32
        }
        %while3A_159 = arith.constant 1 : i32
        %while3A_160 = scf.for %while3A_185 = %while3A_156 to %while3A_152 step %while3A_159 iter_args(%while3A_186 = %while3A_158) -> (i32)  : i32 {
          %mul3A_187 = arith.constant 128 : i32
          %mul3A_188 = arith.muli %while3A_185, %mul3A_187 : i32
          %dma_start3A = arith.constant 0 : i32
          %dma_start3A_189 = tpu.memref_slice %arg10[%mul3A_188, %dma_start3A] : memref<1664x32xf32, #tpu.memory_space<vmem>> -> memref<128x32xf32, #tpu.memory_space<vmem>>
          %dma_start3A_190 = arith.constant 0 : i32
          %dma_start3A_191 = tpu.memref_slice %arg8[%while3A_185, %dma_start3A_190] : memref<13x128xi32, #tpu.memory_space<vmem>> -> memref<1x128xi32, #tpu.memory_space<vmem>>
          %dma_start3A_192 = tpu.memref_squeeze %dma_start3A_191 : memref<1x128xi32, #tpu.memory_space<vmem>> -> memref<128xi32, #tpu.memory_space<vmem>>
          %dma_start3A_193 = arith.constant 0 : i32
          %dma_start3A_194 = arith.constant 0 : i32
          %dma_start3A_195 = tpu.memref_slice %arg4[%dma_start3A_193, %dma_start3A_194] : memref<1000000x32xf32, #tpu.memory_space<hbm>> -> memref<1000000x32xf32, #tpu.memory_space<hbm>>
          tpu.enqueue_indirect_dma source(%dma_start3A_195 : memref<1000000x32xf32, #tpu.memory_space<hbm>>) target(%dma_start3A_189 : memref<128x32xf32, #tpu.memory_space<vmem>>) offsets(%dma_start3A_192 : memref<128xi32, #tpu.memory_space<vmem>>) semaphore(%arg15 : memref<!tpu.dma_semaphore, #tpu.memory_space<semaphore_mem>>)
          %while3A_196 = arith.constant 0 : i32
          scf.yield %while3A_196 : i32
        }
        %sub3A_161 = arith.constant 1 : i32
        %sub3A_162 = arith.subi %scan3A_127, %sub3A_161 : i32
        %mul3A_163 = arith.constant 8 : i32
        %mul3A_164 = arith.muli %sub3A_162, %mul3A_163 : i32
        %add3A_165 = arith.addi %mul3A_2, %mul3A_164 : i32
        %while3A_166 = arith.constant 0 : i32
        %while3A_167 = arith.constant 0 : i32
        %while3A_168 = arith.subi %scan3A_128, %while3A_166 : i32
        %while3A_169 = arith.addi %while3A_166, %while3A_168 : i32
        %while3A_170 = arith.constant 1 : i32
        %while3A_171 = arith.divsi %while3A_168, %while3A_170 : i32
        %while3A_172 = arith.muli %while3A_171, %while3A_170 : i32
        %while3A_173 = arith.addi %while3A_166, %while3A_172 : i32
        %while3A_174 = arith.constant 1 : i32
        %while3A_175 = scf.for %while3A_185 = %while3A_166 to %while3A_173 step %while3A_174 iter_args(%while3A_186 = %while3A_167) -> (i32)  : i32 {
          %mul3A_187 = arith.constant 128 : i32
          %mul3A_188 = arith.muli %while3A_185, %mul3A_187 : i32
          %dma_wait3A = arith.constant 0 : i32
          %dma_wait3A_189 = tpu.memref_slice %arg9[%mul3A_188, %dma_wait3A] : memref<1664x32xf32, #tpu.memory_space<vmem>> -> memref<128x32xf32, #tpu.memory_space<vmem>>
          %dma_wait3A_190 = arith.constant 0 : i32
          %dma_wait3A_191 = tpu.memref_slice %arg7[%while3A_185, %dma_wait3A_190] : memref<13x128xi32, #tpu.memory_space<vmem>> -> memref<1x128xi32, #tpu.memory_space<vmem>>
          %dma_wait3A_192 = tpu.memref_squeeze %dma_wait3A_191 : memref<1x128xi32, #tpu.memory_space<vmem>> -> memref<128xi32, #tpu.memory_space<vmem>>
          %dma_wait3A_193 = arith.constant 0 : i32
          %dma_wait3A_194 = arith.constant 0 : i32
          %dma_wait3A_195 = tpu.memref_slice %arg4[%dma_wait3A_193, %dma_wait3A_194] : memref<1000000x32xf32, #tpu.memory_space<hbm>> -> memref<1000000x32xf32, #tpu.memory_space<hbm>>
          tpu.wait_indirect_dma semaphore(%arg14 : memref<!tpu.dma_semaphore, #tpu.memory_space<semaphore_mem>>) src(%dma_wait3A_195 : memref<1000000x32xf32, #tpu.memory_space<hbm>>) dst(%dma_wait3A_189 : memref<128x32xf32, #tpu.memory_space<vmem>>)
          %while3A_196 = arith.constant 0 : i32
          scf.yield %while3A_196 : i32
        }
        %while3A_176 = arith.constant 1 : i32
        %while3A_177 = scf.for %while3A_185 = %while3A_173 to %while3A_169 step %while3A_176 iter_args(%while3A_186 = %while3A_175) -> (i32)  : i32 {
          %mul3A_187 = arith.constant 128 : i32
          %mul3A_188 = arith.muli %while3A_185, %mul3A_187 : i32
          %dma_wait3A = arith.constant 0 : i32
          %dma_wait3A_189 = tpu.memref_slice %arg9[%mul3A_188, %dma_wait3A] : memref<1664x32xf32, #tpu.memory_space<vmem>> -> memref<128x32xf32, #tpu.memory_space<vmem>>
          %dma_wait3A_190 = arith.constant 0 : i32
          %dma_wait3A_191 = tpu.memref_slice %arg7[%while3A_185, %dma_wait3A_190] : memref<13x128xi32, #tpu.memory_space<vmem>> -> memref<1x128xi32, #tpu.memory_space<vmem>>
          %dma_wait3A_192 = tpu.memref_squeeze %dma_wait3A_191 : memref<1x128xi32, #tpu.memory_space<vmem>> -> memref<128xi32, #tpu.memory_space<vmem>>
          %dma_wait3A_193 = arith.constant 0 : i32
          %dma_wait3A_194 = arith.constant 0 : i32
          %dma_wait3A_195 = tpu.memref_slice %arg4[%dma_wait3A_193, %dma_wait3A_194] : memref<1000000x32xf32, #tpu.memory_space<hbm>> -> memref<1000000x32xf32, #tpu.memory_space<hbm>>
          tpu.wait_indirect_dma semaphore(%arg14 : memref<!tpu.dma_semaphore, #tpu.memory_space<semaphore_mem>>) src(%dma_wait3A_195 : memref<1000000x32xf32, #tpu.memory_space<hbm>>) dst(%dma_wait3A_189 : memref<128x32xf32, #tpu.memory_space<vmem>>)
          %while3A_196 = arith.constant 0 : i32
          scf.yield %while3A_196 : i32
        }
        %scan3A_178 = arith.constant 0 : i32
        %scan3A_179 = arith.constant 0 : i32
        %scan3A_180 = arith.constant 8 : i32
        %scan3A_181 = arith.addi %scan3A_179, %scan3A_180 : i32
        %scan3A_182 = arith.constant 1 : i32
        %scan3A_183 = scf.for %scan3A_185 = %scan3A_179 to %scan3A_181 step %scan3A_182 iter_args(%scan3A_186 = %scan3A_178) -> (i32)  : i32 {
          %mul3A_187 = arith.constant 8 : i32
          %mul3A_188 = arith.muli %sub3A_162, %mul3A_187 : i32
          %add3A_189 = arith.addi %mul3A_188, %scan3A_185 : i32
          %shift_right_arithmetic3A_190 = arith.constant 4 : i32
          %shift_right_arithmetic3A_191 = arith.shrsi %add3A_189, %shift_right_arithmetic3A_190 : i32
          %shift_left3A = arith.constant 4 : i32
          %shift_left3A_192 = arith.shli %shift_right_arithmetic3A_191, %shift_left3A : i32
          %and3A_193 = arith.constant 15 : i32
          %and3A_194 = arith.andi %add3A_189, %and3A_193 : i32
          %get3A_195 = arith.index_cast %shift_left3A_192 : i32 to index
          %get3A_196 = tpu.vector_load %arg11[%get3A_195] {strides = array<i32>} : memref<512xi32, #tpu.memory_space<vmem>>, vector<16xi32>,
          %eq3A_197 = vector.broadcast %and3A_194 : i32 to vector<16xi32>
          %eq3A_198 = arith.cmpi eq, %iota3A, %eq3A_197 : vector<16xi32>
          %jit3A = arith.constant 0 : i32
          %broadcast_in_dim3A_199 = vector.broadcast %jit3A : i32 to vector<16xi32>
          %select_n3A = arith.select %eq3A_198, %get3A_196, %broadcast_in_dim3A_199 : vector<16xi1>, vector<16xi32>
          %reduce_sum3A = arith.constant true
          %reduce_sum3A_200 = vector.broadcast %reduce_sum3A : i1 to vector<16xi1>
          %reduce_sum3A_201 = tpu.scan <sum>, %select_n3A masked %reduce_sum3A_200 : vector<16xi32>, vector<16xi1> -> vector<16xi32>
          %reduce_sum3A_202 = vector.extract %reduce_sum3A_201[15] : i32 from vector<16xi32>
          %shift_right_arithmetic3A_203 = arith.constant 4 : i32
          %shift_right_arithmetic3A_204 = arith.shrsi %reduce_sum3A_202, %shift_right_arithmetic3A_203 : i32
          %add3A_205 = arith.constant 15 : i32
          %add3A_206 = arith.addi %reduce_sum3A_202, %add3A_205 : i32
          %shift_right_arithmetic3A_207 = arith.constant 4 : i32
          %shift_right_arithmetic3A_208 = arith.shrsi %add3A_206, %shift_right_arithmetic3A_207 : i32
          %broadcast_in_dim3A_209 = arith.constant 0.000000e+00 : f32
          %broadcast_in_dim3A_210 = vector.broadcast %broadcast_in_dim3A_209 : f32 to vector<16xf32>
          %while3A_211 = arith.constant 0 : i32
          %while3A_212 = arith.subi %shift_right_arithmetic3A_204, %while3A_211 : i32
          %while3A_213 = arith.addi %while3A_211, %while3A_212 : i32
          %while3A_214 = arith.constant 1 : i32
          %while3A_215 = arith.divsi %while3A_212, %while3A_214 : i32
          %while3A_216 = arith.muli %while3A_215, %while3A_214 : i32
          %while3A_217 = arith.addi %while3A_211, %while3A_216 : i32
          %while3A_218 = arith.constant 1 : i32
          %while3A_219:4 = scf.for %while3A_273 = %while3A_211 to %while3A_217 step %while3A_218 iter_args(%while3A_274 = %broadcast_in_dim3A_210, %while3A_275 = %broadcast_in_dim3A_210, %while3A_276 = %broadcast_in_dim3A_210, %while3A_277 = %broadcast_in_dim3A_210) -> (vector<16xf32>, vector<16xf32>, vector<16xf32>, vector<16xf32>)  : i32 {
            %mul3A_278 = arith.constant 16 : i32
            %mul3A_279 = arith.muli %while3A_273, %mul3A_278 : i32
            %add3A_280 = arith.addi %scan3A_186, %mul3A_279 : i32
            %add3A_281 = arith.constant 0 : i32
            %add3A_282 = arith.addi %add3A_280, %add3A_281 : i32
            %get3A_283 = arith.index_cast %add3A_282 : i32 to index
            %get3A_284 = arith.constant 0 : index
            %get3A_285 = tpu.vector_load %arg9[%get3A_283, %get3A_284] {strides = array<i32>} : memref<1664x32xf32, #tpu.memory_space<vmem>>, vector<16xf32>,
            %add3A_286 = arith.addf %while3A_274, %get3A_285 : vector<16xf32>
            %add3A_287 = arith.constant 0 : i32
            %add3A_288 = arith.addi %add3A_280, %add3A_287 : i32
            %get3A_289 = arith.index_cast %add3A_288 : i32 to index
            %get3A_290 = arith.constant 16 : index
            %get3A_291 = tpu.vector_load %arg9[%get3A_289, %get3A_290] {strides = array<i32>} : memref<1664x32xf32, #tpu.memory_space<vmem>>, vector<16xf32>,
            %add3A_292 = arith.addf %while3A_275, %get3A_291 : vector<16xf32>
            %add3A_293 = arith.constant 0 : i32
            %add3A_294 = arith.addi %add3A_280, %add3A_293 : i32
            %add3A_295 = arith.constant 1 : i32
            %add3A_296 = arith.addi %add3A_294, %add3A_295 : i32
            %get3A_297 = arith.index_cast %add3A_296 : i32 to index
            %get3A_298 = arith.constant 0 : index
            %get3A_299 = tpu.vector_load %arg9[%get3A_297, %get3A_298] {strides = array<i32>} : memref<1664x32xf32, #tpu.memory_space<vmem>>, vector<16xf32>,
            %add3A_300 = arith.addf %while3A_276, %get3A_299 : vector<16xf32>
            %add3A_301 = arith.constant 0 : i32
            %add3A_302 = arith.addi %add3A_280, %add3A_301 : i32
            %add3A_303 = arith.constant 1 : i32
            %add3A_304 = arith.addi %add3A_302, %add3A_303 : i32
            %get3A_305 = arith.index_cast %add3A_304 : i32 to index
            %get3A_306 = arith.constant 16 : index
            %get3A_307 = tpu.vector_load %arg9[%get3A_305, %get3A_306] {strides = array<i32>} : memref<1664x32xf32, #tpu.memory_space<vmem>>, vector<16xf32>,
            %add3A_308 = arith.addf %while3A_277, %get3A_307 : vector<16xf32>
            %add3A_309 = arith.constant 2 : i32
            %add3A_310 = arith.addi %add3A_280, %add3A_309 : i32
            %get3A_311 = arith.index_cast %add3A_310 : i32 to index
            %get3A_312 = arith.constant 0 : index
            %get3A_313 = tpu.vector_load %arg9[%get3A_311, %get3A_312] {strides = array<i32>} : memref<1664x32xf32, #tpu.memory_space<vmem>>, vector<16xf32>,
            %add3A_314 = arith.addf %add3A_286, %get3A_313 : vector<16xf32>
            %add3A_315 = arith.constant 2 : i32
            %add3A_316 = arith.addi %add3A_280, %add3A_315 : i32
            %get3A_317 = arith.index_cast %add3A_316 : i32 to index
            %get3A_318 = arith.constant 16 : index
            %get3A_319 = tpu.vector_load %arg9[%get3A_317, %get3A_318] {strides = array<i32>} : memref<1664x32xf32, #tpu.memory_space<vmem>>, vector<16xf32>,
            %add3A_320 = arith.addf %add3A_292, %get3A_319 : vector<16xf32>
            %add3A_321 = arith.constant 2 : i32
            %add3A_322 = arith.addi %add3A_280, %add3A_321 : i32
            %add3A_323 = arith.constant 1 : i32
            %add3A_324 = arith.addi %add3A_322, %add3A_323 : i32
            %get3A_325 = arith.index_cast %add3A_324 : i32 to index
            %get3A_326 = arith.constant 0 : index
            %get3A_327 = tpu.vector_load %arg9[%get3A_325, %get3A_326] {strides = array<i32>} : memref<1664x32xf32, #tpu.memory_space<vmem>>, vector<16xf32>,
            %add3A_328 = arith.addf %add3A_300, %get3A_327 : vector<16xf32>
            %add3A_329 = arith.constant 2 : i32
            %add3A_330 = arith.addi %add3A_280, %add3A_329 : i32
            %add3A_331 = arith.constant 1 : i32
            %add3A_332 = arith.addi %add3A_330, %add3A_331 : i32
            %get3A_333 = arith.index_cast %add3A_332 : i32 to index
            %get3A_334 = arith.constant 16 : index
            %get3A_335 = tpu.vector_load %arg9[%get3A_333, %get3A_334] {strides = array<i32>} : memref<1664x32xf32, #tpu.memory_space<vmem>>, vector<16xf32>,
            %add3A_336 = arith.addf %add3A_308, %get3A_335 : vector<16xf32>
            %add3A_337 = arith.constant 4 : i32
            %add3A_338 = arith.addi %add3A_280, %add3A_337 : i32
            %get3A_339 = arith.index_cast %add3A_338 : i32 to index
            %get3A_340 = arith.constant 0 : index
            %get3A_341 = tpu.vector_load %arg9[%get3A_339, %get3A_340] {strides = array<i32>} : memref<1664x32xf32, #tpu.memory_space<vmem>>, vector<16xf32>,
            %add3A_342 = arith.addf %add3A_314, %get3A_341 : vector<16xf32>
            %add3A_343 = arith.constant 4 : i32
            %add3A_344 = arith.addi %add3A_280, %add3A_343 : i32
            %get3A_345 = arith.index_cast %add3A_344 : i32 to index
            %get3A_346 = arith.constant 16 : index
            %get3A_347 = tpu.vector_load %arg9[%get3A_345, %get3A_346] {strides = array<i32>} : memref<1664x32xf32, #tpu.memory_space<vmem>>, vector<16xf32>,
            %add3A_348 = arith.addf %add3A_320, %get3A_347 : vector<16xf32>
            %add3A_349 = arith.constant 4 : i32
            %add3A_350 = arith.addi %add3A_280, %add3A_349 : i32
            %add3A_351 = arith.constant 1 : i32
            %add3A_352 = arith.addi %add3A_350, %add3A_351 : i32
            %get3A_353 = arith.index_cast %add3A_352 : i32 to index
            %get3A_354 = arith.constant 0 : index
            %get3A_355 = tpu.vector_load %arg9[%get3A_353, %get3A_354] {strides = array<i32>} : memref<1664x32xf32, #tpu.memory_space<vmem>>, vector<16xf32>,
            %add3A_356 = arith.addf %add3A_328, %get3A_355 : vector<16xf32>
            %add3A_357 = arith.constant 4 : i32
            %add3A_358 = arith.addi %add3A_280, %add3A_357 : i32
            %add3A_359 = arith.constant 1 : i32
            %add3A_360 = arith.addi %add3A_358, %add3A_359 : i32
            %get3A_361 = arith.index_cast %add3A_360 : i32 to index
            %get3A_362 = arith.constant 16 : index
            %get3A_363 = tpu.vector_load %arg9[%get3A_361, %get3A_362] {strides = array<i32>} : memref<1664x32xf32, #tpu.memory_space<vmem>>, vector<16xf32>,
            %add3A_364 = arith.addf %add3A_336, %get3A_363 : vector<16xf32>
            %add3A_365 = arith.constant 6 : i32
            %add3A_366 = arith.addi %add3A_280, %add3A_365 : i32
            %get3A_367 = arith.index_cast %add3A_366 : i32 to index
            %get3A_368 = arith.constant 0 : index
            %get3A_369 = tpu.vector_load %arg9[%get3A_367, %get3A_368] {strides = array<i32>} : memref<1664x32xf32, #tpu.memory_space<vmem>>, vector<16xf32>,
            %add3A_370 = arith.addf %add3A_342, %get3A_369 : vector<16xf32>
            %add3A_371 = arith.constant 6 : i32
            %add3A_372 = arith.addi %add3A_280, %add3A_371 : i32
            %get3A_373 = arith.index_cast %add3A_372 : i32 to index
            %get3A_374 = arith.constant 16 : index
            %get3A_375 = tpu.vector_load %arg9[%get3A_373, %get3A_374] {strides = array<i32>} : memref<1664x32xf32, #tpu.memory_space<vmem>>, vector<16xf32>,
            %add3A_376 = arith.addf %add3A_348, %get3A_375 : vector<16xf32>
            %add3A_377 = arith.constant 6 : i32
            %add3A_378 = arith.addi %add3A_280, %add3A_377 : i32
            %add3A_379 = arith.constant 1 : i32
            %add3A_380 = arith.addi %add3A_378, %add3A_379 : i32
            %get3A_381 = arith.index_cast %add3A_380 : i32 to index
            %get3A_382 = arith.constant 0 : index
            %get3A_383 = tpu.vector_load %arg9[%get3A_381, %get3A_382] {strides = array<i32>} : memref<1664x32xf32, #tpu.memory_space<vmem>>, vector<16xf32>,
            %add3A_384 = arith.addf %add3A_356, %get3A_383 : vector<16xf32>
            %add3A_385 = arith.constant 6 : i32
            %add3A_386 = arith.addi %add3A_280, %add3A_385 : i32
            %add3A_387 = arith.constant 1 : i32
            %add3A_388 = arith.addi %add3A_386, %add3A_387 : i32
            %get3A_389 = arith.index_cast %add3A_388 : i32 to index
            %get3A_390 = arith.constant 16 : index
            %get3A_391 = tpu.vector_load %arg9[%get3A_389, %get3A_390] {strides = array<i32>} : memref<1664x32xf32, #tpu.memory_space<vmem>>, vector<16xf32>,
            %add3A_392 = arith.addf %add3A_364, %get3A_391 : vector<16xf32>
            %add3A_393 = arith.constant 8 : i32
            %add3A_394 = arith.addi %add3A_280, %add3A_393 : i32
            %get3A_395 = arith.index_cast %add3A_394 : i32 to index
            %get3A_396 = arith.constant 0 : index
            %get3A_397 = tpu.vector_load %arg9[%get3A_395, %get3A_396] {strides = array<i32>} : memref<1664x32xf32, #tpu.memory_space<vmem>>, vector<16xf32>,
            %add3A_398 = arith.addf %add3A_370, %get3A_397 : vector<16xf32>
            %add3A_399 = arith.constant 8 : i32
            %add3A_400 = arith.addi %add3A_280, %add3A_399 : i32
            %get3A_401 = arith.index_cast %add3A_400 : i32 to index
            %get3A_402 = arith.constant 16 : index
            %get3A_403 = tpu.vector_load %arg9[%get3A_401, %get3A_402] {strides = array<i32>} : memref<1664x32xf32, #tpu.memory_space<vmem>>, vector<16xf32>,
            %add3A_404 = arith.addf %add3A_376, %get3A_403 : vector<16xf32>
            %add3A_405 = arith.constant 8 : i32
            %add3A_406 = arith.addi %add3A_280, %add3A_405 : i32
            %add3A_407 = arith.constant 1 : i32
            %add3A_408 = arith.addi %add3A_406, %add3A_407 : i32
            %get3A_409 = arith.index_cast %add3A_408 : i32 to index
            %get3A_410 = arith.constant 0 : index
            %get3A_411 = tpu.vector_load %arg9[%get3A_409, %get3A_410] {strides = array<i32>} : memref<1664x32xf32, #tpu.memory_space<vmem>>, vector<16xf32>,
            %add3A_412 = arith.addf %add3A_384, %get3A_411 : vector<16xf32>
            %add3A_413 = arith.constant 8 : i32
            %add3A_414 = arith.addi %add3A_280, %add3A_413 : i32
            %add3A_415 = arith.constant 1 : i32
            %add3A_416 = arith.addi %add3A_414, %add3A_415 : i32
            %get3A_417 = arith.index_cast %add3A_416 : i32 to index
            %get3A_418 = arith.constant 16 : index
            %get3A_419 = tpu.vector_load %arg9[%get3A_417, %get3A_418] {strides = array<i32>} : memref<1664x32xf32, #tpu.memory_space<vmem>>, vector<16xf32>,
            %add3A_420 = arith.addf %add3A_392, %get3A_419 : vector<16xf32>
            %add3A_421 = arith.constant 10 : i32
            %add3A_422 = arith.addi %add3A_280, %add3A_421 : i32
            %get3A_423 = arith.index_cast %add3A_422 : i32 to index
            %get3A_424 = arith.constant 0 : index
            %get3A_425 = tpu.vector_load %arg9[%get3A_423, %get3A_424] {strides = array<i32>} : memref<1664x32xf32, #tpu.memory_space<vmem>>, vector<16xf32>,
            %add3A_426 = arith.addf %add3A_398, %get3A_425 : vector<16xf32>
            %add3A_427 = arith.constant 10 : i32
            %add3A_428 = arith.addi %add3A_280, %add3A_427 : i32
            %get3A_429 = arith.index_cast %add3A_428 : i32 to index
            %get3A_430 = arith.constant 16 : index
            %get3A_431 = tpu.vector_load %arg9[%get3A_429, %get3A_430] {strides = array<i32>} : memref<1664x32xf32, #tpu.memory_space<vmem>>, vector<16xf32>,
            %add3A_432 = arith.addf %add3A_404, %get3A_431 : vector<16xf32>
            %add3A_433 = arith.constant 10 : i32
            %add3A_434 = arith.addi %add3A_280, %add3A_433 : i32
            %add3A_435 = arith.constant 1 : i32
            %add3A_436 = arith.addi %add3A_434, %add3A_435 : i32
            %get3A_437 = arith.index_cast %add3A_436 : i32 to index
            %get3A_438 = arith.constant 0 : index
            %get3A_439 = tpu.vector_load %arg9[%get3A_437, %get3A_438] {strides = array<i32>} : memref<1664x32xf32, #tpu.memory_space<vmem>>, vector<16xf32>,
            %add3A_440 = arith.addf %add3A_412, %get3A_439 : vector<16xf32>
            %add3A_441 = arith.constant 10 : i32
            %add3A_442 = arith.addi %add3A_280, %add3A_441 : i32
            %add3A_443 = arith.constant 1 : i32
            %add3A_444 = arith.addi %add3A_442, %add3A_443 : i32
            %get3A_445 = arith.index_cast %add3A_444 : i32 to index
            %get3A_446 = arith.constant 16 : index
            %get3A_447 = tpu.vector_load %arg9[%get3A_445, %get3A_446] {strides = array<i32>} : memref<1664x32xf32, #tpu.memory_space<vmem>>, vector<16xf32>,
            %add3A_448 = arith.addf %add3A_420, %get3A_447 : vector<16xf32>
            %add3A_449 = arith.constant 12 : i32
            %add3A_450 = arith.addi %add3A_280, %add3A_449 : i32
            %get3A_451 = arith.index_cast %add3A_450 : i32 to index
            %get3A_452 = arith.constant 0 : index
            %get3A_453 = tpu.vector_load %arg9[%get3A_451, %get3A_452] {strides = array<i32>} : memref<1664x32xf32, #tpu.memory_space<vmem>>, vector<16xf32>,
            %add3A_454 = arith.addf %add3A_426, %get3A_453 : vector<16xf32>
            %add3A_455 = arith.constant 12 : i32
            %add3A_456 = arith.addi %add3A_280, %add3A_455 : i32
            %get3A_457 = arith.index_cast %add3A_456 : i32 to index
            %get3A_458 = arith.constant 16 : index
            %get3A_459 = tpu.vector_load %arg9[%get3A_457, %get3A_458] {strides = array<i32>} : memref<1664x32xf32, #tpu.memory_space<vmem>>, vector<16xf32>,
            %add3A_460 = arith.addf %add3A_432, %get3A_459 : vector<16xf32>
            %add3A_461 = arith.constant 12 : i32
            %add3A_462 = arith.addi %add3A_280, %add3A_461 : i32
            %add3A_463 = arith.constant 1 : i32
            %add3A_464 = arith.addi %add3A_462, %add3A_463 : i32
            %get3A_465 = arith.index_cast %add3A_464 : i32 to index
            %get3A_466 = arith.constant 0 : index
            %get3A_467 = tpu.vector_load %arg9[%get3A_465, %get3A_466] {strides = array<i32>} : memref<1664x32xf32, #tpu.memory_space<vmem>>, vector<16xf32>,
            %add3A_468 = arith.addf %add3A_440, %get3A_467 : vector<16xf32>
            %add3A_469 = arith.constant 12 : i32
            %add3A_470 = arith.addi %add3A_280, %add3A_469 : i32
            %add3A_471 = arith.constant 1 : i32
            %add3A_472 = arith.addi %add3A_470, %add3A_471 : i32
            %get3A_473 = arith.index_cast %add3A_472 : i32 to index
            %get3A_474 = arith.constant 16 : index
            %get3A_475 = tpu.vector_load %arg9[%get3A_473, %get3A_474] {strides = array<i32>} : memref<1664x32xf32, #tpu.memory_space<vmem>>, vector<16xf32>,
            %add3A_476 = arith.addf %add3A_448, %get3A_475 : vector<16xf32>
            %add3A_477 = arith.constant 14 : i32
            %add3A_478 = arith.addi %add3A_280, %add3A_477 : i32
            %get3A_479 = arith.index_cast %add3A_478 : i32 to index
            %get3A_480 = arith.constant 0 : index
            %get3A_481 = tpu.vector_load %arg9[%get3A_479, %get3A_480] {strides = array<i32>} : memref<1664x32xf32, #tpu.memory_space<vmem>>, vector<16xf32>,
            %add3A_482 = arith.addf %add3A_454, %get3A_481 : vector<16xf32>
            %add3A_483 = arith.constant 14 : i32
            %add3A_484 = arith.addi %add3A_280, %add3A_483 : i32
            %get3A_485 = arith.index_cast %add3A_484 : i32 to index
            %get3A_486 = arith.constant 16 : index
            %get3A_487 = tpu.vector_load %arg9[%get3A_485, %get3A_486] {strides = array<i32>} : memref<1664x32xf32, #tpu.memory_space<vmem>>, vector<16xf32>,
            %add3A_488 = arith.addf %add3A_460, %get3A_487 : vector<16xf32>
            %add3A_489 = arith.constant 14 : i32
            %add3A_490 = arith.addi %add3A_280, %add3A_489 : i32
            %add3A_491 = arith.constant 1 : i32
            %add3A_492 = arith.addi %add3A_490, %add3A_491 : i32
            %get3A_493 = arith.index_cast %add3A_492 : i32 to index
            %get3A_494 = arith.constant 0 : index
            %get3A_495 = tpu.vector_load %arg9[%get3A_493, %get3A_494] {strides = array<i32>} : memref<1664x32xf32, #tpu.memory_space<vmem>>, vector<16xf32>,
            %add3A_496 = arith.addf %add3A_468, %get3A_495 : vector<16xf32>
            %add3A_497 = arith.constant 14 : i32
            %add3A_498 = arith.addi %add3A_280, %add3A_497 : i32
            %add3A_499 = arith.constant 1 : i32
            %add3A_500 = arith.addi %add3A_498, %add3A_499 : i32
            %get3A_501 = arith.index_cast %add3A_500 : i32 to index
            %get3A_502 = arith.constant 16 : index
            %get3A_503 = tpu.vector_load %arg9[%get3A_501, %get3A_502] {strides = array<i32>} : memref<1664x32xf32, #tpu.memory_space<vmem>>, vector<16xf32>,
            %add3A_504 = arith.addf %add3A_476, %get3A_503 : vector<16xf32>
            scf.yield %add3A_482, %add3A_488, %add3A_496, %add3A_504 : vector<16xf32>, vector<16xf32>, vector<16xf32>, vector<16xf32>
          }
          %while3A_220 = arith.constant 1 : i32
          %while3A_221:4 = scf.for %while3A_273 = %while3A_217 to %while3A_213 step %while3A_220 iter_args(%while3A_274 = %while3A_219#0, %while3A_275 = %while3A_219#1, %while3A_276 = %while3A_219#2, %while3A_277 = %while3A_219#3) -> (vector<16xf32>, vector<16xf32>, vector<16xf32>, vector<16xf32>)  : i32 {
            %mul3A_278 = arith.constant 16 : i32
            %mul3A_279 = arith.muli %while3A_273, %mul3A_278 : i32
            %add3A_280 = arith.addi %scan3A_186, %mul3A_279 : i32
            %add3A_281 = arith.constant 0 : i32
            %add3A_282 = arith.addi %add3A_280, %add3A_281 : i32
            %get3A_283 = arith.index_cast %add3A_282 : i32 to index
            %get3A_284 = arith.constant 0 : index
            %get3A_285 = tpu.vector_load %arg9[%get3A_283, %get3A_284] {strides = array<i32>} : memref<1664x32xf32, #tpu.memory_space<vmem>>, vector<16xf32>,
            %add3A_286 = arith.addf %while3A_274, %get3A_285 : vector<16xf32>
            %add3A_287 = arith.constant 0 : i32
            %add3A_288 = arith.addi %add3A_280, %add3A_287 : i32
            %get3A_289 = arith.index_cast %add3A_288 : i32 to index
            %get3A_290 = arith.constant 16 : index
            %get3A_291 = tpu.vector_load %arg9[%get3A_289, %get3A_290] {strides = array<i32>} : memref<1664x32xf32, #tpu.memory_space<vmem>>, vector<16xf32>,
            %add3A_292 = arith.addf %while3A_275, %get3A_291 : vector<16xf32>
            %add3A_293 = arith.constant 0 : i32
            %add3A_294 = arith.addi %add3A_280, %add3A_293 : i32
            %add3A_295 = arith.constant 1 : i32
            %add3A_296 = arith.addi %add3A_294, %add3A_295 : i32
            %get3A_297 = arith.index_cast %add3A_296 : i32 to index
            %get3A_298 = arith.constant 0 : index
            %get3A_299 = tpu.vector_load %arg9[%get3A_297, %get3A_298] {strides = array<i32>} : memref<1664x32xf32, #tpu.memory_space<vmem>>, vector<16xf32>,
            %add3A_300 = arith.addf %while3A_276, %get3A_299 : vector<16xf32>
            %add3A_301 = arith.constant 0 : i32
            %add3A_302 = arith.addi %add3A_280, %add3A_301 : i32
            %add3A_303 = arith.constant 1 : i32
            %add3A_304 = arith.addi %add3A_302, %add3A_303 : i32
            %get3A_305 = arith.index_cast %add3A_304 : i32 to index
            %get3A_306 = arith.constant 16 : index
            %get3A_307 = tpu.vector_load %arg9[%get3A_305, %get3A_306] {strides = array<i32>} : memref<1664x32xf32, #tpu.memory_space<vmem>>, vector<16xf32>,
            %add3A_308 = arith.addf %while3A_277, %get3A_307 : vector<16xf32>
            %add3A_309 = arith.constant 2 : i32
            %add3A_310 = arith.addi %add3A_280, %add3A_309 : i32
            %get3A_311 = arith.index_cast %add3A_310 : i32 to index
            %get3A_312 = arith.constant 0 : index
            %get3A_313 = tpu.vector_load %arg9[%get3A_311, %get3A_312] {strides = array<i32>} : memref<1664x32xf32, #tpu.memory_space<vmem>>, vector<16xf32>,
            %add3A_314 = arith.addf %add3A_286, %get3A_313 : vector<16xf32>
            %add3A_315 = arith.constant 2 : i32
            %add3A_316 = arith.addi %add3A_280, %add3A_315 : i32
            %get3A_317 = arith.index_cast %add3A_316 : i32 to index
            %get3A_318 = arith.constant 16 : index
            %get3A_319 = tpu.vector_load %arg9[%get3A_317, %get3A_318] {strides = array<i32>} : memref<1664x32xf32, #tpu.memory_space<vmem>>, vector<16xf32>,
            %add3A_320 = arith.addf %add3A_292, %get3A_319 : vector<16xf32>
            %add3A_321 = arith.constant 2 : i32
            %add3A_322 = arith.addi %add3A_280, %add3A_321 : i32
            %add3A_323 = arith.constant 1 : i32
            %add3A_324 = arith.addi %add3A_322, %add3A_323 : i32
            %get3A_325 = arith.index_cast %add3A_324 : i32 to index
            %get3A_326 = arith.constant 0 : index
            %get3A_327 = tpu.vector_load %arg9[%get3A_325, %get3A_326] {strides = array<i32>} : memref<1664x32xf32, #tpu.memory_space<vmem>>, vector<16xf32>,
            %add3A_328 = arith.addf %add3A_300, %get3A_327 : vector<16xf32>
            %add3A_329 = arith.constant 2 : i32
            %add3A_330 = arith.addi %add3A_280, %add3A_329 : i32
            %add3A_331 = arith.constant 1 : i32
            %add3A_332 = arith.addi %add3A_330, %add3A_331 : i32
            %get3A_333 = arith.index_cast %add3A_332 : i32 to index
            %get3A_334 = arith.constant 16 : index
            %get3A_335 = tpu.vector_load %arg9[%get3A_333, %get3A_334] {strides = array<i32>} : memref<1664x32xf32, #tpu.memory_space<vmem>>, vector<16xf32>,
            %add3A_336 = arith.addf %add3A_308, %get3A_335 : vector<16xf32>
            %add3A_337 = arith.constant 4 : i32
            %add3A_338 = arith.addi %add3A_280, %add3A_337 : i32
            %get3A_339 = arith.index_cast %add3A_338 : i32 to index
            %get3A_340 = arith.constant 0 : index
            %get3A_341 = tpu.vector_load %arg9[%get3A_339, %get3A_340] {strides = array<i32>} : memref<1664x32xf32, #tpu.memory_space<vmem>>, vector<16xf32>,
            %add3A_342 = arith.addf %add3A_314, %get3A_341 : vector<16xf32>
            %add3A_343 = arith.constant 4 : i32
            %add3A_344 = arith.addi %add3A_280, %add3A_343 : i32
            %get3A_345 = arith.index_cast %add3A_344 : i32 to index
            %get3A_346 = arith.constant 16 : index
            %get3A_347 = tpu.vector_load %arg9[%get3A_345, %get3A_346] {strides = array<i32>} : memref<1664x32xf32, #tpu.memory_space<vmem>>, vector<16xf32>,
            %add3A_348 = arith.addf %add3A_320, %get3A_347 : vector<16xf32>
            %add3A_349 = arith.constant 4 : i32
            %add3A_350 = arith.addi %add3A_280, %add3A_349 : i32
            %add3A_351 = arith.constant 1 : i32
            %add3A_352 = arith.addi %add3A_350, %add3A_351 : i32
            %get3A_353 = arith.index_cast %add3A_352 : i32 to index
            %get3A_354 = arith.constant 0 : index
            %get3A_355 = tpu.vector_load %arg9[%get3A_353, %get3A_354] {strides = array<i32>} : memref<1664x32xf32, #tpu.memory_space<vmem>>, vector<16xf32>,
            %add3A_356 = arith.addf %add3A_328, %get3A_355 : vector<16xf32>
            %add3A_357 = arith.constant 4 : i32
            %add3A_358 = arith.addi %add3A_280, %add3A_357 : i32
            %add3A_359 = arith.constant 1 : i32
            %add3A_360 = arith.addi %add3A_358, %add3A_359 : i32
            %get3A_361 = arith.index_cast %add3A_360 : i32 to index
            %get3A_362 = arith.constant 16 : index
            %get3A_363 = tpu.vector_load %arg9[%get3A_361, %get3A_362] {strides = array<i32>} : memref<1664x32xf32, #tpu.memory_space<vmem>>, vector<16xf32>,
            %add3A_364 = arith.addf %add3A_336, %get3A_363 : vector<16xf32>
            %add3A_365 = arith.constant 6 : i32
            %add3A_366 = arith.addi %add3A_280, %add3A_365 : i32
            %get3A_367 = arith.index_cast %add3A_366 : i32 to index
            %get3A_368 = arith.constant 0 : index
            %get3A_369 = tpu.vector_load %arg9[%get3A_367, %get3A_368] {strides = array<i32>} : memref<1664x32xf32, #tpu.memory_space<vmem>>, vector<16xf32>,
            %add3A_370 = arith.addf %add3A_342, %get3A_369 : vector<16xf32>
            %add3A_371 = arith.constant 6 : i32
            %add3A_372 = arith.addi %add3A_280, %add3A_371 : i32
            %get3A_373 = arith.index_cast %add3A_372 : i32 to index
            %get3A_374 = arith.constant 16 : index
            %get3A_375 = tpu.vector_load %arg9[%get3A_373, %get3A_374] {strides = array<i32>} : memref<1664x32xf32, #tpu.memory_space<vmem>>, vector<16xf32>,
            %add3A_376 = arith.addf %add3A_348, %get3A_375 : vector<16xf32>
            %add3A_377 = arith.constant 6 : i32
            %add3A_378 = arith.addi %add3A_280, %add3A_377 : i32
            %add3A_379 = arith.constant 1 : i32
            %add3A_380 = arith.addi %add3A_378, %add3A_379 : i32
            %get3A_381 = arith.index_cast %add3A_380 : i32 to index
            %get3A_382 = arith.constant 0 : index
            %get3A_383 = tpu.vector_load %arg9[%get3A_381, %get3A_382] {strides = array<i32>} : memref<1664x32xf32, #tpu.memory_space<vmem>>, vector<16xf32>,
            %add3A_384 = arith.addf %add3A_356, %get3A_383 : vector<16xf32>
            %add3A_385 = arith.constant 6 : i32
            %add3A_386 = arith.addi %add3A_280, %add3A_385 : i32
            %add3A_387 = arith.constant 1 : i32
            %add3A_388 = arith.addi %add3A_386, %add3A_387 : i32
            %get3A_389 = arith.index_cast %add3A_388 : i32 to index
            %get3A_390 = arith.constant 16 : index
            %get3A_391 = tpu.vector_load %arg9[%get3A_389, %get3A_390] {strides = array<i32>} : memref<1664x32xf32, #tpu.memory_space<vmem>>, vector<16xf32>,
            %add3A_392 = arith.addf %add3A_364, %get3A_391 : vector<16xf32>
            %add3A_393 = arith.constant 8 : i32
            %add3A_394 = arith.addi %add3A_280, %add3A_393 : i32
            %get3A_395 = arith.index_cast %add3A_394 : i32 to index
            %get3A_396 = arith.constant 0 : index
            %get3A_397 = tpu.vector_load %arg9[%get3A_395, %get3A_396] {strides = array<i32>} : memref<1664x32xf32, #tpu.memory_space<vmem>>, vector<16xf32>,
            %add3A_398 = arith.addf %add3A_370, %get3A_397 : vector<16xf32>
            %add3A_399 = arith.constant 8 : i32
            %add3A_400 = arith.addi %add3A_280, %add3A_399 : i32
            %get3A_401 = arith.index_cast %add3A_400 : i32 to index
            %get3A_402 = arith.constant 16 : index
            %get3A_403 = tpu.vector_load %arg9[%get3A_401, %get3A_402] {strides = array<i32>} : memref<1664x32xf32, #tpu.memory_space<vmem>>, vector<16xf32>,
            %add3A_404 = arith.addf %add3A_376, %get3A_403 : vector<16xf32>
            %add3A_405 = arith.constant 8 : i32
            %add3A_406 = arith.addi %add3A_280, %add3A_405 : i32
            %add3A_407 = arith.constant 1 : i32
            %add3A_408 = arith.addi %add3A_406, %add3A_407 : i32
            %get3A_409 = arith.index_cast %add3A_408 : i32 to index
            %get3A_410 = arith.constant 0 : index
            %get3A_411 = tpu.vector_load %arg9[%get3A_409, %get3A_410] {strides = array<i32>} : memref<1664x32xf32, #tpu.memory_space<vmem>>, vector<16xf32>,
            %add3A_412 = arith.addf %add3A_384, %get3A_411 : vector<16xf32>
            %add3A_413 = arith.constant 8 : i32
            %add3A_414 = arith.addi %add3A_280, %add3A_413 : i32
            %add3A_415 = arith.constant 1 : i32
            %add3A_416 = arith.addi %add3A_414, %add3A_415 : i32
            %get3A_417 = arith.index_cast %add3A_416 : i32 to index
            %get3A_418 = arith.constant 16 : index
            %get3A_419 = tpu.vector_load %arg9[%get3A_417, %get3A_418] {strides = array<i32>} : memref<1664x32xf32, #tpu.memory_space<vmem>>, vector<16xf32>,
            %add3A_420 = arith.addf %add3A_392, %get3A_419 : vector<16xf32>
            %add3A_421 = arith.constant 10 : i32
            %add3A_422 = arith.addi %add3A_280, %add3A_421 : i32
            %get3A_423 = arith.index_cast %add3A_422 : i32 to index
            %get3A_424 = arith.constant 0 : index
            %get3A_425 = tpu.vector_load %arg9[%get3A_423, %get3A_424] {strides = array<i32>} : memref<1664x32xf32, #tpu.memory_space<vmem>>, vector<16xf32>,
            %add3A_426 = arith.addf %add3A_398, %get3A_425 : vector<16xf32>
            %add3A_427 = arith.constant 10 : i32
            %add3A_428 = arith.addi %add3A_280, %add3A_427 : i32
            %get3A_429 = arith.index_cast %add3A_428 : i32 to index
            %get3A_430 = arith.constant 16 : index
            %get3A_431 = tpu.vector_load %arg9[%get3A_429, %get3A_430] {strides = array<i32>} : memref<1664x32xf32, #tpu.memory_space<vmem>>, vector<16xf32>,
            %add3A_432 = arith.addf %add3A_404, %get3A_431 : vector<16xf32>
            %add3A_433 = arith.constant 10 : i32
            %add3A_434 = arith.addi %add3A_280, %add3A_433 : i32
            %add3A_435 = arith.constant 1 : i32
            %add3A_436 = arith.addi %add3A_434, %add3A_435 : i32
            %get3A_437 = arith.index_cast %add3A_436 : i32 to index
            %get3A_438 = arith.constant 0 : index
            %get3A_439 = tpu.vector_load %arg9[%get3A_437, %get3A_438] {strides = array<i32>} : memref<1664x32xf32, #tpu.memory_space<vmem>>, vector<16xf32>,
            %add3A_440 = arith.addf %add3A_412, %get3A_439 : vector<16xf32>
            %add3A_441 = arith.constant 10 : i32
            %add3A_442 = arith.addi %add3A_280, %add3A_441 : i32
            %add3A_443 = arith.constant 1 : i32
            %add3A_444 = arith.addi %add3A_442, %add3A_443 : i32
            %get3A_445 = arith.index_cast %add3A_444 : i32 to index
            %get3A_446 = arith.constant 16 : index
            %get3A_447 = tpu.vector_load %arg9[%get3A_445, %get3A_446] {strides = array<i32>} : memref<1664x32xf32, #tpu.memory_space<vmem>>, vector<16xf32>,
            %add3A_448 = arith.addf %add3A_420, %get3A_447 : vector<16xf32>
            %add3A_449 = arith.constant 12 : i32
            %add3A_450 = arith.addi %add3A_280, %add3A_449 : i32
            %get3A_451 = arith.index_cast %add3A_450 : i32 to index
            %get3A_452 = arith.constant 0 : index
            %get3A_453 = tpu.vector_load %arg9[%get3A_451, %get3A_452] {strides = array<i32>} : memref<1664x32xf32, #tpu.memory_space<vmem>>, vector<16xf32>,
            %add3A_454 = arith.addf %add3A_426, %get3A_453 : vector<16xf32>
            %add3A_455 = arith.constant 12 : i32
            %add3A_456 = arith.addi %add3A_280, %add3A_455 : i32
            %get3A_457 = arith.index_cast %add3A_456 : i32 to index
            %get3A_458 = arith.constant 16 : index
            %get3A_459 = tpu.vector_load %arg9[%get3A_457, %get3A_458] {strides = array<i32>} : memref<1664x32xf32, #tpu.memory_space<vmem>>, vector<16xf32>,
            %add3A_460 = arith.addf %add3A_432, %get3A_459 : vector<16xf32>
            %add3A_461 = arith.constant 12 : i32
            %add3A_462 = arith.addi %add3A_280, %add3A_461 : i32
            %add3A_463 = arith.constant 1 : i32
            %add3A_464 = arith.addi %add3A_462, %add3A_463 : i32
            %get3A_465 = arith.index_cast %add3A_464 : i32 to index
            %get3A_466 = arith.constant 0 : index
            %get3A_467 = tpu.vector_load %arg9[%get3A_465, %get3A_466] {strides = array<i32>} : memref<1664x32xf32, #tpu.memory_space<vmem>>, vector<16xf32>,
            %add3A_468 = arith.addf %add3A_440, %get3A_467 : vector<16xf32>
            %add3A_469 = arith.constant 12 : i32
            %add3A_470 = arith.addi %add3A_280, %add3A_469 : i32
            %add3A_471 = arith.constant 1 : i32
            %add3A_472 = arith.addi %add3A_470, %add3A_471 : i32
            %get3A_473 = arith.index_cast %add3A_472 : i32 to index
            %get3A_474 = arith.constant 16 : index
            %get3A_475 = tpu.vector_load %arg9[%get3A_473, %get3A_474] {strides = array<i32>} : memref<1664x32xf32, #tpu.memory_space<vmem>>, vector<16xf32>,
            %add3A_476 = arith.addf %add3A_448, %get3A_475 : vector<16xf32>
            %add3A_477 = arith.constant 14 : i32
            %add3A_478 = arith.addi %add3A_280, %add3A_477 : i32
            %get3A_479 = arith.index_cast %add3A_478 : i32 to index
            %get3A_480 = arith.constant 0 : index
            %get3A_481 = tpu.vector_load %arg9[%get3A_479, %get3A_480] {strides = array<i32>} : memref<1664x32xf32, #tpu.memory_space<vmem>>, vector<16xf32>,
            %add3A_482 = arith.addf %add3A_454, %get3A_481 : vector<16xf32>
            %add3A_483 = arith.constant 14 : i32
            %add3A_484 = arith.addi %add3A_280, %add3A_483 : i32
            %get3A_485 = arith.index_cast %add3A_484 : i32 to index
            %get3A_486 = arith.constant 16 : index
            %get3A_487 = tpu.vector_load %arg9[%get3A_485, %get3A_486] {strides = array<i32>} : memref<1664x32xf32, #tpu.memory_space<vmem>>, vector<16xf32>,
            %add3A_488 = arith.addf %add3A_460, %get3A_487 : vector<16xf32>
            %add3A_489 = arith.constant 14 : i32
            %add3A_490 = arith.addi %add3A_280, %add3A_489 : i32
            %add3A_491 = arith.constant 1 : i32
            %add3A_492 = arith.addi %add3A_490, %add3A_491 : i32
            %get3A_493 = arith.index_cast %add3A_492 : i32 to index
            %get3A_494 = arith.constant 0 : index
            %get3A_495 = tpu.vector_load %arg9[%get3A_493, %get3A_494] {strides = array<i32>} : memref<1664x32xf32, #tpu.memory_space<vmem>>, vector<16xf32>,
            %add3A_496 = arith.addf %add3A_468, %get3A_495 : vector<16xf32>
            %add3A_497 = arith.constant 14 : i32
            %add3A_498 = arith.addi %add3A_280, %add3A_497 : i32
            %add3A_499 = arith.constant 1 : i32
            %add3A_500 = arith.addi %add3A_498, %add3A_499 : i32
            %get3A_501 = arith.index_cast %add3A_500 : i32 to index
            %get3A_502 = arith.constant 16 : index
            %get3A_503 = tpu.vector_load %arg9[%get3A_501, %get3A_502] {strides = array<i32>} : memref<1664x32xf32, #tpu.memory_space<vmem>>, vector<16xf32>,
            %add3A_504 = arith.addf %add3A_476, %get3A_503 : vector<16xf32>
            scf.yield %add3A_482, %add3A_488, %add3A_496, %add3A_504 : vector<16xf32>, vector<16xf32>, vector<16xf32>, vector<16xf32>
          }
          %add3A_222 = arith.addf %while3A_221#0, %while3A_221#2 : vector<16xf32>
          %add3A_223 = arith.addf %while3A_221#1, %while3A_221#3 : vector<16xf32>
          %shift_left3A_224 = arith.constant 4 : i32
          %shift_left3A_225 = arith.shli %shift_right_arithmetic3A_204, %shift_left3A_224 : i32
          %while3A_226 = arith.subi %reduce_sum3A_202, %shift_left3A_225 : i32
          %while3A_227 = arith.addi %shift_left3A_225, %while3A_226 : i32
          %while3A_228 = arith.constant 1 : i32
          %while3A_229 = arith.divsi %while3A_226, %while3A_228 : i32
          %while3A_230 = arith.muli %while3A_229, %while3A_228 : i32
          %while3A_231 = arith.addi %shift_left3A_225, %while3A_230 : i32
          %while3A_232 = arith.constant 1 : i32
          %while3A_233:2 = scf.for %while3A_273 = %shift_left3A_225 to %while3A_231 step %while3A_232 iter_args(%while3A_274 = %add3A_222, %while3A_275 = %add3A_223) -> (vector<16xf32>, vector<16xf32>)  : i32 {
            %add3A_276 = arith.addi %scan3A_186, %while3A_273 : i32
            %get3A_277 = arith.index_cast %add3A_276 : i32 to index
            %get3A_278 = arith.constant 0 : index
            %get3A_279 = tpu.vector_load %arg9[%get3A_277, %get3A_278] {strides = array<i32>} : memref<1664x32xf32, #tpu.memory_space<vmem>>, vector<16xf32>,
            %add3A_280 = arith.addf %while3A_274, %get3A_279 : vector<16xf32>
            %get3A_281 = arith.index_cast %add3A_276 : i32 to index
            %get3A_282 = arith.constant 16 : index
            %get3A_283 = tpu.vector_load %arg9[%get3A_281, %get3A_282] {strides = array<i32>} : memref<1664x32xf32, #tpu.memory_space<vmem>>, vector<16xf32>,
            %add3A_284 = arith.addf %while3A_275, %get3A_283 : vector<16xf32>
            scf.yield %add3A_280, %add3A_284 : vector<16xf32>, vector<16xf32>
          }
          %while3A_234 = arith.constant 1 : i32
          %while3A_235:2 = scf.for %while3A_273 = %while3A_231 to %while3A_227 step %while3A_234 iter_args(%while3A_274 = %while3A_233#0, %while3A_275 = %while3A_233#1) -> (vector<16xf32>, vector<16xf32>)  : i32 {
            %add3A_276 = arith.addi %scan3A_186, %while3A_273 : i32
            %get3A_277 = arith.index_cast %add3A_276 : i32 to index
            %get3A_278 = arith.constant 0 : index
            %get3A_279 = tpu.vector_load %arg9[%get3A_277, %get3A_278] {strides = array<i32>} : memref<1664x32xf32, #tpu.memory_space<vmem>>, vector<16xf32>,
            %add3A_280 = arith.addf %while3A_274, %get3A_279 : vector<16xf32>
            %get3A_281 = arith.index_cast %add3A_276 : i32 to index
            %get3A_282 = arith.constant 16 : index
            %get3A_283 = tpu.vector_load %arg9[%get3A_281, %get3A_282] {strides = array<i32>} : memref<1664x32xf32, #tpu.memory_space<vmem>>, vector<16xf32>,
            %add3A_284 = arith.addf %while3A_275, %get3A_283 : vector<16xf32>
            scf.yield %add3A_280, %add3A_284 : vector<16xf32>, vector<16xf32>
          }
          %while3A_236 = arith.constant 0 : i32
          %while3A_237 = arith.subi %shift_right_arithmetic3A_208, %while3A_236 : i32
          %while3A_238 = arith.addi %while3A_236, %while3A_237 : i32
          %while3A_239 = arith.constant 1 : i32
          %while3A_240 = arith.divsi %while3A_237, %while3A_239 : i32
          %while3A_241 = arith.muli %while3A_240, %while3A_239 : i32
          %while3A_242 = arith.addi %while3A_236, %while3A_241 : i32
          %while3A_243 = arith.constant 1 : i32
          %while3A_244 = scf.for %while3A_273 = %while3A_236 to %while3A_242 step %while3A_243 iter_args(%while3A_274 = %broadcast_in_dim3A_3) -> (vector<16xi32>)  : i32 {
            %mul3A_275 = arith.constant 16 : i32
            %mul3A_276 = arith.muli %while3A_273, %mul3A_275 : i32
            %add3A_277 = arith.addi %scan3A_186, %mul3A_276 : i32
            %shift_right_arithmetic3A_278 = arith.constant 7 : i32
            %shift_right_arithmetic3A_279 = arith.shrsi %add3A_277, %shift_right_arithmetic3A_278 : i32
            %and3A_280 = arith.constant 127 : i32
            %and3A_281 = arith.andi %add3A_277, %and3A_280 : i32
            %get3A_282 = arith.index_cast %shift_right_arithmetic3A_279 : i32 to index
            %get3A_283 = arith.index_cast %and3A_281 : i32 to index
            %get3A_284 = tpu.vector_load %arg7[%get3A_282, %get3A_283] {strides = array<i32>} : memref<13x128xi32, #tpu.memory_space<vmem>>, vector<16xi32>,
            %mul3A_285 = arith.constant 16 : i32
            %mul3A_286 = arith.muli %while3A_273, %mul3A_285 : i32
            %add3A_287 = vector.broadcast %mul3A_286 : i32 to vector<16xi32>
            %add3A_288 = arith.addi %add3A_287, %iota3A : vector<16xi32>
            %lt3A = vector.broadcast %reduce_sum3A_202 : i32 to vector<16xi32>
            %lt3A_289 = arith.cmpi slt, %add3A_288, %lt3A : vector<16xi32>
            %eq3A_290 = arith.constant 0 : i32
            %eq3A_291 = vector.broadcast %eq3A_290 : i32 to vector<16xi32>
            %eq3A_292 = arith.cmpi eq, %get3A_284, %eq3A_291 : vector<16xi32>
            %and3A_293 = arith.andi %lt3A_289, %eq3A_292 : vector<16xi1>
            %jit3A_294 = arith.constant 1 : i32
            %jit3A_295 = arith.constant 0 : i32
            %broadcast_in_dim3A_296 = vector.broadcast %jit3A_294 : i32 to vector<16xi32>
            %broadcast_in_dim3A_297 = vector.broadcast %jit3A_295 : i32 to vector<16xi32>
            %select_n3A_298 = arith.select %and3A_293, %broadcast_in_dim3A_296, %broadcast_in_dim3A_297 : vector<16xi1>, vector<16xi32>
            %add3A_299 = arith.addi %while3A_274, %select_n3A_298 : vector<16xi32>
            scf.yield %add3A_299 : vector<16xi32>
          }
          %while3A_245 = arith.constant 1 : i32
          %while3A_246 = scf.for %while3A_273 = %while3A_242 to %while3A_238 step %while3A_245 iter_args(%while3A_274 = %while3A_244) -> (vector<16xi32>)  : i32 {
            %mul3A_275 = arith.constant 16 : i32
            %mul3A_276 = arith.muli %while3A_273, %mul3A_275 : i32
            %add3A_277 = arith.addi %scan3A_186, %mul3A_276 : i32
            %shift_right_arithmetic3A_278 = arith.constant 7 : i32
            %shift_right_arithmetic3A_279 = arith.shrsi %add3A_277, %shift_right_arithmetic3A_278 : i32
            %and3A_280 = arith.constant 127 : i32
            %and3A_281 = arith.andi %add3A_277, %and3A_280 : i32
            %get3A_282 = arith.index_cast %shift_right_arithmetic3A_279 : i32 to index
            %get3A_283 = arith.index_cast %and3A_281 : i32 to index
            %get3A_284 = tpu.vector_load %arg7[%get3A_282, %get3A_283] {strides = array<i32>} : memref<13x128xi32, #tpu.memory_space<vmem>>, vector<16xi32>,
            %mul3A_285 = arith.constant 16 : i32
            %mul3A_286 = arith.muli %while3A_273, %mul3A_285 : i32
            %add3A_287 = vector.broadcast %mul3A_286 : i32 to vector<16xi32>
            %add3A_288 = arith.addi %add3A_287, %iota3A : vector<16xi32>
            %lt3A = vector.broadcast %reduce_sum3A_202 : i32 to vector<16xi32>
            %lt3A_289 = arith.cmpi slt, %add3A_288, %lt3A : vector<16xi32>
            %eq3A_290 = arith.constant 0 : i32
            %eq3A_291 = vector.broadcast %eq3A_290 : i32 to vector<16xi32>
            %eq3A_292 = arith.cmpi eq, %get3A_284, %eq3A_291 : vector<16xi32>
            %and3A_293 = arith.andi %lt3A_289, %eq3A_292 : vector<16xi1>
            %jit3A_294 = arith.constant 1 : i32
            %jit3A_295 = arith.constant 0 : i32
            %broadcast_in_dim3A_296 = vector.broadcast %jit3A_294 : i32 to vector<16xi32>
            %broadcast_in_dim3A_297 = vector.broadcast %jit3A_295 : i32 to vector<16xi32>
            %select_n3A_298 = arith.select %and3A_293, %broadcast_in_dim3A_296, %broadcast_in_dim3A_297 : vector<16xi1>, vector<16xi32>
            %add3A_299 = arith.addi %while3A_274, %select_n3A_298 : vector<16xi32>
            scf.yield %add3A_299 : vector<16xi32>
          }
          %reduce_sum3A_247 = arith.constant true
          %reduce_sum3A_248 = vector.broadcast %reduce_sum3A_247 : i1 to vector<16xi1>
          %reduce_sum3A_249 = tpu.scan <sum>, %while3A_246 masked %reduce_sum3A_248 : vector<16xi32>, vector<16xi1> -> vector<16xi32>
          %reduce_sum3A_250 = vector.extract %reduce_sum3A_249[15] : i32 from vector<16xi32>
          %broadcast_in_dim3A_251 = vector.broadcast %reduce_sum3A_250 : i32 to vector<16xi32>
          %convert_element_type3A_252 = arith.sitofp %broadcast_in_dim3A_251 : vector<16xi32> to vector<16xf32>
          %max3A = arith.constant 1 : i32
          %max3A_253 = arith.maxsi %reduce_sum3A_202, %max3A : i32
          %broadcast_in_dim3A_254 = vector.broadcast %max3A_253 : i32 to vector<16xi32>
          %broadcast_in_dim3A_255 = arith.constant 1.000000e+00 : f32
          %broadcast_in_dim3A_256 = vector.broadcast %broadcast_in_dim3A_255 : f32 to vector<16xf32>
          %convert_element_type3A_257 = arith.sitofp %broadcast_in_dim3A_254 : vector<16xi32> to vector<16xf32>
          %div3A = arith.divf %broadcast_in_dim3A_256, %convert_element_type3A_257 : vector<16xf32>
          %mul3A_258 = arith.mulf %convert_element_type3A_252, %get3A_6 : vector<16xf32>
          %sub3A_259 = arith.subf %while3A_235#0, %mul3A_258 : vector<16xf32>
          %mul3A_260 = arith.mulf %sub3A_259, %div3A : vector<16xf32>
          %swap3A_261 = arith.index_cast %scan3A_185 : i32 to index
          %swap3A_262 = arith.constant 0 : index
          %swap3A_263 = tpu.vector_load %arg12[%swap3A_261, %swap3A_262] {strides = array<i32>} : memref<8x32xf32, #tpu.memory_space<vmem>>, vector<16xf32>,
          tpu.vector_store %arg12[%swap3A_261, %swap3A_262], %mul3A_260 {strides = array<i32>} : memref<8x32xf32, #tpu.memory_space<vmem>>, vector<16xf32>,
          %mul3A_264 = arith.mulf %convert_element_type3A_252, %get3A_10 : vector<16xf32>
          %sub3A_265 = arith.subf %while3A_235#1, %mul3A_264 : vector<16xf32>
          %mul3A_266 = arith.mulf %sub3A_265, %div3A : vector<16xf32>
          %swap3A_267 = arith.index_cast %scan3A_185 : i32 to index
          %swap3A_268 = arith.constant 16 : index
          %swap3A_269 = tpu.vector_load %arg12[%swap3A_267, %swap3A_268] {strides = array<i32>} : memref<8x32xf32, #tpu.memory_space<vmem>>, vector<16xf32>,
          tpu.vector_store %arg12[%swap3A_267, %swap3A_268], %mul3A_266 {strides = array<i32>} : memref<8x32xf32, #tpu.memory_space<vmem>>, vector<16xf32>,
          %shift_left3A_270 = arith.constant 4 : i32
          %shift_left3A_271 = arith.shli %shift_right_arithmetic3A_208, %shift_left3A_270 : i32
          %add3A_272 = arith.addi %scan3A_186, %shift_left3A_271 : i32
          scf.yield %add3A_272 : i32
        }
        %scan3A_184 = arith.constant 8 : i32
        "tpu.region"() ({
          %run_scoped3A = tpu.sem_alloc : memref<!tpu.dma_semaphore, #tpu.memory_space<semaphore_mem>>
          %dma_start3A = arith.constant 0 : i32
          %dma_start3A_185 = tpu.memref_slice %arg5[%add3A_165, %dma_start3A] : memref<16384x32xf32, #tpu.memory_space<hbm>> -> memref<8x32xf32, #tpu.memory_space<hbm>>
          %dma_start3A_186 = arith.constant 0 : i32
          %dma_start3A_187 = tpu.memref_slice %arg5[%add3A_165, %dma_start3A_186] : memref<16384x32xf32, #tpu.memory_space<hbm>> -> memref<8x32xf32, #tpu.memory_space<hbm>>
          tpu.enqueue_dma source(%arg12 : memref<8x32xf32, #tpu.memory_space<vmem>>) target(%dma_start3A_187 : memref<8x32xf32, #tpu.memory_space<hbm>>) target_semaphore(%run_scoped3A : memref<!tpu.dma_semaphore, #tpu.memory_space<semaphore_mem>>)
          %dma_wait3A = arith.constant 0 : i32
          %dma_wait3A_188 = tpu.memref_slice %arg5[%add3A_165, %dma_wait3A] : memref<16384x32xf32, #tpu.memory_space<hbm>> -> memref<8x32xf32, #tpu.memory_space<hbm>>
          %dma_wait3A_189 = arith.constant 0 : i32
          %dma_wait3A_190 = tpu.memref_slice %arg5[%add3A_165, %dma_wait3A_189] : memref<16384x32xf32, #tpu.memory_space<hbm>> -> memref<8x32xf32, #tpu.memory_space<hbm>>
          tpu.wait_dma2 semaphore(%run_scoped3A : memref<!tpu.dma_semaphore, #tpu.memory_space<semaphore_mem>>) src(%arg12 : memref<8x32xf32, #tpu.memory_space<vmem>>) dst(%dma_wait3A_190 : memref<8x32xf32, #tpu.memory_space<hbm>>)
          tpu.yield
        }) : () -> ()
        scf.yield %shift_right_arithmetic3A_148 : i32
      } else {
        %mul3A_133 = arith.constant 8 : i32
        %mul3A_134 = arith.muli %scan3A_127, %mul3A_133 : i32
        %add3A_135 = arith.addi %mul3A_2, %mul3A_134 : i32
        "tpu.region"() ({
          %run_scoped3A = tpu.sem_alloc : memref<!tpu.dma_semaphore, #tpu.memory_space<semaphore_mem>>
          %dma_start3A = arith.constant 0 : i32
          %dma_start3A_185 = arith.constant 0 : i32
          %dma_start3A_186 = tpu.memref_slice %arg6[%dma_start3A, %dma_start3A_185] : memref<8x208xi32, #tpu.memory_space<vmem>> -> memref<8x200xi32, #tpu.memory_space<vmem>>
          %dma_start3A_187 = arith.constant 0 : i32
          %dma_start3A_188 = tpu.memref_slice %arg2[%add3A_135, %dma_start3A_187] : memref<16384x200xi32, #tpu.memory_space<hbm>> -> memref<8x200xi32, #tpu.memory_space<hbm>>
          %dma_start3A_189 = arith.constant 0 : i32
          %dma_start3A_190 = arith.constant 0 : i32
          %dma_start3A_191 = tpu.memref_slice %arg6[%dma_start3A_189, %dma_start3A_190] : memref<8x208xi32, #tpu.memory_space<vmem>> -> memref<8x200xi32, #tpu.memory_space<vmem>>
          %dma_start3A_192 = arith.constant 0 : i32
          %dma_start3A_193 = tpu.memref_slice %arg2[%add3A_135, %dma_start3A_192] : memref<16384x200xi32, #tpu.memory_space<hbm>> -> memref<8x200xi32, #tpu.memory_space<hbm>>
          tpu.enqueue_dma source(%dma_start3A_193 : memref<8x200xi32, #tpu.memory_space<hbm>>) target(%dma_start3A_191 : memref<8x200xi32, #tpu.memory_space<vmem>>) target_semaphore(%run_scoped3A : memref<!tpu.dma_semaphore, #tpu.memory_space<semaphore_mem>>)
          %dma_wait3A = arith.constant 0 : i32
          %dma_wait3A_194 = arith.constant 0 : i32
          %dma_wait3A_195 = tpu.memref_slice %arg6[%dma_wait3A, %dma_wait3A_194] : memref<8x208xi32, #tpu.memory_space<vmem>> -> memref<8x200xi32, #tpu.memory_space<vmem>>
          %dma_wait3A_196 = arith.constant 0 : i32
          %dma_wait3A_197 = tpu.memref_slice %arg2[%add3A_135, %dma_wait3A_196] : memref<16384x200xi32, #tpu.memory_space<hbm>> -> memref<8x200xi32, #tpu.memory_space<hbm>>
          %dma_wait3A_198 = arith.constant 0 : i32
          %dma_wait3A_199 = arith.constant 0 : i32
          %dma_wait3A_200 = tpu.memref_slice %arg6[%dma_wait3A_198, %dma_wait3A_199] : memref<8x208xi32, #tpu.memory_space<vmem>> -> memref<8x200xi32, #tpu.memory_space<vmem>>
          %dma_wait3A_201 = arith.constant 0 : i32
          %dma_wait3A_202 = tpu.memref_slice %arg2[%add3A_135, %dma_wait3A_201] : memref<16384x200xi32, #tpu.memory_space<hbm>> -> memref<8x200xi32, #tpu.memory_space<hbm>>
          tpu.wait_dma2 semaphore(%run_scoped3A : memref<!tpu.dma_semaphore, #tpu.memory_space<semaphore_mem>>) src(%dma_wait3A_202 : memref<8x200xi32, #tpu.memory_space<hbm>>) dst(%dma_wait3A_200 : memref<8x200xi32, #tpu.memory_space<vmem>>)
          tpu.yield
        }) : () -> ()
        %scan3A_136 = arith.constant 0 : i32
        %scan3A_137 = arith.constant 0 : i32
        %scan3A_138 = arith.constant 8 : i32
        %scan3A_139 = arith.addi %scan3A_137, %scan3A_138 : i32
        %scan3A_140 = arith.constant 1 : i32
        %scan3A_141 = scf.for %scan3A_185 = %scan3A_137 to %scan3A_139 step %scan3A_140 iter_args(%scan3A_186 = %scan3A_136) -> (i32)  : i32 {
          %mul3A_187 = arith.constant 8 : i32
          %mul3A_188 = arith.muli %scan3A_127, %mul3A_187 : i32
          %add3A_189 = arith.addi %mul3A_188, %scan3A_185 : i32
          %shift_right_arithmetic3A_190 = arith.constant 4 : i32
          %shift_right_arithmetic3A_191 = arith.shrsi %add3A_189, %shift_right_arithmetic3A_190 : i32
          %shift_left3A = arith.constant 4 : i32
          %shift_left3A_192 = arith.shli %shift_right_arithmetic3A_191, %shift_left3A : i32
          %and3A_193 = arith.constant 15 : i32
          %and3A_194 = arith.andi %add3A_189, %and3A_193 : i32
          %get3A_195 = arith.index_cast %shift_left3A_192 : i32 to index
          %get3A_196 = tpu.vector_load %arg11[%get3A_195] {strides = array<i32>} : memref<512xi32, #tpu.memory_space<vmem>>, vector<16xi32>,
          %eq3A_197 = vector.broadcast %and3A_194 : i32 to vector<16xi32>
          %eq3A_198 = arith.cmpi eq, %iota3A, %eq3A_197 : vector<16xi32>
          %jit3A = arith.constant 0 : i32
          %broadcast_in_dim3A_199 = vector.broadcast %jit3A : i32 to vector<16xi32>
          %select_n3A = arith.select %eq3A_198, %get3A_196, %broadcast_in_dim3A_199 : vector<16xi1>, vector<16xi32>
          %reduce_sum3A = arith.constant true
          %reduce_sum3A_200 = vector.broadcast %reduce_sum3A : i1 to vector<16xi1>
          %reduce_sum3A_201 = tpu.scan <sum>, %select_n3A masked %reduce_sum3A_200 : vector<16xi32>, vector<16xi1> -> vector<16xi32>
          %reduce_sum3A_202 = vector.extract %reduce_sum3A_201[15] : i32 from vector<16xi32>
          %add3A_203 = arith.constant 15 : i32
          %add3A_204 = arith.addi %reduce_sum3A_202, %add3A_203 : i32
          %shift_right_arithmetic3A_205 = arith.constant 4 : i32
          %shift_right_arithmetic3A_206 = arith.shrsi %add3A_204, %shift_right_arithmetic3A_205 : i32
          %while3A_207 = arith.constant 0 : i32
          %while3A_208 = arith.constant 0 : i32
          %while3A_209 = arith.subi %shift_right_arithmetic3A_206, %while3A_207 : i32
          %while3A_210 = arith.addi %while3A_207, %while3A_209 : i32
          %while3A_211 = arith.constant 1 : i32
          %while3A_212 = arith.divsi %while3A_209, %while3A_211 : i32
          %while3A_213 = arith.muli %while3A_212, %while3A_211 : i32
          %while3A_214 = arith.addi %while3A_207, %while3A_213 : i32
          %while3A_215 = arith.constant 1 : i32
          %while3A_216 = scf.for %while3A_222 = %while3A_207 to %while3A_214 step %while3A_215 iter_args(%while3A_223 = %while3A_208) -> (i32)  : i32 {
            %mul3A_224 = arith.constant 16 : i32
            %mul3A_225 = arith.muli %while3A_222, %mul3A_224 : i32
            %add3A_226 = arith.addi %scan3A_186, %mul3A_225 : i32
            %mul3A_227 = arith.constant 16 : i32
            %mul3A_228 = arith.muli %while3A_222, %mul3A_227 : i32
            %get3A_229 = arith.index_cast %scan3A_185 : i32 to index
            %get3A_230 = arith.index_cast %mul3A_228 : i32 to index
            %get3A_231 = tpu.vector_load %arg6[%get3A_229, %get3A_230] {strides = array<i32>} : memref<8x208xi32, #tpu.memory_space<vmem>>, vector<16xi32>,
            %shift_right_arithmetic3A_232 = arith.constant 7 : i32
            %shift_right_arithmetic3A_233 = arith.shrsi %add3A_226, %shift_right_arithmetic3A_232 : i32
            %and3A_234 = arith.constant 127 : i32
            %and3A_235 = arith.andi %add3A_226, %and3A_234 : i32
            %swap3A_236 = arith.index_cast %shift_right_arithmetic3A_233 : i32 to index
            %swap3A_237 = arith.index_cast %and3A_235 : i32 to index
            %swap3A_238 = tpu.vector_load %arg7[%swap3A_236, %swap3A_237] {strides = array<i32>} : memref<13x128xi32, #tpu.memory_space<vmem>>, vector<16xi32>,
            tpu.vector_store %arg7[%swap3A_236, %swap3A_237], %get3A_231 {strides = array<i32>} : memref<13x128xi32, #tpu.memory_space<vmem>>, vector<16xi32>,
            %while3A_239 = arith.constant 0 : i32
            scf.yield %while3A_239 : i32
          }
          %while3A_217 = arith.constant 1 : i32
          %while3A_218 = scf.for %while3A_222 = %while3A_214 to %while3A_210 step %while3A_217 iter_args(%while3A_223 = %while3A_216) -> (i32)  : i32 {
            %mul3A_224 = arith.constant 16 : i32
            %mul3A_225 = arith.muli %while3A_222, %mul3A_224 : i32
            %add3A_226 = arith.addi %scan3A_186, %mul3A_225 : i32
            %mul3A_227 = arith.constant 16 : i32
            %mul3A_228 = arith.muli %while3A_222, %mul3A_227 : i32
            %get3A_229 = arith.index_cast %scan3A_185 : i32 to index
            %get3A_230 = arith.index_cast %mul3A_228 : i32 to index
            %get3A_231 = tpu.vector_load %arg6[%get3A_229, %get3A_230] {strides = array<i32>} : memref<8x208xi32, #tpu.memory_space<vmem>>, vector<16xi32>,
            %shift_right_arithmetic3A_232 = arith.constant 7 : i32
            %shift_right_arithmetic3A_233 = arith.shrsi %add3A_226, %shift_right_arithmetic3A_232 : i32
            %and3A_234 = arith.constant 127 : i32
            %and3A_235 = arith.andi %add3A_226, %and3A_234 : i32
            %swap3A_236 = arith.index_cast %shift_right_arithmetic3A_233 : i32 to index
            %swap3A_237 = arith.index_cast %and3A_235 : i32 to index
            %swap3A_238 = tpu.vector_load %arg7[%swap3A_236, %swap3A_237] {strides = array<i32>} : memref<13x128xi32, #tpu.memory_space<vmem>>, vector<16xi32>,
            tpu.vector_store %arg7[%swap3A_236, %swap3A_237], %get3A_231 {strides = array<i32>} : memref<13x128xi32, #tpu.memory_space<vmem>>, vector<16xi32>,
            %while3A_239 = arith.constant 0 : i32
            scf.yield %while3A_239 : i32
          }
          %shift_left3A_219 = arith.constant 4 : i32
          %shift_left3A_220 = arith.shli %shift_right_arithmetic3A_206, %shift_left3A_219 : i32
          %add3A_221 = arith.addi %scan3A_186, %shift_left3A_220 : i32
          scf.yield %add3A_221 : i32
        }
        %scan3A_142 = arith.constant 8 : i32
        %add3A_143 = arith.constant 128 : i32
        %add3A_144 = arith.addi %scan3A_141, %add3A_143 : i32
        %sub3A_145 = arith.constant 1 : i32
        %sub3A_146 = arith.subi %add3A_144, %sub3A_145 : i32
        %shift_right_arithmetic3A_147 = arith.constant 7 : i32
        %shift_right_arithmetic3A_148 = arith.shrsi %sub3A_146, %shift_right_arithmetic3A_147 : i32
        %while3A_149 = arith.constant 0 : i32
        %while3A_150 = arith.constant 0 : i32
        %while3A_151 = arith.subi %shift_right_arithmetic3A_148, %while3A_149 : i32
        %while3A_152 = arith.addi %while3A_149, %while3A_151 : i32
        %while3A_153 = arith.constant 1 : i32
        %while3A_154 = arith.divsi %while3A_151, %while3A_153 : i32
        %while3A_155 = arith.muli %while3A_154, %while3A_153 : i32
        %while3A_156 = arith.addi %while3A_149, %while3A_155 : i32
        %while3A_157 = arith.constant 1 : i32
        %while3A_158 = scf.for %while3A_185 = %while3A_149 to %while3A_156 step %while3A_157 iter_args(%while3A_186 = %while3A_150) -> (i32)  : i32 {
          %mul3A_187 = arith.constant 128 : i32
          %mul3A_188 = arith.muli %while3A_185, %mul3A_187 : i32
          %dma_start3A = arith.constant 0 : i32
          %dma_start3A_189 = tpu.memref_slice %arg9[%mul3A_188, %dma_start3A] : memref<1664x32xf32, #tpu.memory_space<vmem>> -> memref<128x32xf32, #tpu.memory_space<vmem>>
          %dma_start3A_190 = arith.constant 0 : i32
          %dma_start3A_191 = tpu.memref_slice %arg7[%while3A_185, %dma_start3A_190] : memref<13x128xi32, #tpu.memory_space<vmem>> -> memref<1x128xi32, #tpu.memory_space<vmem>>
          %dma_start3A_192 = tpu.memref_squeeze %dma_start3A_191 : memref<1x128xi32, #tpu.memory_space<vmem>> -> memref<128xi32, #tpu.memory_space<vmem>>
          %dma_start3A_193 = arith.constant 0 : i32
          %dma_start3A_194 = arith.constant 0 : i32
          %dma_start3A_195 = tpu.memref_slice %arg4[%dma_start3A_193, %dma_start3A_194] : memref<1000000x32xf32, #tpu.memory_space<hbm>> -> memref<1000000x32xf32, #tpu.memory_space<hbm>>
          tpu.enqueue_indirect_dma source(%dma_start3A_195 : memref<1000000x32xf32, #tpu.memory_space<hbm>>) target(%dma_start3A_189 : memref<128x32xf32, #tpu.memory_space<vmem>>) offsets(%dma_start3A_192 : memref<128xi32, #tpu.memory_space<vmem>>) semaphore(%arg14 : memref<!tpu.dma_semaphore, #tpu.memory_space<semaphore_mem>>)
          %while3A_196 = arith.constant 0 : i32
          scf.yield %while3A_196 : i32
        }
        %while3A_159 = arith.constant 1 : i32
        %while3A_160 = scf.for %while3A_185 = %while3A_156 to %while3A_152 step %while3A_159 iter_args(%while3A_186 = %while3A_158) -> (i32)  : i32 {
          %mul3A_187 = arith.constant 128 : i32
          %mul3A_188 = arith.muli %while3A_185, %mul3A_187 : i32
          %dma_start3A = arith.constant 0 : i32
          %dma_start3A_189 = tpu.memref_slice %arg9[%mul3A_188, %dma_start3A] : memref<1664x32xf32, #tpu.memory_space<vmem>> -> memref<128x32xf32, #tpu.memory_space<vmem>>
          %dma_start3A_190 = arith.constant 0 : i32
          %dma_start3A_191 = tpu.memref_slice %arg7[%while3A_185, %dma_start3A_190] : memref<13x128xi32, #tpu.memory_space<vmem>> -> memref<1x128xi32, #tpu.memory_space<vmem>>
          %dma_start3A_192 = tpu.memref_squeeze %dma_start3A_191 : memref<1x128xi32, #tpu.memory_space<vmem>> -> memref<128xi32, #tpu.memory_space<vmem>>
          %dma_start3A_193 = arith.constant 0 : i32
          %dma_start3A_194 = arith.constant 0 : i32
          %dma_start3A_195 = tpu.memref_slice %arg4[%dma_start3A_193, %dma_start3A_194] : memref<1000000x32xf32, #tpu.memory_space<hbm>> -> memref<1000000x32xf32, #tpu.memory_space<hbm>>
          tpu.enqueue_indirect_dma source(%dma_start3A_195 : memref<1000000x32xf32, #tpu.memory_space<hbm>>) target(%dma_start3A_189 : memref<128x32xf32, #tpu.memory_space<vmem>>) offsets(%dma_start3A_192 : memref<128xi32, #tpu.memory_space<vmem>>) semaphore(%arg14 : memref<!tpu.dma_semaphore, #tpu.memory_space<semaphore_mem>>)
          %while3A_196 = arith.constant 0 : i32
          scf.yield %while3A_196 : i32
        }
        %sub3A_161 = arith.constant 1 : i32
        %sub3A_162 = arith.subi %scan3A_127, %sub3A_161 : i32
        %mul3A_163 = arith.constant 8 : i32
        %mul3A_164 = arith.muli %sub3A_162, %mul3A_163 : i32
        %add3A_165 = arith.addi %mul3A_2, %mul3A_164 : i32
        %while3A_166 = arith.constant 0 : i32
        %while3A_167 = arith.constant 0 : i32
        %while3A_168 = arith.subi %scan3A_128, %while3A_166 : i32
        %while3A_169 = arith.addi %while3A_166, %while3A_168 : i32
        %while3A_170 = arith.constant 1 : i32
        %while3A_171 = arith.divsi %while3A_168, %while3A_170 : i32
        %while3A_172 = arith.muli %while3A_171, %while3A_170 : i32
        %while3A_173 = arith.addi %while3A_166, %while3A_172 : i32
        %while3A_174 = arith.constant 1 : i32
        %while3A_175 = scf.for %while3A_185 = %while3A_166 to %while3A_173 step %while3A_174 iter_args(%while3A_186 = %while3A_167) -> (i32)  : i32 {
          %mul3A_187 = arith.constant 128 : i32
          %mul3A_188 = arith.muli %while3A_185, %mul3A_187 : i32
          %dma_wait3A = arith.constant 0 : i32
          %dma_wait3A_189 = tpu.memref_slice %arg10[%mul3A_188, %dma_wait3A] : memref<1664x32xf32, #tpu.memory_space<vmem>> -> memref<128x32xf32, #tpu.memory_space<vmem>>
          %dma_wait3A_190 = arith.constant 0 : i32
          %dma_wait3A_191 = tpu.memref_slice %arg8[%while3A_185, %dma_wait3A_190] : memref<13x128xi32, #tpu.memory_space<vmem>> -> memref<1x128xi32, #tpu.memory_space<vmem>>
          %dma_wait3A_192 = tpu.memref_squeeze %dma_wait3A_191 : memref<1x128xi32, #tpu.memory_space<vmem>> -> memref<128xi32, #tpu.memory_space<vmem>>
          %dma_wait3A_193 = arith.constant 0 : i32
          %dma_wait3A_194 = arith.constant 0 : i32
          %dma_wait3A_195 = tpu.memref_slice %arg4[%dma_wait3A_193, %dma_wait3A_194] : memref<1000000x32xf32, #tpu.memory_space<hbm>> -> memref<1000000x32xf32, #tpu.memory_space<hbm>>
          tpu.wait_indirect_dma semaphore(%arg15 : memref<!tpu.dma_semaphore, #tpu.memory_space<semaphore_mem>>) src(%dma_wait3A_195 : memref<1000000x32xf32, #tpu.memory_space<hbm>>) dst(%dma_wait3A_189 : memref<128x32xf32, #tpu.memory_space<vmem>>)
          %while3A_196 = arith.constant 0 : i32
          scf.yield %while3A_196 : i32
        }
        %while3A_176 = arith.constant 1 : i32
        %while3A_177 = scf.for %while3A_185 = %while3A_173 to %while3A_169 step %while3A_176 iter_args(%while3A_186 = %while3A_175) -> (i32)  : i32 {
          %mul3A_187 = arith.constant 128 : i32
          %mul3A_188 = arith.muli %while3A_185, %mul3A_187 : i32
          %dma_wait3A = arith.constant 0 : i32
          %dma_wait3A_189 = tpu.memref_slice %arg10[%mul3A_188, %dma_wait3A] : memref<1664x32xf32, #tpu.memory_space<vmem>> -> memref<128x32xf32, #tpu.memory_space<vmem>>
          %dma_wait3A_190 = arith.constant 0 : i32
          %dma_wait3A_191 = tpu.memref_slice %arg8[%while3A_185, %dma_wait3A_190] : memref<13x128xi32, #tpu.memory_space<vmem>> -> memref<1x128xi32, #tpu.memory_space<vmem>>
          %dma_wait3A_192 = tpu.memref_squeeze %dma_wait3A_191 : memref<1x128xi32, #tpu.memory_space<vmem>> -> memref<128xi32, #tpu.memory_space<vmem>>
          %dma_wait3A_193 = arith.constant 0 : i32
          %dma_wait3A_194 = arith.constant 0 : i32
          %dma_wait3A_195 = tpu.memref_slice %arg4[%dma_wait3A_193, %dma_wait3A_194] : memref<1000000x32xf32, #tpu.memory_space<hbm>> -> memref<1000000x32xf32, #tpu.memory_space<hbm>>
          tpu.wait_indirect_dma semaphore(%arg15 : memref<!tpu.dma_semaphore, #tpu.memory_space<semaphore_mem>>) src(%dma_wait3A_195 : memref<1000000x32xf32, #tpu.memory_space<hbm>>) dst(%dma_wait3A_189 : memref<128x32xf32, #tpu.memory_space<vmem>>)
          %while3A_196 = arith.constant 0 : i32
          scf.yield %while3A_196 : i32
        }
        %scan3A_178 = arith.constant 0 : i32
        %scan3A_179 = arith.constant 0 : i32
        %scan3A_180 = arith.constant 8 : i32
        %scan3A_181 = arith.addi %scan3A_179, %scan3A_180 : i32
        %scan3A_182 = arith.constant 1 : i32
        %scan3A_183 = scf.for %scan3A_185 = %scan3A_179 to %scan3A_181 step %scan3A_182 iter_args(%scan3A_186 = %scan3A_178) -> (i32)  : i32 {
          %mul3A_187 = arith.constant 8 : i32
          %mul3A_188 = arith.muli %sub3A_162, %mul3A_187 : i32
          %add3A_189 = arith.addi %mul3A_188, %scan3A_185 : i32
          %shift_right_arithmetic3A_190 = arith.constant 4 : i32
          %shift_right_arithmetic3A_191 = arith.shrsi %add3A_189, %shift_right_arithmetic3A_190 : i32
          %shift_left3A = arith.constant 4 : i32
          %shift_left3A_192 = arith.shli %shift_right_arithmetic3A_191, %shift_left3A : i32
          %and3A_193 = arith.constant 15 : i32
          %and3A_194 = arith.andi %add3A_189, %and3A_193 : i32
          %get3A_195 = arith.index_cast %shift_left3A_192 : i32 to index
          %get3A_196 = tpu.vector_load %arg11[%get3A_195] {strides = array<i32>} : memref<512xi32, #tpu.memory_space<vmem>>, vector<16xi32>,
          %eq3A_197 = vector.broadcast %and3A_194 : i32 to vector<16xi32>
          %eq3A_198 = arith.cmpi eq, %iota3A, %eq3A_197 : vector<16xi32>
          %jit3A = arith.constant 0 : i32
          %broadcast_in_dim3A_199 = vector.broadcast %jit3A : i32 to vector<16xi32>
          %select_n3A = arith.select %eq3A_198, %get3A_196, %broadcast_in_dim3A_199 : vector<16xi1>, vector<16xi32>
          %reduce_sum3A = arith.constant true
          %reduce_sum3A_200 = vector.broadcast %reduce_sum3A : i1 to vector<16xi1>
          %reduce_sum3A_201 = tpu.scan <sum>, %select_n3A masked %reduce_sum3A_200 : vector<16xi32>, vector<16xi1> -> vector<16xi32>
          %reduce_sum3A_202 = vector.extract %reduce_sum3A_201[15] : i32 from vector<16xi32>
          %shift_right_arithmetic3A_203 = arith.constant 4 : i32
          %shift_right_arithmetic3A_204 = arith.shrsi %reduce_sum3A_202, %shift_right_arithmetic3A_203 : i32
          %add3A_205 = arith.constant 15 : i32
          %add3A_206 = arith.addi %reduce_sum3A_202, %add3A_205 : i32
          %shift_right_arithmetic3A_207 = arith.constant 4 : i32
          %shift_right_arithmetic3A_208 = arith.shrsi %add3A_206, %shift_right_arithmetic3A_207 : i32
          %broadcast_in_dim3A_209 = arith.constant 0.000000e+00 : f32
          %broadcast_in_dim3A_210 = vector.broadcast %broadcast_in_dim3A_209 : f32 to vector<16xf32>
          %while3A_211 = arith.constant 0 : i32
          %while3A_212 = arith.subi %shift_right_arithmetic3A_204, %while3A_211 : i32
          %while3A_213 = arith.addi %while3A_211, %while3A_212 : i32
          %while3A_214 = arith.constant 1 : i32
          %while3A_215 = arith.divsi %while3A_212, %while3A_214 : i32
          %while3A_216 = arith.muli %while3A_215, %while3A_214 : i32
          %while3A_217 = arith.addi %while3A_211, %while3A_216 : i32
          %while3A_218 = arith.constant 1 : i32
          %while3A_219:4 = scf.for %while3A_273 = %while3A_211 to %while3A_217 step %while3A_218 iter_args(%while3A_274 = %broadcast_in_dim3A_210, %while3A_275 = %broadcast_in_dim3A_210, %while3A_276 = %broadcast_in_dim3A_210, %while3A_277 = %broadcast_in_dim3A_210) -> (vector<16xf32>, vector<16xf32>, vector<16xf32>, vector<16xf32>)  : i32 {
            %mul3A_278 = arith.constant 16 : i32
            %mul3A_279 = arith.muli %while3A_273, %mul3A_278 : i32
            %add3A_280 = arith.addi %scan3A_186, %mul3A_279 : i32
            %add3A_281 = arith.constant 0 : i32
            %add3A_282 = arith.addi %add3A_280, %add3A_281 : i32
            %get3A_283 = arith.index_cast %add3A_282 : i32 to index
            %get3A_284 = arith.constant 0 : index
            %get3A_285 = tpu.vector_load %arg10[%get3A_283, %get3A_284] {strides = array<i32>} : memref<1664x32xf32, #tpu.memory_space<vmem>>, vector<16xf32>,
            %add3A_286 = arith.addf %while3A_274, %get3A_285 : vector<16xf32>
            %add3A_287 = arith.constant 0 : i32
            %add3A_288 = arith.addi %add3A_280, %add3A_287 : i32
            %get3A_289 = arith.index_cast %add3A_288 : i32 to index
            %get3A_290 = arith.constant 16 : index
            %get3A_291 = tpu.vector_load %arg10[%get3A_289, %get3A_290] {strides = array<i32>} : memref<1664x32xf32, #tpu.memory_space<vmem>>, vector<16xf32>,
            %add3A_292 = arith.addf %while3A_275, %get3A_291 : vector<16xf32>
            %add3A_293 = arith.constant 0 : i32
            %add3A_294 = arith.addi %add3A_280, %add3A_293 : i32
            %add3A_295 = arith.constant 1 : i32
            %add3A_296 = arith.addi %add3A_294, %add3A_295 : i32
            %get3A_297 = arith.index_cast %add3A_296 : i32 to index
            %get3A_298 = arith.constant 0 : index
            %get3A_299 = tpu.vector_load %arg10[%get3A_297, %get3A_298] {strides = array<i32>} : memref<1664x32xf32, #tpu.memory_space<vmem>>, vector<16xf32>,
            %add3A_300 = arith.addf %while3A_276, %get3A_299 : vector<16xf32>
            %add3A_301 = arith.constant 0 : i32
            %add3A_302 = arith.addi %add3A_280, %add3A_301 : i32
            %add3A_303 = arith.constant 1 : i32
            %add3A_304 = arith.addi %add3A_302, %add3A_303 : i32
            %get3A_305 = arith.index_cast %add3A_304 : i32 to index
            %get3A_306 = arith.constant 16 : index
            %get3A_307 = tpu.vector_load %arg10[%get3A_305, %get3A_306] {strides = array<i32>} : memref<1664x32xf32, #tpu.memory_space<vmem>>, vector<16xf32>,
            %add3A_308 = arith.addf %while3A_277, %get3A_307 : vector<16xf32>
            %add3A_309 = arith.constant 2 : i32
            %add3A_310 = arith.addi %add3A_280, %add3A_309 : i32
            %get3A_311 = arith.index_cast %add3A_310 : i32 to index
            %get3A_312 = arith.constant 0 : index
            %get3A_313 = tpu.vector_load %arg10[%get3A_311, %get3A_312] {strides = array<i32>} : memref<1664x32xf32, #tpu.memory_space<vmem>>, vector<16xf32>,
            %add3A_314 = arith.addf %add3A_286, %get3A_313 : vector<16xf32>
            %add3A_315 = arith.constant 2 : i32
            %add3A_316 = arith.addi %add3A_280, %add3A_315 : i32
            %get3A_317 = arith.index_cast %add3A_316 : i32 to index
            %get3A_318 = arith.constant 16 : index
            %get3A_319 = tpu.vector_load %arg10[%get3A_317, %get3A_318] {strides = array<i32>} : memref<1664x32xf32, #tpu.memory_space<vmem>>, vector<16xf32>,
            %add3A_320 = arith.addf %add3A_292, %get3A_319 : vector<16xf32>
            %add3A_321 = arith.constant 2 : i32
            %add3A_322 = arith.addi %add3A_280, %add3A_321 : i32
            %add3A_323 = arith.constant 1 : i32
            %add3A_324 = arith.addi %add3A_322, %add3A_323 : i32
            %get3A_325 = arith.index_cast %add3A_324 : i32 to index
            %get3A_326 = arith.constant 0 : index
            %get3A_327 = tpu.vector_load %arg10[%get3A_325, %get3A_326] {strides = array<i32>} : memref<1664x32xf32, #tpu.memory_space<vmem>>, vector<16xf32>,
            %add3A_328 = arith.addf %add3A_300, %get3A_327 : vector<16xf32>
            %add3A_329 = arith.constant 2 : i32
            %add3A_330 = arith.addi %add3A_280, %add3A_329 : i32
            %add3A_331 = arith.constant 1 : i32
            %add3A_332 = arith.addi %add3A_330, %add3A_331 : i32
            %get3A_333 = arith.index_cast %add3A_332 : i32 to index
            %get3A_334 = arith.constant 16 : index
            %get3A_335 = tpu.vector_load %arg10[%get3A_333, %get3A_334] {strides = array<i32>} : memref<1664x32xf32, #tpu.memory_space<vmem>>, vector<16xf32>,
            %add3A_336 = arith.addf %add3A_308, %get3A_335 : vector<16xf32>
            %add3A_337 = arith.constant 4 : i32
            %add3A_338 = arith.addi %add3A_280, %add3A_337 : i32
            %get3A_339 = arith.index_cast %add3A_338 : i32 to index
            %get3A_340 = arith.constant 0 : index
            %get3A_341 = tpu.vector_load %arg10[%get3A_339, %get3A_340] {strides = array<i32>} : memref<1664x32xf32, #tpu.memory_space<vmem>>, vector<16xf32>,
            %add3A_342 = arith.addf %add3A_314, %get3A_341 : vector<16xf32>
            %add3A_343 = arith.constant 4 : i32
            %add3A_344 = arith.addi %add3A_280, %add3A_343 : i32
            %get3A_345 = arith.index_cast %add3A_344 : i32 to index
            %get3A_346 = arith.constant 16 : index
            %get3A_347 = tpu.vector_load %arg10[%get3A_345, %get3A_346] {strides = array<i32>} : memref<1664x32xf32, #tpu.memory_space<vmem>>, vector<16xf32>,
            %add3A_348 = arith.addf %add3A_320, %get3A_347 : vector<16xf32>
            %add3A_349 = arith.constant 4 : i32
            %add3A_350 = arith.addi %add3A_280, %add3A_349 : i32
            %add3A_351 = arith.constant 1 : i32
            %add3A_352 = arith.addi %add3A_350, %add3A_351 : i32
            %get3A_353 = arith.index_cast %add3A_352 : i32 to index
            %get3A_354 = arith.constant 0 : index
            %get3A_355 = tpu.vector_load %arg10[%get3A_353, %get3A_354] {strides = array<i32>} : memref<1664x32xf32, #tpu.memory_space<vmem>>, vector<16xf32>,
            %add3A_356 = arith.addf %add3A_328, %get3A_355 : vector<16xf32>
            %add3A_357 = arith.constant 4 : i32
            %add3A_358 = arith.addi %add3A_280, %add3A_357 : i32
            %add3A_359 = arith.constant 1 : i32
            %add3A_360 = arith.addi %add3A_358, %add3A_359 : i32
            %get3A_361 = arith.index_cast %add3A_360 : i32 to index
            %get3A_362 = arith.constant 16 : index
            %get3A_363 = tpu.vector_load %arg10[%get3A_361, %get3A_362] {strides = array<i32>} : memref<1664x32xf32, #tpu.memory_space<vmem>>, vector<16xf32>,
            %add3A_364 = arith.addf %add3A_336, %get3A_363 : vector<16xf32>
            %add3A_365 = arith.constant 6 : i32
            %add3A_366 = arith.addi %add3A_280, %add3A_365 : i32
            %get3A_367 = arith.index_cast %add3A_366 : i32 to index
            %get3A_368 = arith.constant 0 : index
            %get3A_369 = tpu.vector_load %arg10[%get3A_367, %get3A_368] {strides = array<i32>} : memref<1664x32xf32, #tpu.memory_space<vmem>>, vector<16xf32>,
            %add3A_370 = arith.addf %add3A_342, %get3A_369 : vector<16xf32>
            %add3A_371 = arith.constant 6 : i32
            %add3A_372 = arith.addi %add3A_280, %add3A_371 : i32
            %get3A_373 = arith.index_cast %add3A_372 : i32 to index
            %get3A_374 = arith.constant 16 : index
            %get3A_375 = tpu.vector_load %arg10[%get3A_373, %get3A_374] {strides = array<i32>} : memref<1664x32xf32, #tpu.memory_space<vmem>>, vector<16xf32>,
            %add3A_376 = arith.addf %add3A_348, %get3A_375 : vector<16xf32>
            %add3A_377 = arith.constant 6 : i32
            %add3A_378 = arith.addi %add3A_280, %add3A_377 : i32
            %add3A_379 = arith.constant 1 : i32
            %add3A_380 = arith.addi %add3A_378, %add3A_379 : i32
            %get3A_381 = arith.index_cast %add3A_380 : i32 to index
            %get3A_382 = arith.constant 0 : index
            %get3A_383 = tpu.vector_load %arg10[%get3A_381, %get3A_382] {strides = array<i32>} : memref<1664x32xf32, #tpu.memory_space<vmem>>, vector<16xf32>,
            %add3A_384 = arith.addf %add3A_356, %get3A_383 : vector<16xf32>
            %add3A_385 = arith.constant 6 : i32
            %add3A_386 = arith.addi %add3A_280, %add3A_385 : i32
            %add3A_387 = arith.constant 1 : i32
            %add3A_388 = arith.addi %add3A_386, %add3A_387 : i32
            %get3A_389 = arith.index_cast %add3A_388 : i32 to index
            %get3A_390 = arith.constant 16 : index
            %get3A_391 = tpu.vector_load %arg10[%get3A_389, %get3A_390] {strides = array<i32>} : memref<1664x32xf32, #tpu.memory_space<vmem>>, vector<16xf32>,
            %add3A_392 = arith.addf %add3A_364, %get3A_391 : vector<16xf32>
            %add3A_393 = arith.constant 8 : i32
            %add3A_394 = arith.addi %add3A_280, %add3A_393 : i32
            %get3A_395 = arith.index_cast %add3A_394 : i32 to index
            %get3A_396 = arith.constant 0 : index
            %get3A_397 = tpu.vector_load %arg10[%get3A_395, %get3A_396] {strides = array<i32>} : memref<1664x32xf32, #tpu.memory_space<vmem>>, vector<16xf32>,
            %add3A_398 = arith.addf %add3A_370, %get3A_397 : vector<16xf32>
            %add3A_399 = arith.constant 8 : i32
            %add3A_400 = arith.addi %add3A_280, %add3A_399 : i32
            %get3A_401 = arith.index_cast %add3A_400 : i32 to index
            %get3A_402 = arith.constant 16 : index
            %get3A_403 = tpu.vector_load %arg10[%get3A_401, %get3A_402] {strides = array<i32>} : memref<1664x32xf32, #tpu.memory_space<vmem>>, vector<16xf32>,
            %add3A_404 = arith.addf %add3A_376, %get3A_403 : vector<16xf32>
            %add3A_405 = arith.constant 8 : i32
            %add3A_406 = arith.addi %add3A_280, %add3A_405 : i32
            %add3A_407 = arith.constant 1 : i32
            %add3A_408 = arith.addi %add3A_406, %add3A_407 : i32
            %get3A_409 = arith.index_cast %add3A_408 : i32 to index
            %get3A_410 = arith.constant 0 : index
            %get3A_411 = tpu.vector_load %arg10[%get3A_409, %get3A_410] {strides = array<i32>} : memref<1664x32xf32, #tpu.memory_space<vmem>>, vector<16xf32>,
            %add3A_412 = arith.addf %add3A_384, %get3A_411 : vector<16xf32>
            %add3A_413 = arith.constant 8 : i32
            %add3A_414 = arith.addi %add3A_280, %add3A_413 : i32
            %add3A_415 = arith.constant 1 : i32
            %add3A_416 = arith.addi %add3A_414, %add3A_415 : i32
            %get3A_417 = arith.index_cast %add3A_416 : i32 to index
            %get3A_418 = arith.constant 16 : index
            %get3A_419 = tpu.vector_load %arg10[%get3A_417, %get3A_418] {strides = array<i32>} : memref<1664x32xf32, #tpu.memory_space<vmem>>, vector<16xf32>,
            %add3A_420 = arith.addf %add3A_392, %get3A_419 : vector<16xf32>
            %add3A_421 = arith.constant 10 : i32
            %add3A_422 = arith.addi %add3A_280, %add3A_421 : i32
            %get3A_423 = arith.index_cast %add3A_422 : i32 to index
            %get3A_424 = arith.constant 0 : index
            %get3A_425 = tpu.vector_load %arg10[%get3A_423, %get3A_424] {strides = array<i32>} : memref<1664x32xf32, #tpu.memory_space<vmem>>, vector<16xf32>,
            %add3A_426 = arith.addf %add3A_398, %get3A_425 : vector<16xf32>
            %add3A_427 = arith.constant 10 : i32
            %add3A_428 = arith.addi %add3A_280, %add3A_427 : i32
            %get3A_429 = arith.index_cast %add3A_428 : i32 to index
            %get3A_430 = arith.constant 16 : index
            %get3A_431 = tpu.vector_load %arg10[%get3A_429, %get3A_430] {strides = array<i32>} : memref<1664x32xf32, #tpu.memory_space<vmem>>, vector<16xf32>,
            %add3A_432 = arith.addf %add3A_404, %get3A_431 : vector<16xf32>
            %add3A_433 = arith.constant 10 : i32
            %add3A_434 = arith.addi %add3A_280, %add3A_433 : i32
            %add3A_435 = arith.constant 1 : i32
            %add3A_436 = arith.addi %add3A_434, %add3A_435 : i32
            %get3A_437 = arith.index_cast %add3A_436 : i32 to index
            %get3A_438 = arith.constant 0 : index
            %get3A_439 = tpu.vector_load %arg10[%get3A_437, %get3A_438] {strides = array<i32>} : memref<1664x32xf32, #tpu.memory_space<vmem>>, vector<16xf32>,
            %add3A_440 = arith.addf %add3A_412, %get3A_439 : vector<16xf32>
            %add3A_441 = arith.constant 10 : i32
            %add3A_442 = arith.addi %add3A_280, %add3A_441 : i32
            %add3A_443 = arith.constant 1 : i32
            %add3A_444 = arith.addi %add3A_442, %add3A_443 : i32
            %get3A_445 = arith.index_cast %add3A_444 : i32 to index
            %get3A_446 = arith.constant 16 : index
            %get3A_447 = tpu.vector_load %arg10[%get3A_445, %get3A_446] {strides = array<i32>} : memref<1664x32xf32, #tpu.memory_space<vmem>>, vector<16xf32>,
            %add3A_448 = arith.addf %add3A_420, %get3A_447 : vector<16xf32>
            %add3A_449 = arith.constant 12 : i32
            %add3A_450 = arith.addi %add3A_280, %add3A_449 : i32
            %get3A_451 = arith.index_cast %add3A_450 : i32 to index
            %get3A_452 = arith.constant 0 : index
            %get3A_453 = tpu.vector_load %arg10[%get3A_451, %get3A_452] {strides = array<i32>} : memref<1664x32xf32, #tpu.memory_space<vmem>>, vector<16xf32>,
            %add3A_454 = arith.addf %add3A_426, %get3A_453 : vector<16xf32>
            %add3A_455 = arith.constant 12 : i32
            %add3A_456 = arith.addi %add3A_280, %add3A_455 : i32
            %get3A_457 = arith.index_cast %add3A_456 : i32 to index
            %get3A_458 = arith.constant 16 : index
            %get3A_459 = tpu.vector_load %arg10[%get3A_457, %get3A_458] {strides = array<i32>} : memref<1664x32xf32, #tpu.memory_space<vmem>>, vector<16xf32>,
            %add3A_460 = arith.addf %add3A_432, %get3A_459 : vector<16xf32>
            %add3A_461 = arith.constant 12 : i32
            %add3A_462 = arith.addi %add3A_280, %add3A_461 : i32
            %add3A_463 = arith.constant 1 : i32
            %add3A_464 = arith.addi %add3A_462, %add3A_463 : i32
            %get3A_465 = arith.index_cast %add3A_464 : i32 to index
            %get3A_466 = arith.constant 0 : index
            %get3A_467 = tpu.vector_load %arg10[%get3A_465, %get3A_466] {strides = array<i32>} : memref<1664x32xf32, #tpu.memory_space<vmem>>, vector<16xf32>,
            %add3A_468 = arith.addf %add3A_440, %get3A_467 : vector<16xf32>
            %add3A_469 = arith.constant 12 : i32
            %add3A_470 = arith.addi %add3A_280, %add3A_469 : i32
            %add3A_471 = arith.constant 1 : i32
            %add3A_472 = arith.addi %add3A_470, %add3A_471 : i32
            %get3A_473 = arith.index_cast %add3A_472 : i32 to index
            %get3A_474 = arith.constant 16 : index
            %get3A_475 = tpu.vector_load %arg10[%get3A_473, %get3A_474] {strides = array<i32>} : memref<1664x32xf32, #tpu.memory_space<vmem>>, vector<16xf32>,
            %add3A_476 = arith.addf %add3A_448, %get3A_475 : vector<16xf32>
            %add3A_477 = arith.constant 14 : i32
            %add3A_478 = arith.addi %add3A_280, %add3A_477 : i32
            %get3A_479 = arith.index_cast %add3A_478 : i32 to index
            %get3A_480 = arith.constant 0 : index
            %get3A_481 = tpu.vector_load %arg10[%get3A_479, %get3A_480] {strides = array<i32>} : memref<1664x32xf32, #tpu.memory_space<vmem>>, vector<16xf32>,
            %add3A_482 = arith.addf %add3A_454, %get3A_481 : vector<16xf32>
            %add3A_483 = arith.constant 14 : i32
            %add3A_484 = arith.addi %add3A_280, %add3A_483 : i32
            %get3A_485 = arith.index_cast %add3A_484 : i32 to index
            %get3A_486 = arith.constant 16 : index
            %get3A_487 = tpu.vector_load %arg10[%get3A_485, %get3A_486] {strides = array<i32>} : memref<1664x32xf32, #tpu.memory_space<vmem>>, vector<16xf32>,
            %add3A_488 = arith.addf %add3A_460, %get3A_487 : vector<16xf32>
            %add3A_489 = arith.constant 14 : i32
            %add3A_490 = arith.addi %add3A_280, %add3A_489 : i32
            %add3A_491 = arith.constant 1 : i32
            %add3A_492 = arith.addi %add3A_490, %add3A_491 : i32
            %get3A_493 = arith.index_cast %add3A_492 : i32 to index
            %get3A_494 = arith.constant 0 : index
            %get3A_495 = tpu.vector_load %arg10[%get3A_493, %get3A_494] {strides = array<i32>} : memref<1664x32xf32, #tpu.memory_space<vmem>>, vector<16xf32>,
            %add3A_496 = arith.addf %add3A_468, %get3A_495 : vector<16xf32>
            %add3A_497 = arith.constant 14 : i32
            %add3A_498 = arith.addi %add3A_280, %add3A_497 : i32
            %add3A_499 = arith.constant 1 : i32
            %add3A_500 = arith.addi %add3A_498, %add3A_499 : i32
            %get3A_501 = arith.index_cast %add3A_500 : i32 to index
            %get3A_502 = arith.constant 16 : index
            %get3A_503 = tpu.vector_load %arg10[%get3A_501, %get3A_502] {strides = array<i32>} : memref<1664x32xf32, #tpu.memory_space<vmem>>, vector<16xf32>,
            %add3A_504 = arith.addf %add3A_476, %get3A_503 : vector<16xf32>
            scf.yield %add3A_482, %add3A_488, %add3A_496, %add3A_504 : vector<16xf32>, vector<16xf32>, vector<16xf32>, vector<16xf32>
          }
          %while3A_220 = arith.constant 1 : i32
          %while3A_221:4 = scf.for %while3A_273 = %while3A_217 to %while3A_213 step %while3A_220 iter_args(%while3A_274 = %while3A_219#0, %while3A_275 = %while3A_219#1, %while3A_276 = %while3A_219#2, %while3A_277 = %while3A_219#3) -> (vector<16xf32>, vector<16xf32>, vector<16xf32>, vector<16xf32>)  : i32 {
            %mul3A_278 = arith.constant 16 : i32
            %mul3A_279 = arith.muli %while3A_273, %mul3A_278 : i32
            %add3A_280 = arith.addi %scan3A_186, %mul3A_279 : i32
            %add3A_281 = arith.constant 0 : i32
            %add3A_282 = arith.addi %add3A_280, %add3A_281 : i32
            %get3A_283 = arith.index_cast %add3A_282 : i32 to index
            %get3A_284 = arith.constant 0 : index
            %get3A_285 = tpu.vector_load %arg10[%get3A_283, %get3A_284] {strides = array<i32>} : memref<1664x32xf32, #tpu.memory_space<vmem>>, vector<16xf32>,
            %add3A_286 = arith.addf %while3A_274, %get3A_285 : vector<16xf32>
            %add3A_287 = arith.constant 0 : i32
            %add3A_288 = arith.addi %add3A_280, %add3A_287 : i32
            %get3A_289 = arith.index_cast %add3A_288 : i32 to index
            %get3A_290 = arith.constant 16 : index
            %get3A_291 = tpu.vector_load %arg10[%get3A_289, %get3A_290] {strides = array<i32>} : memref<1664x32xf32, #tpu.memory_space<vmem>>, vector<16xf32>,
            %add3A_292 = arith.addf %while3A_275, %get3A_291 : vector<16xf32>
            %add3A_293 = arith.constant 0 : i32
            %add3A_294 = arith.addi %add3A_280, %add3A_293 : i32
            %add3A_295 = arith.constant 1 : i32
            %add3A_296 = arith.addi %add3A_294, %add3A_295 : i32
            %get3A_297 = arith.index_cast %add3A_296 : i32 to index
            %get3A_298 = arith.constant 0 : index
            %get3A_299 = tpu.vector_load %arg10[%get3A_297, %get3A_298] {strides = array<i32>} : memref<1664x32xf32, #tpu.memory_space<vmem>>, vector<16xf32>,
            %add3A_300 = arith.addf %while3A_276, %get3A_299 : vector<16xf32>
            %add3A_301 = arith.constant 0 : i32
            %add3A_302 = arith.addi %add3A_280, %add3A_301 : i32
            %add3A_303 = arith.constant 1 : i32
            %add3A_304 = arith.addi %add3A_302, %add3A_303 : i32
            %get3A_305 = arith.index_cast %add3A_304 : i32 to index
            %get3A_306 = arith.constant 16 : index
            %get3A_307 = tpu.vector_load %arg10[%get3A_305, %get3A_306] {strides = array<i32>} : memref<1664x32xf32, #tpu.memory_space<vmem>>, vector<16xf32>,
            %add3A_308 = arith.addf %while3A_277, %get3A_307 : vector<16xf32>
            %add3A_309 = arith.constant 2 : i32
            %add3A_310 = arith.addi %add3A_280, %add3A_309 : i32
            %get3A_311 = arith.index_cast %add3A_310 : i32 to index
            %get3A_312 = arith.constant 0 : index
            %get3A_313 = tpu.vector_load %arg10[%get3A_311, %get3A_312] {strides = array<i32>} : memref<1664x32xf32, #tpu.memory_space<vmem>>, vector<16xf32>,
            %add3A_314 = arith.addf %add3A_286, %get3A_313 : vector<16xf32>
            %add3A_315 = arith.constant 2 : i32
            %add3A_316 = arith.addi %add3A_280, %add3A_315 : i32
            %get3A_317 = arith.index_cast %add3A_316 : i32 to index
            %get3A_318 = arith.constant 16 : index
            %get3A_319 = tpu.vector_load %arg10[%get3A_317, %get3A_318] {strides = array<i32>} : memref<1664x32xf32, #tpu.memory_space<vmem>>, vector<16xf32>,
            %add3A_320 = arith.addf %add3A_292, %get3A_319 : vector<16xf32>
            %add3A_321 = arith.constant 2 : i32
            %add3A_322 = arith.addi %add3A_280, %add3A_321 : i32
            %add3A_323 = arith.constant 1 : i32
            %add3A_324 = arith.addi %add3A_322, %add3A_323 : i32
            %get3A_325 = arith.index_cast %add3A_324 : i32 to index
            %get3A_326 = arith.constant 0 : index
            %get3A_327 = tpu.vector_load %arg10[%get3A_325, %get3A_326] {strides = array<i32>} : memref<1664x32xf32, #tpu.memory_space<vmem>>, vector<16xf32>,
            %add3A_328 = arith.addf %add3A_300, %get3A_327 : vector<16xf32>
            %add3A_329 = arith.constant 2 : i32
            %add3A_330 = arith.addi %add3A_280, %add3A_329 : i32
            %add3A_331 = arith.constant 1 : i32
            %add3A_332 = arith.addi %add3A_330, %add3A_331 : i32
            %get3A_333 = arith.index_cast %add3A_332 : i32 to index
            %get3A_334 = arith.constant 16 : index
            %get3A_335 = tpu.vector_load %arg10[%get3A_333, %get3A_334] {strides = array<i32>} : memref<1664x32xf32, #tpu.memory_space<vmem>>, vector<16xf32>,
            %add3A_336 = arith.addf %add3A_308, %get3A_335 : vector<16xf32>
            %add3A_337 = arith.constant 4 : i32
            %add3A_338 = arith.addi %add3A_280, %add3A_337 : i32
            %get3A_339 = arith.index_cast %add3A_338 : i32 to index
            %get3A_340 = arith.constant 0 : index
            %get3A_341 = tpu.vector_load %arg10[%get3A_339, %get3A_340] {strides = array<i32>} : memref<1664x32xf32, #tpu.memory_space<vmem>>, vector<16xf32>,
            %add3A_342 = arith.addf %add3A_314, %get3A_341 : vector<16xf32>
            %add3A_343 = arith.constant 4 : i32
            %add3A_344 = arith.addi %add3A_280, %add3A_343 : i32
            %get3A_345 = arith.index_cast %add3A_344 : i32 to index
            %get3A_346 = arith.constant 16 : index
            %get3A_347 = tpu.vector_load %arg10[%get3A_345, %get3A_346] {strides = array<i32>} : memref<1664x32xf32, #tpu.memory_space<vmem>>, vector<16xf32>,
            %add3A_348 = arith.addf %add3A_320, %get3A_347 : vector<16xf32>
            %add3A_349 = arith.constant 4 : i32
            %add3A_350 = arith.addi %add3A_280, %add3A_349 : i32
            %add3A_351 = arith.constant 1 : i32
            %add3A_352 = arith.addi %add3A_350, %add3A_351 : i32
            %get3A_353 = arith.index_cast %add3A_352 : i32 to index
            %get3A_354 = arith.constant 0 : index
            %get3A_355 = tpu.vector_load %arg10[%get3A_353, %get3A_354] {strides = array<i32>} : memref<1664x32xf32, #tpu.memory_space<vmem>>, vector<16xf32>,
            %add3A_356 = arith.addf %add3A_328, %get3A_355 : vector<16xf32>
            %add3A_357 = arith.constant 4 : i32
            %add3A_358 = arith.addi %add3A_280, %add3A_357 : i32
            %add3A_359 = arith.constant 1 : i32
            %add3A_360 = arith.addi %add3A_358, %add3A_359 : i32
            %get3A_361 = arith.index_cast %add3A_360 : i32 to index
            %get3A_362 = arith.constant 16 : index
            %get3A_363 = tpu.vector_load %arg10[%get3A_361, %get3A_362] {strides = array<i32>} : memref<1664x32xf32, #tpu.memory_space<vmem>>, vector<16xf32>,
            %add3A_364 = arith.addf %add3A_336, %get3A_363 : vector<16xf32>
            %add3A_365 = arith.constant 6 : i32
            %add3A_366 = arith.addi %add3A_280, %add3A_365 : i32
            %get3A_367 = arith.index_cast %add3A_366 : i32 to index
            %get3A_368 = arith.constant 0 : index
            %get3A_369 = tpu.vector_load %arg10[%get3A_367, %get3A_368] {strides = array<i32>} : memref<1664x32xf32, #tpu.memory_space<vmem>>, vector<16xf32>,
            %add3A_370 = arith.addf %add3A_342, %get3A_369 : vector<16xf32>
            %add3A_371 = arith.constant 6 : i32
            %add3A_372 = arith.addi %add3A_280, %add3A_371 : i32
            %get3A_373 = arith.index_cast %add3A_372 : i32 to index
            %get3A_374 = arith.constant 16 : index
            %get3A_375 = tpu.vector_load %arg10[%get3A_373, %get3A_374] {strides = array<i32>} : memref<1664x32xf32, #tpu.memory_space<vmem>>, vector<16xf32>,
            %add3A_376 = arith.addf %add3A_348, %get3A_375 : vector<16xf32>
            %add3A_377 = arith.constant 6 : i32
            %add3A_378 = arith.addi %add3A_280, %add3A_377 : i32
            %add3A_379 = arith.constant 1 : i32
            %add3A_380 = arith.addi %add3A_378, %add3A_379 : i32
            %get3A_381 = arith.index_cast %add3A_380 : i32 to index
            %get3A_382 = arith.constant 0 : index
            %get3A_383 = tpu.vector_load %arg10[%get3A_381, %get3A_382] {strides = array<i32>} : memref<1664x32xf32, #tpu.memory_space<vmem>>, vector<16xf32>,
            %add3A_384 = arith.addf %add3A_356, %get3A_383 : vector<16xf32>
            %add3A_385 = arith.constant 6 : i32
            %add3A_386 = arith.addi %add3A_280, %add3A_385 : i32
            %add3A_387 = arith.constant 1 : i32
            %add3A_388 = arith.addi %add3A_386, %add3A_387 : i32
            %get3A_389 = arith.index_cast %add3A_388 : i32 to index
            %get3A_390 = arith.constant 16 : index
            %get3A_391 = tpu.vector_load %arg10[%get3A_389, %get3A_390] {strides = array<i32>} : memref<1664x32xf32, #tpu.memory_space<vmem>>, vector<16xf32>,
            %add3A_392 = arith.addf %add3A_364, %get3A_391 : vector<16xf32>
            %add3A_393 = arith.constant 8 : i32
            %add3A_394 = arith.addi %add3A_280, %add3A_393 : i32
            %get3A_395 = arith.index_cast %add3A_394 : i32 to index
            %get3A_396 = arith.constant 0 : index
            %get3A_397 = tpu.vector_load %arg10[%get3A_395, %get3A_396] {strides = array<i32>} : memref<1664x32xf32, #tpu.memory_space<vmem>>, vector<16xf32>,
            %add3A_398 = arith.addf %add3A_370, %get3A_397 : vector<16xf32>
            %add3A_399 = arith.constant 8 : i32
            %add3A_400 = arith.addi %add3A_280, %add3A_399 : i32
            %get3A_401 = arith.index_cast %add3A_400 : i32 to index
            %get3A_402 = arith.constant 16 : index
            %get3A_403 = tpu.vector_load %arg10[%get3A_401, %get3A_402] {strides = array<i32>} : memref<1664x32xf32, #tpu.memory_space<vmem>>, vector<16xf32>,
            %add3A_404 = arith.addf %add3A_376, %get3A_403 : vector<16xf32>
            %add3A_405 = arith.constant 8 : i32
            %add3A_406 = arith.addi %add3A_280, %add3A_405 : i32
            %add3A_407 = arith.constant 1 : i32
            %add3A_408 = arith.addi %add3A_406, %add3A_407 : i32
            %get3A_409 = arith.index_cast %add3A_408 : i32 to index
            %get3A_410 = arith.constant 0 : index
            %get3A_411 = tpu.vector_load %arg10[%get3A_409, %get3A_410] {strides = array<i32>} : memref<1664x32xf32, #tpu.memory_space<vmem>>, vector<16xf32>,
            %add3A_412 = arith.addf %add3A_384, %get3A_411 : vector<16xf32>
            %add3A_413 = arith.constant 8 : i32
            %add3A_414 = arith.addi %add3A_280, %add3A_413 : i32
            %add3A_415 = arith.constant 1 : i32
            %add3A_416 = arith.addi %add3A_414, %add3A_415 : i32
            %get3A_417 = arith.index_cast %add3A_416 : i32 to index
            %get3A_418 = arith.constant 16 : index
            %get3A_419 = tpu.vector_load %arg10[%get3A_417, %get3A_418] {strides = array<i32>} : memref<1664x32xf32, #tpu.memory_space<vmem>>, vector<16xf32>,
            %add3A_420 = arith.addf %add3A_392, %get3A_419 : vector<16xf32>
            %add3A_421 = arith.constant 10 : i32
            %add3A_422 = arith.addi %add3A_280, %add3A_421 : i32
            %get3A_423 = arith.index_cast %add3A_422 : i32 to index
            %get3A_424 = arith.constant 0 : index
            %get3A_425 = tpu.vector_load %arg10[%get3A_423, %get3A_424] {strides = array<i32>} : memref<1664x32xf32, #tpu.memory_space<vmem>>, vector<16xf32>,
            %add3A_426 = arith.addf %add3A_398, %get3A_425 : vector<16xf32>
            %add3A_427 = arith.constant 10 : i32
            %add3A_428 = arith.addi %add3A_280, %add3A_427 : i32
            %get3A_429 = arith.index_cast %add3A_428 : i32 to index
            %get3A_430 = arith.constant 16 : index
            %get3A_431 = tpu.vector_load %arg10[%get3A_429, %get3A_430] {strides = array<i32>} : memref<1664x32xf32, #tpu.memory_space<vmem>>, vector<16xf32>,
            %add3A_432 = arith.addf %add3A_404, %get3A_431 : vector<16xf32>
            %add3A_433 = arith.constant 10 : i32
            %add3A_434 = arith.addi %add3A_280, %add3A_433 : i32
            %add3A_435 = arith.constant 1 : i32
            %add3A_436 = arith.addi %add3A_434, %add3A_435 : i32
            %get3A_437 = arith.index_cast %add3A_436 : i32 to index
            %get3A_438 = arith.constant 0 : index
            %get3A_439 = tpu.vector_load %arg10[%get3A_437, %get3A_438] {strides = array<i32>} : memref<1664x32xf32, #tpu.memory_space<vmem>>, vector<16xf32>,
            %add3A_440 = arith.addf %add3A_412, %get3A_439 : vector<16xf32>
            %add3A_441 = arith.constant 10 : i32
            %add3A_442 = arith.addi %add3A_280, %add3A_441 : i32
            %add3A_443 = arith.constant 1 : i32
            %add3A_444 = arith.addi %add3A_442, %add3A_443 : i32
            %get3A_445 = arith.index_cast %add3A_444 : i32 to index
            %get3A_446 = arith.constant 16 : index
            %get3A_447 = tpu.vector_load %arg10[%get3A_445, %get3A_446] {strides = array<i32>} : memref<1664x32xf32, #tpu.memory_space<vmem>>, vector<16xf32>,
            %add3A_448 = arith.addf %add3A_420, %get3A_447 : vector<16xf32>
            %add3A_449 = arith.constant 12 : i32
            %add3A_450 = arith.addi %add3A_280, %add3A_449 : i32
            %get3A_451 = arith.index_cast %add3A_450 : i32 to index
            %get3A_452 = arith.constant 0 : index
            %get3A_453 = tpu.vector_load %arg10[%get3A_451, %get3A_452] {strides = array<i32>} : memref<1664x32xf32, #tpu.memory_space<vmem>>, vector<16xf32>,
            %add3A_454 = arith.addf %add3A_426, %get3A_453 : vector<16xf32>
            %add3A_455 = arith.constant 12 : i32
            %add3A_456 = arith.addi %add3A_280, %add3A_455 : i32
            %get3A_457 = arith.index_cast %add3A_456 : i32 to index
            %get3A_458 = arith.constant 16 : index
            %get3A_459 = tpu.vector_load %arg10[%get3A_457, %get3A_458] {strides = array<i32>} : memref<1664x32xf32, #tpu.memory_space<vmem>>, vector<16xf32>,
            %add3A_460 = arith.addf %add3A_432, %get3A_459 : vector<16xf32>
            %add3A_461 = arith.constant 12 : i32
            %add3A_462 = arith.addi %add3A_280, %add3A_461 : i32
            %add3A_463 = arith.constant 1 : i32
            %add3A_464 = arith.addi %add3A_462, %add3A_463 : i32
            %get3A_465 = arith.index_cast %add3A_464 : i32 to index
            %get3A_466 = arith.constant 0 : index
            %get3A_467 = tpu.vector_load %arg10[%get3A_465, %get3A_466] {strides = array<i32>} : memref<1664x32xf32, #tpu.memory_space<vmem>>, vector<16xf32>,
            %add3A_468 = arith.addf %add3A_440, %get3A_467 : vector<16xf32>
            %add3A_469 = arith.constant 12 : i32
            %add3A_470 = arith.addi %add3A_280, %add3A_469 : i32
            %add3A_471 = arith.constant 1 : i32
            %add3A_472 = arith.addi %add3A_470, %add3A_471 : i32
            %get3A_473 = arith.index_cast %add3A_472 : i32 to index
            %get3A_474 = arith.constant 16 : index
            %get3A_475 = tpu.vector_load %arg10[%get3A_473, %get3A_474] {strides = array<i32>} : memref<1664x32xf32, #tpu.memory_space<vmem>>, vector<16xf32>,
            %add3A_476 = arith.addf %add3A_448, %get3A_475 : vector<16xf32>
            %add3A_477 = arith.constant 14 : i32
            %add3A_478 = arith.addi %add3A_280, %add3A_477 : i32
            %get3A_479 = arith.index_cast %add3A_478 : i32 to index
            %get3A_480 = arith.constant 0 : index
            %get3A_481 = tpu.vector_load %arg10[%get3A_479, %get3A_480] {strides = array<i32>} : memref<1664x32xf32, #tpu.memory_space<vmem>>, vector<16xf32>,
            %add3A_482 = arith.addf %add3A_454, %get3A_481 : vector<16xf32>
            %add3A_483 = arith.constant 14 : i32
            %add3A_484 = arith.addi %add3A_280, %add3A_483 : i32
            %get3A_485 = arith.index_cast %add3A_484 : i32 to index
            %get3A_486 = arith.constant 16 : index
            %get3A_487 = tpu.vector_load %arg10[%get3A_485, %get3A_486] {strides = array<i32>} : memref<1664x32xf32, #tpu.memory_space<vmem>>, vector<16xf32>,
            %add3A_488 = arith.addf %add3A_460, %get3A_487 : vector<16xf32>
            %add3A_489 = arith.constant 14 : i32
            %add3A_490 = arith.addi %add3A_280, %add3A_489 : i32
            %add3A_491 = arith.constant 1 : i32
            %add3A_492 = arith.addi %add3A_490, %add3A_491 : i32
            %get3A_493 = arith.index_cast %add3A_492 : i32 to index
            %get3A_494 = arith.constant 0 : index
            %get3A_495 = tpu.vector_load %arg10[%get3A_493, %get3A_494] {strides = array<i32>} : memref<1664x32xf32, #tpu.memory_space<vmem>>, vector<16xf32>,
            %add3A_496 = arith.addf %add3A_468, %get3A_495 : vector<16xf32>
            %add3A_497 = arith.constant 14 : i32
            %add3A_498 = arith.addi %add3A_280, %add3A_497 : i32
            %add3A_499 = arith.constant 1 : i32
            %add3A_500 = arith.addi %add3A_498, %add3A_499 : i32
            %get3A_501 = arith.index_cast %add3A_500 : i32 to index
            %get3A_502 = arith.constant 16 : index
            %get3A_503 = tpu.vector_load %arg10[%get3A_501, %get3A_502] {strides = array<i32>} : memref<1664x32xf32, #tpu.memory_space<vmem>>, vector<16xf32>,
            %add3A_504 = arith.addf %add3A_476, %get3A_503 : vector<16xf32>
            scf.yield %add3A_482, %add3A_488, %add3A_496, %add3A_504 : vector<16xf32>, vector<16xf32>, vector<16xf32>, vector<16xf32>
          }
          %add3A_222 = arith.addf %while3A_221#0, %while3A_221#2 : vector<16xf32>
          %add3A_223 = arith.addf %while3A_221#1, %while3A_221#3 : vector<16xf32>
          %shift_left3A_224 = arith.constant 4 : i32
          %shift_left3A_225 = arith.shli %shift_right_arithmetic3A_204, %shift_left3A_224 : i32
          %while3A_226 = arith.subi %reduce_sum3A_202, %shift_left3A_225 : i32
          %while3A_227 = arith.addi %shift_left3A_225, %while3A_226 : i32
          %while3A_228 = arith.constant 1 : i32
          %while3A_229 = arith.divsi %while3A_226, %while3A_228 : i32
          %while3A_230 = arith.muli %while3A_229, %while3A_228 : i32
          %while3A_231 = arith.addi %shift_left3A_225, %while3A_230 : i32
          %while3A_232 = arith.constant 1 : i32
          %while3A_233:2 = scf.for %while3A_273 = %shift_left3A_225 to %while3A_231 step %while3A_232 iter_args(%while3A_274 = %add3A_222, %while3A_275 = %add3A_223) -> (vector<16xf32>, vector<16xf32>)  : i32 {
            %add3A_276 = arith.addi %scan3A_186, %while3A_273 : i32
            %get3A_277 = arith.index_cast %add3A_276 : i32 to index
            %get3A_278 = arith.constant 0 : index
            %get3A_279 = tpu.vector_load %arg10[%get3A_277, %get3A_278] {strides = array<i32>} : memref<1664x32xf32, #tpu.memory_space<vmem>>, vector<16xf32>,
            %add3A_280 = arith.addf %while3A_274, %get3A_279 : vector<16xf32>
            %get3A_281 = arith.index_cast %add3A_276 : i32 to index
            %get3A_282 = arith.constant 16 : index
            %get3A_283 = tpu.vector_load %arg10[%get3A_281, %get3A_282] {strides = array<i32>} : memref<1664x32xf32, #tpu.memory_space<vmem>>, vector<16xf32>,
            %add3A_284 = arith.addf %while3A_275, %get3A_283 : vector<16xf32>
            scf.yield %add3A_280, %add3A_284 : vector<16xf32>, vector<16xf32>
          }
          %while3A_234 = arith.constant 1 : i32
          %while3A_235:2 = scf.for %while3A_273 = %while3A_231 to %while3A_227 step %while3A_234 iter_args(%while3A_274 = %while3A_233#0, %while3A_275 = %while3A_233#1) -> (vector<16xf32>, vector<16xf32>)  : i32 {
            %add3A_276 = arith.addi %scan3A_186, %while3A_273 : i32
            %get3A_277 = arith.index_cast %add3A_276 : i32 to index
            %get3A_278 = arith.constant 0 : index
            %get3A_279 = tpu.vector_load %arg10[%get3A_277, %get3A_278] {strides = array<i32>} : memref<1664x32xf32, #tpu.memory_space<vmem>>, vector<16xf32>,
            %add3A_280 = arith.addf %while3A_274, %get3A_279 : vector<16xf32>
            %get3A_281 = arith.index_cast %add3A_276 : i32 to index
            %get3A_282 = arith.constant 16 : index
            %get3A_283 = tpu.vector_load %arg10[%get3A_281, %get3A_282] {strides = array<i32>} : memref<1664x32xf32, #tpu.memory_space<vmem>>, vector<16xf32>,
            %add3A_284 = arith.addf %while3A_275, %get3A_283 : vector<16xf32>
            scf.yield %add3A_280, %add3A_284 : vector<16xf32>, vector<16xf32>
          }
          %while3A_236 = arith.constant 0 : i32
          %while3A_237 = arith.subi %shift_right_arithmetic3A_208, %while3A_236 : i32
          %while3A_238 = arith.addi %while3A_236, %while3A_237 : i32
          %while3A_239 = arith.constant 1 : i32
          %while3A_240 = arith.divsi %while3A_237, %while3A_239 : i32
          %while3A_241 = arith.muli %while3A_240, %while3A_239 : i32
          %while3A_242 = arith.addi %while3A_236, %while3A_241 : i32
          %while3A_243 = arith.constant 1 : i32
          %while3A_244 = scf.for %while3A_273 = %while3A_236 to %while3A_242 step %while3A_243 iter_args(%while3A_274 = %broadcast_in_dim3A_3) -> (vector<16xi32>)  : i32 {
            %mul3A_275 = arith.constant 16 : i32
            %mul3A_276 = arith.muli %while3A_273, %mul3A_275 : i32
            %add3A_277 = arith.addi %scan3A_186, %mul3A_276 : i32
            %shift_right_arithmetic3A_278 = arith.constant 7 : i32
            %shift_right_arithmetic3A_279 = arith.shrsi %add3A_277, %shift_right_arithmetic3A_278 : i32
            %and3A_280 = arith.constant 127 : i32
            %and3A_281 = arith.andi %add3A_277, %and3A_280 : i32
            %get3A_282 = arith.index_cast %shift_right_arithmetic3A_279 : i32 to index
            %get3A_283 = arith.index_cast %and3A_281 : i32 to index
            %get3A_284 = tpu.vector_load %arg8[%get3A_282, %get3A_283] {strides = array<i32>} : memref<13x128xi32, #tpu.memory_space<vmem>>, vector<16xi32>,
            %mul3A_285 = arith.constant 16 : i32
            %mul3A_286 = arith.muli %while3A_273, %mul3A_285 : i32
            %add3A_287 = vector.broadcast %mul3A_286 : i32 to vector<16xi32>
            %add3A_288 = arith.addi %add3A_287, %iota3A : vector<16xi32>
            %lt3A = vector.broadcast %reduce_sum3A_202 : i32 to vector<16xi32>
            %lt3A_289 = arith.cmpi slt, %add3A_288, %lt3A : vector<16xi32>
            %eq3A_290 = arith.constant 0 : i32
            %eq3A_291 = vector.broadcast %eq3A_290 : i32 to vector<16xi32>
            %eq3A_292 = arith.cmpi eq, %get3A_284, %eq3A_291 : vector<16xi32>
            %and3A_293 = arith.andi %lt3A_289, %eq3A_292 : vector<16xi1>
            %jit3A_294 = arith.constant 1 : i32
            %jit3A_295 = arith.constant 0 : i32
            %broadcast_in_dim3A_296 = vector.broadcast %jit3A_294 : i32 to vector<16xi32>
            %broadcast_in_dim3A_297 = vector.broadcast %jit3A_295 : i32 to vector<16xi32>
            %select_n3A_298 = arith.select %and3A_293, %broadcast_in_dim3A_296, %broadcast_in_dim3A_297 : vector<16xi1>, vector<16xi32>
            %add3A_299 = arith.addi %while3A_274, %select_n3A_298 : vector<16xi32>
            scf.yield %add3A_299 : vector<16xi32>
          }
          %while3A_245 = arith.constant 1 : i32
          %while3A_246 = scf.for %while3A_273 = %while3A_242 to %while3A_238 step %while3A_245 iter_args(%while3A_274 = %while3A_244) -> (vector<16xi32>)  : i32 {
            %mul3A_275 = arith.constant 16 : i32
            %mul3A_276 = arith.muli %while3A_273, %mul3A_275 : i32
            %add3A_277 = arith.addi %scan3A_186, %mul3A_276 : i32
            %shift_right_arithmetic3A_278 = arith.constant 7 : i32
            %shift_right_arithmetic3A_279 = arith.shrsi %add3A_277, %shift_right_arithmetic3A_278 : i32
            %and3A_280 = arith.constant 127 : i32
            %and3A_281 = arith.andi %add3A_277, %and3A_280 : i32
            %get3A_282 = arith.index_cast %shift_right_arithmetic3A_279 : i32 to index
            %get3A_283 = arith.index_cast %and3A_281 : i32 to index
            %get3A_284 = tpu.vector_load %arg8[%get3A_282, %get3A_283] {strides = array<i32>} : memref<13x128xi32, #tpu.memory_space<vmem>>, vector<16xi32>,
            %mul3A_285 = arith.constant 16 : i32
            %mul3A_286 = arith.muli %while3A_273, %mul3A_285 : i32
            %add3A_287 = vector.broadcast %mul3A_286 : i32 to vector<16xi32>
            %add3A_288 = arith.addi %add3A_287, %iota3A : vector<16xi32>
            %lt3A = vector.broadcast %reduce_sum3A_202 : i32 to vector<16xi32>
            %lt3A_289 = arith.cmpi slt, %add3A_288, %lt3A : vector<16xi32>
            %eq3A_290 = arith.constant 0 : i32
            %eq3A_291 = vector.broadcast %eq3A_290 : i32 to vector<16xi32>
            %eq3A_292 = arith.cmpi eq, %get3A_284, %eq3A_291 : vector<16xi32>
            %and3A_293 = arith.andi %lt3A_289, %eq3A_292 : vector<16xi1>
            %jit3A_294 = arith.constant 1 : i32
            %jit3A_295 = arith.constant 0 : i32
            %broadcast_in_dim3A_296 = vector.broadcast %jit3A_294 : i32 to vector<16xi32>
            %broadcast_in_dim3A_297 = vector.broadcast %jit3A_295 : i32 to vector<16xi32>
            %select_n3A_298 = arith.select %and3A_293, %broadcast_in_dim3A_296, %broadcast_in_dim3A_297 : vector<16xi1>, vector<16xi32>
            %add3A_299 = arith.addi %while3A_274, %select_n3A_298 : vector<16xi32>
            scf.yield %add3A_299 : vector<16xi32>
          }
          %reduce_sum3A_247 = arith.constant true
          %reduce_sum3A_248 = vector.broadcast %reduce_sum3A_247 : i1 to vector<16xi1>
          %reduce_sum3A_249 = tpu.scan <sum>, %while3A_246 masked %reduce_sum3A_248 : vector<16xi32>, vector<16xi1> -> vector<16xi32>
          %reduce_sum3A_250 = vector.extract %reduce_sum3A_249[15] : i32 from vector<16xi32>
          %broadcast_in_dim3A_251 = vector.broadcast %reduce_sum3A_250 : i32 to vector<16xi32>
          %convert_element_type3A_252 = arith.sitofp %broadcast_in_dim3A_251 : vector<16xi32> to vector<16xf32>
          %max3A = arith.constant 1 : i32
          %max3A_253 = arith.maxsi %reduce_sum3A_202, %max3A : i32
          %broadcast_in_dim3A_254 = vector.broadcast %max3A_253 : i32 to vector<16xi32>
          %broadcast_in_dim3A_255 = arith.constant 1.000000e+00 : f32
          %broadcast_in_dim3A_256 = vector.broadcast %broadcast_in_dim3A_255 : f32 to vector<16xf32>
          %convert_element_type3A_257 = arith.sitofp %broadcast_in_dim3A_254 : vector<16xi32> to vector<16xf32>
          %div3A = arith.divf %broadcast_in_dim3A_256, %convert_element_type3A_257 : vector<16xf32>
          %mul3A_258 = arith.mulf %convert_element_type3A_252, %get3A_6 : vector<16xf32>
          %sub3A_259 = arith.subf %while3A_235#0, %mul3A_258 : vector<16xf32>
          %mul3A_260 = arith.mulf %sub3A_259, %div3A : vector<16xf32>
          %swap3A_261 = arith.index_cast %scan3A_185 : i32 to index
          %swap3A_262 = arith.constant 0 : index
          %swap3A_263 = tpu.vector_load %arg12[%swap3A_261, %swap3A_262] {strides = array<i32>} : memref<8x32xf32, #tpu.memory_space<vmem>>, vector<16xf32>,
          tpu.vector_store %arg12[%swap3A_261, %swap3A_262], %mul3A_260 {strides = array<i32>} : memref<8x32xf32, #tpu.memory_space<vmem>>, vector<16xf32>,
          %mul3A_264 = arith.mulf %convert_element_type3A_252, %get3A_10 : vector<16xf32>
          %sub3A_265 = arith.subf %while3A_235#1, %mul3A_264 : vector<16xf32>
          %mul3A_266 = arith.mulf %sub3A_265, %div3A : vector<16xf32>
          %swap3A_267 = arith.index_cast %scan3A_185 : i32 to index
          %swap3A_268 = arith.constant 16 : index
          %swap3A_269 = tpu.vector_load %arg12[%swap3A_267, %swap3A_268] {strides = array<i32>} : memref<8x32xf32, #tpu.memory_space<vmem>>, vector<16xf32>,
          tpu.vector_store %arg12[%swap3A_267, %swap3A_268], %mul3A_266 {strides = array<i32>} : memref<8x32xf32, #tpu.memory_space<vmem>>, vector<16xf32>,
          %shift_left3A_270 = arith.constant 4 : i32
          %shift_left3A_271 = arith.shli %shift_right_arithmetic3A_208, %shift_left3A_270 : i32
          %add3A_272 = arith.addi %scan3A_186, %shift_left3A_271 : i32
          scf.yield %add3A_272 : i32
        }
        %scan3A_184 = arith.constant 8 : i32
        "tpu.region"() ({
          %run_scoped3A = tpu.sem_alloc : memref<!tpu.dma_semaphore, #tpu.memory_space<semaphore_mem>>
          %dma_start3A = arith.constant 0 : i32
          %dma_start3A_185 = tpu.memref_slice %arg5[%add3A_165, %dma_start3A] : memref<16384x32xf32, #tpu.memory_space<hbm>> -> memref<8x32xf32, #tpu.memory_space<hbm>>
          %dma_start3A_186 = arith.constant 0 : i32
          %dma_start3A_187 = tpu.memref_slice %arg5[%add3A_165, %dma_start3A_186] : memref<16384x32xf32, #tpu.memory_space<hbm>> -> memref<8x32xf32, #tpu.memory_space<hbm>>
          tpu.enqueue_dma source(%arg12 : memref<8x32xf32, #tpu.memory_space<vmem>>) target(%dma_start3A_187 : memref<8x32xf32, #tpu.memory_space<hbm>>) target_semaphore(%run_scoped3A : memref<!tpu.dma_semaphore, #tpu.memory_space<semaphore_mem>>)
          %dma_wait3A = arith.constant 0 : i32
          %dma_wait3A_188 = tpu.memref_slice %arg5[%add3A_165, %dma_wait3A] : memref<16384x32xf32, #tpu.memory_space<hbm>> -> memref<8x32xf32, #tpu.memory_space<hbm>>
          %dma_wait3A_189 = arith.constant 0 : i32
          %dma_wait3A_190 = tpu.memref_slice %arg5[%add3A_165, %dma_wait3A_189] : memref<16384x32xf32, #tpu.memory_space<hbm>> -> memref<8x32xf32, #tpu.memory_space<hbm>>
          tpu.wait_dma2 semaphore(%run_scoped3A : memref<!tpu.dma_semaphore, #tpu.memory_space<semaphore_mem>>) src(%arg12 : memref<8x32xf32, #tpu.memory_space<vmem>>) dst(%dma_wait3A_190 : memref<8x32xf32, #tpu.memory_space<hbm>>)
          tpu.yield
        }) : () -> ()
        scf.yield %shift_right_arithmetic3A_148 : i32
      }
      scf.yield %cond3A_132 : i32
    }
    %scan3A_105 = arith.constant 63 : i32
    %add3A_106 = arith.constant 504 : i32
    %add3A_107 = arith.addi %mul3A_2, %add3A_106 : i32
    %while3A_108 = arith.constant 0 : i32
    %while3A_109 = arith.constant 0 : i32
    %while3A_110 = arith.subi %scan3A_104, %while3A_108 : i32
    %while3A_111 = arith.addi %while3A_108, %while3A_110 : i32
    %while3A_112 = arith.constant 1 : i32
    %while3A_113 = arith.divsi %while3A_110, %while3A_112 : i32
    %while3A_114 = arith.muli %while3A_113, %while3A_112 : i32
    %while3A_115 = arith.addi %while3A_108, %while3A_114 : i32
    %while3A_116 = arith.constant 1 : i32
    %while3A_117 = scf.for %while3A_127 = %while3A_108 to %while3A_115 step %while3A_116 iter_args(%while3A_128 = %while3A_109) -> (i32)  : i32 {
      %mul3A_129 = arith.constant 128 : i32
      %mul3A_130 = arith.muli %while3A_127, %mul3A_129 : i32
      %dma_wait3A = arith.constant 0 : i32
      %dma_wait3A_131 = tpu.memref_slice %arg10[%mul3A_130, %dma_wait3A] : memref<1664x32xf32, #tpu.memory_space<vmem>> -> memref<128x32xf32, #tpu.memory_space<vmem>>
      %dma_wait3A_132 = arith.constant 0 : i32
      %dma_wait3A_133 = tpu.memref_slice %arg8[%while3A_127, %dma_wait3A_132] : memref<13x128xi32, #tpu.memory_space<vmem>> -> memref<1x128xi32, #tpu.memory_space<vmem>>
      %dma_wait3A_134 = tpu.memref_squeeze %dma_wait3A_133 : memref<1x128xi32, #tpu.memory_space<vmem>> -> memref<128xi32, #tpu.memory_space<vmem>>
      %dma_wait3A_135 = arith.constant 0 : i32
      %dma_wait3A_136 = arith.constant 0 : i32
      %dma_wait3A_137 = tpu.memref_slice %arg4[%dma_wait3A_135, %dma_wait3A_136] : memref<1000000x32xf32, #tpu.memory_space<hbm>> -> memref<1000000x32xf32, #tpu.memory_space<hbm>>
      tpu.wait_indirect_dma semaphore(%arg15 : memref<!tpu.dma_semaphore, #tpu.memory_space<semaphore_mem>>) src(%dma_wait3A_137 : memref<1000000x32xf32, #tpu.memory_space<hbm>>) dst(%dma_wait3A_131 : memref<128x32xf32, #tpu.memory_space<vmem>>)
      %while3A_138 = arith.constant 0 : i32
      scf.yield %while3A_138 : i32
    }
    %while3A_118 = arith.constant 1 : i32
    %while3A_119 = scf.for %while3A_127 = %while3A_115 to %while3A_111 step %while3A_118 iter_args(%while3A_128 = %while3A_117) -> (i32)  : i32 {
      %mul3A_129 = arith.constant 128 : i32
      %mul3A_130 = arith.muli %while3A_127, %mul3A_129 : i32
      %dma_wait3A = arith.constant 0 : i32
      %dma_wait3A_131 = tpu.memref_slice %arg10[%mul3A_130, %dma_wait3A] : memref<1664x32xf32, #tpu.memory_space<vmem>> -> memref<128x32xf32, #tpu.memory_space<vmem>>
      %dma_wait3A_132 = arith.constant 0 : i32
      %dma_wait3A_133 = tpu.memref_slice %arg8[%while3A_127, %dma_wait3A_132] : memref<13x128xi32, #tpu.memory_space<vmem>> -> memref<1x128xi32, #tpu.memory_space<vmem>>
      %dma_wait3A_134 = tpu.memref_squeeze %dma_wait3A_133 : memref<1x128xi32, #tpu.memory_space<vmem>> -> memref<128xi32, #tpu.memory_space<vmem>>
      %dma_wait3A_135 = arith.constant 0 : i32
      %dma_wait3A_136 = arith.constant 0 : i32
      %dma_wait3A_137 = tpu.memref_slice %arg4[%dma_wait3A_135, %dma_wait3A_136] : memref<1000000x32xf32, #tpu.memory_space<hbm>> -> memref<1000000x32xf32, #tpu.memory_space<hbm>>
      tpu.wait_indirect_dma semaphore(%arg15 : memref<!tpu.dma_semaphore, #tpu.memory_space<semaphore_mem>>) src(%dma_wait3A_137 : memref<1000000x32xf32, #tpu.memory_space<hbm>>) dst(%dma_wait3A_131 : memref<128x32xf32, #tpu.memory_space<vmem>>)
      %while3A_138 = arith.constant 0 : i32
      scf.yield %while3A_138 : i32
    }
    %scan3A_120 = arith.constant 0 : i32
    %scan3A_121 = arith.constant 0 : i32
    %scan3A_122 = arith.constant 8 : i32
    %scan3A_123 = arith.addi %scan3A_121, %scan3A_122 : i32
    %scan3A_124 = arith.constant 1 : i32
    %scan3A_125 = scf.for %scan3A_127 = %scan3A_121 to %scan3A_123 step %scan3A_124 iter_args(%scan3A_128 = %scan3A_120) -> (i32)  : i32 {
      %add3A_129 = arith.constant 504 : i32
      %add3A_130 = arith.addi %add3A_129, %scan3A_127 : i32
      %shift_right_arithmetic3A_131 = arith.constant 4 : i32
      %shift_right_arithmetic3A_132 = arith.shrsi %add3A_130, %shift_right_arithmetic3A_131 : i32
      %shift_left3A = arith.constant 4 : i32
      %shift_left3A_133 = arith.shli %shift_right_arithmetic3A_132, %shift_left3A : i32
      %and3A = arith.constant 15 : i32
      %and3A_134 = arith.andi %add3A_130, %and3A : i32
      %get3A_135 = arith.index_cast %shift_left3A_133 : i32 to index
      %get3A_136 = tpu.vector_load %arg11[%get3A_135] {strides = array<i32>} : memref<512xi32, #tpu.memory_space<vmem>>, vector<16xi32>,
      %eq3A = vector.broadcast %and3A_134 : i32 to vector<16xi32>
      %eq3A_137 = arith.cmpi eq, %iota3A, %eq3A : vector<16xi32>
      %jit3A = arith.constant 0 : i32
      %broadcast_in_dim3A_138 = vector.broadcast %jit3A : i32 to vector<16xi32>
      %select_n3A = arith.select %eq3A_137, %get3A_136, %broadcast_in_dim3A_138 : vector<16xi1>, vector<16xi32>
      %reduce_sum3A = arith.constant true
      %reduce_sum3A_139 = vector.broadcast %reduce_sum3A : i1 to vector<16xi1>
      %reduce_sum3A_140 = tpu.scan <sum>, %select_n3A masked %reduce_sum3A_139 : vector<16xi32>, vector<16xi1> -> vector<16xi32>
      %reduce_sum3A_141 = vector.extract %reduce_sum3A_140[15] : i32 from vector<16xi32>
      %shift_right_arithmetic3A_142 = arith.constant 4 : i32
      %shift_right_arithmetic3A_143 = arith.shrsi %reduce_sum3A_141, %shift_right_arithmetic3A_142 : i32
      %add3A_144 = arith.constant 15 : i32
      %add3A_145 = arith.addi %reduce_sum3A_141, %add3A_144 : i32
      %shift_right_arithmetic3A_146 = arith.constant 4 : i32
      %shift_right_arithmetic3A_147 = arith.shrsi %add3A_145, %shift_right_arithmetic3A_146 : i32
      %broadcast_in_dim3A_148 = arith.constant 0.000000e+00 : f32
      %broadcast_in_dim3A_149 = vector.broadcast %broadcast_in_dim3A_148 : f32 to vector<16xf32>
      %while3A_150 = arith.constant 0 : i32
      %while3A_151 = arith.subi %shift_right_arithmetic3A_143, %while3A_150 : i32
      %while3A_152 = arith.addi %while3A_150, %while3A_151 : i32
      %while3A_153 = arith.constant 1 : i32
      %while3A_154 = arith.divsi %while3A_151, %while3A_153 : i32
      %while3A_155 = arith.muli %while3A_154, %while3A_153 : i32
      %while3A_156 = arith.addi %while3A_150, %while3A_155 : i32
      %while3A_157 = arith.constant 1 : i32
      %while3A_158:4 = scf.for %while3A_211 = %while3A_150 to %while3A_156 step %while3A_157 iter_args(%while3A_212 = %broadcast_in_dim3A_149, %while3A_213 = %broadcast_in_dim3A_149, %while3A_214 = %broadcast_in_dim3A_149, %while3A_215 = %broadcast_in_dim3A_149) -> (vector<16xf32>, vector<16xf32>, vector<16xf32>, vector<16xf32>)  : i32 {
        %mul3A_216 = arith.constant 16 : i32
        %mul3A_217 = arith.muli %while3A_211, %mul3A_216 : i32
        %add3A_218 = arith.addi %scan3A_128, %mul3A_217 : i32
        %add3A_219 = arith.constant 0 : i32
        %add3A_220 = arith.addi %add3A_218, %add3A_219 : i32
        %get3A_221 = arith.index_cast %add3A_220 : i32 to index
        %get3A_222 = arith.constant 0 : index
        %get3A_223 = tpu.vector_load %arg10[%get3A_221, %get3A_222] {strides = array<i32>} : memref<1664x32xf32, #tpu.memory_space<vmem>>, vector<16xf32>,
        %add3A_224 = arith.addf %while3A_212, %get3A_223 : vector<16xf32>
        %add3A_225 = arith.constant 0 : i32
        %add3A_226 = arith.addi %add3A_218, %add3A_225 : i32
        %get3A_227 = arith.index_cast %add3A_226 : i32 to index
        %get3A_228 = arith.constant 16 : index
        %get3A_229 = tpu.vector_load %arg10[%get3A_227, %get3A_228] {strides = array<i32>} : memref<1664x32xf32, #tpu.memory_space<vmem>>, vector<16xf32>,
        %add3A_230 = arith.addf %while3A_213, %get3A_229 : vector<16xf32>
        %add3A_231 = arith.constant 0 : i32
        %add3A_232 = arith.addi %add3A_218, %add3A_231 : i32
        %add3A_233 = arith.constant 1 : i32
        %add3A_234 = arith.addi %add3A_232, %add3A_233 : i32
        %get3A_235 = arith.index_cast %add3A_234 : i32 to index
        %get3A_236 = arith.constant 0 : index
        %get3A_237 = tpu.vector_load %arg10[%get3A_235, %get3A_236] {strides = array<i32>} : memref<1664x32xf32, #tpu.memory_space<vmem>>, vector<16xf32>,
        %add3A_238 = arith.addf %while3A_214, %get3A_237 : vector<16xf32>
        %add3A_239 = arith.constant 0 : i32
        %add3A_240 = arith.addi %add3A_218, %add3A_239 : i32
        %add3A_241 = arith.constant 1 : i32
        %add3A_242 = arith.addi %add3A_240, %add3A_241 : i32
        %get3A_243 = arith.index_cast %add3A_242 : i32 to index
        %get3A_244 = arith.constant 16 : index
        %get3A_245 = tpu.vector_load %arg10[%get3A_243, %get3A_244] {strides = array<i32>} : memref<1664x32xf32, #tpu.memory_space<vmem>>, vector<16xf32>,
        %add3A_246 = arith.addf %while3A_215, %get3A_245 : vector<16xf32>
        %add3A_247 = arith.constant 2 : i32
        %add3A_248 = arith.addi %add3A_218, %add3A_247 : i32
        %get3A_249 = arith.index_cast %add3A_248 : i32 to index
        %get3A_250 = arith.constant 0 : index
        %get3A_251 = tpu.vector_load %arg10[%get3A_249, %get3A_250] {strides = array<i32>} : memref<1664x32xf32, #tpu.memory_space<vmem>>, vector<16xf32>,
        %add3A_252 = arith.addf %add3A_224, %get3A_251 : vector<16xf32>
        %add3A_253 = arith.constant 2 : i32
        %add3A_254 = arith.addi %add3A_218, %add3A_253 : i32
        %get3A_255 = arith.index_cast %add3A_254 : i32 to index
        %get3A_256 = arith.constant 16 : index
        %get3A_257 = tpu.vector_load %arg10[%get3A_255, %get3A_256] {strides = array<i32>} : memref<1664x32xf32, #tpu.memory_space<vmem>>, vector<16xf32>,
        %add3A_258 = arith.addf %add3A_230, %get3A_257 : vector<16xf32>
        %add3A_259 = arith.constant 2 : i32
        %add3A_260 = arith.addi %add3A_218, %add3A_259 : i32
        %add3A_261 = arith.constant 1 : i32
        %add3A_262 = arith.addi %add3A_260, %add3A_261 : i32
        %get3A_263 = arith.index_cast %add3A_262 : i32 to index
        %get3A_264 = arith.constant 0 : index
        %get3A_265 = tpu.vector_load %arg10[%get3A_263, %get3A_264] {strides = array<i32>} : memref<1664x32xf32, #tpu.memory_space<vmem>>, vector<16xf32>,
        %add3A_266 = arith.addf %add3A_238, %get3A_265 : vector<16xf32>
        %add3A_267 = arith.constant 2 : i32
        %add3A_268 = arith.addi %add3A_218, %add3A_267 : i32
        %add3A_269 = arith.constant 1 : i32
        %add3A_270 = arith.addi %add3A_268, %add3A_269 : i32
        %get3A_271 = arith.index_cast %add3A_270 : i32 to index
        %get3A_272 = arith.constant 16 : index
        %get3A_273 = tpu.vector_load %arg10[%get3A_271, %get3A_272] {strides = array<i32>} : memref<1664x32xf32, #tpu.memory_space<vmem>>, vector<16xf32>,
        %add3A_274 = arith.addf %add3A_246, %get3A_273 : vector<16xf32>
        %add3A_275 = arith.constant 4 : i32
        %add3A_276 = arith.addi %add3A_218, %add3A_275 : i32
        %get3A_277 = arith.index_cast %add3A_276 : i32 to index
        %get3A_278 = arith.constant 0 : index
        %get3A_279 = tpu.vector_load %arg10[%get3A_277, %get3A_278] {strides = array<i32>} : memref<1664x32xf32, #tpu.memory_space<vmem>>, vector<16xf32>,
        %add3A_280 = arith.addf %add3A_252, %get3A_279 : vector<16xf32>
        %add3A_281 = arith.constant 4 : i32
        %add3A_282 = arith.addi %add3A_218, %add3A_281 : i32
        %get3A_283 = arith.index_cast %add3A_282 : i32 to index
        %get3A_284 = arith.constant 16 : index
        %get3A_285 = tpu.vector_load %arg10[%get3A_283, %get3A_284] {strides = array<i32>} : memref<1664x32xf32, #tpu.memory_space<vmem>>, vector<16xf32>,
        %add3A_286 = arith.addf %add3A_258, %get3A_285 : vector<16xf32>
        %add3A_287 = arith.constant 4 : i32
        %add3A_288 = arith.addi %add3A_218, %add3A_287 : i32
        %add3A_289 = arith.constant 1 : i32
        %add3A_290 = arith.addi %add3A_288, %add3A_289 : i32
        %get3A_291 = arith.index_cast %add3A_290 : i32 to index
        %get3A_292 = arith.constant 0 : index
        %get3A_293 = tpu.vector_load %arg10[%get3A_291, %get3A_292] {strides = array<i32>} : memref<1664x32xf32, #tpu.memory_space<vmem>>, vector<16xf32>,
        %add3A_294 = arith.addf %add3A_266, %get3A_293 : vector<16xf32>
        %add3A_295 = arith.constant 4 : i32
        %add3A_296 = arith.addi %add3A_218, %add3A_295 : i32
        %add3A_297 = arith.constant 1 : i32
        %add3A_298 = arith.addi %add3A_296, %add3A_297 : i32
        %get3A_299 = arith.index_cast %add3A_298 : i32 to index
        %get3A_300 = arith.constant 16 : index
        %get3A_301 = tpu.vector_load %arg10[%get3A_299, %get3A_300] {strides = array<i32>} : memref<1664x32xf32, #tpu.memory_space<vmem>>, vector<16xf32>,
        %add3A_302 = arith.addf %add3A_274, %get3A_301 : vector<16xf32>
        %add3A_303 = arith.constant 6 : i32
        %add3A_304 = arith.addi %add3A_218, %add3A_303 : i32
        %get3A_305 = arith.index_cast %add3A_304 : i32 to index
        %get3A_306 = arith.constant 0 : index
        %get3A_307 = tpu.vector_load %arg10[%get3A_305, %get3A_306] {strides = array<i32>} : memref<1664x32xf32, #tpu.memory_space<vmem>>, vector<16xf32>,
        %add3A_308 = arith.addf %add3A_280, %get3A_307 : vector<16xf32>
        %add3A_309 = arith.constant 6 : i32
        %add3A_310 = arith.addi %add3A_218, %add3A_309 : i32
        %get3A_311 = arith.index_cast %add3A_310 : i32 to index
        %get3A_312 = arith.constant 16 : index
        %get3A_313 = tpu.vector_load %arg10[%get3A_311, %get3A_312] {strides = array<i32>} : memref<1664x32xf32, #tpu.memory_space<vmem>>, vector<16xf32>,
        %add3A_314 = arith.addf %add3A_286, %get3A_313 : vector<16xf32>
        %add3A_315 = arith.constant 6 : i32
        %add3A_316 = arith.addi %add3A_218, %add3A_315 : i32
        %add3A_317 = arith.constant 1 : i32
        %add3A_318 = arith.addi %add3A_316, %add3A_317 : i32
        %get3A_319 = arith.index_cast %add3A_318 : i32 to index
        %get3A_320 = arith.constant 0 : index
        %get3A_321 = tpu.vector_load %arg10[%get3A_319, %get3A_320] {strides = array<i32>} : memref<1664x32xf32, #tpu.memory_space<vmem>>, vector<16xf32>,
        %add3A_322 = arith.addf %add3A_294, %get3A_321 : vector<16xf32>
        %add3A_323 = arith.constant 6 : i32
        %add3A_324 = arith.addi %add3A_218, %add3A_323 : i32
        %add3A_325 = arith.constant 1 : i32
        %add3A_326 = arith.addi %add3A_324, %add3A_325 : i32
        %get3A_327 = arith.index_cast %add3A_326 : i32 to index
        %get3A_328 = arith.constant 16 : index
        %get3A_329 = tpu.vector_load %arg10[%get3A_327, %get3A_328] {strides = array<i32>} : memref<1664x32xf32, #tpu.memory_space<vmem>>, vector<16xf32>,
        %add3A_330 = arith.addf %add3A_302, %get3A_329 : vector<16xf32>
        %add3A_331 = arith.constant 8 : i32
        %add3A_332 = arith.addi %add3A_218, %add3A_331 : i32
        %get3A_333 = arith.index_cast %add3A_332 : i32 to index
        %get3A_334 = arith.constant 0 : index
        %get3A_335 = tpu.vector_load %arg10[%get3A_333, %get3A_334] {strides = array<i32>} : memref<1664x32xf32, #tpu.memory_space<vmem>>, vector<16xf32>,
        %add3A_336 = arith.addf %add3A_308, %get3A_335 : vector<16xf32>
        %add3A_337 = arith.constant 8 : i32
        %add3A_338 = arith.addi %add3A_218, %add3A_337 : i32
        %get3A_339 = arith.index_cast %add3A_338 : i32 to index
        %get3A_340 = arith.constant 16 : index
        %get3A_341 = tpu.vector_load %arg10[%get3A_339, %get3A_340] {strides = array<i32>} : memref<1664x32xf32, #tpu.memory_space<vmem>>, vector<16xf32>,
        %add3A_342 = arith.addf %add3A_314, %get3A_341 : vector<16xf32>
        %add3A_343 = arith.constant 8 : i32
        %add3A_344 = arith.addi %add3A_218, %add3A_343 : i32
        %add3A_345 = arith.constant 1 : i32
        %add3A_346 = arith.addi %add3A_344, %add3A_345 : i32
        %get3A_347 = arith.index_cast %add3A_346 : i32 to index
        %get3A_348 = arith.constant 0 : index
        %get3A_349 = tpu.vector_load %arg10[%get3A_347, %get3A_348] {strides = array<i32>} : memref<1664x32xf32, #tpu.memory_space<vmem>>, vector<16xf32>,
        %add3A_350 = arith.addf %add3A_322, %get3A_349 : vector<16xf32>
        %add3A_351 = arith.constant 8 : i32
        %add3A_352 = arith.addi %add3A_218, %add3A_351 : i32
        %add3A_353 = arith.constant 1 : i32
        %add3A_354 = arith.addi %add3A_352, %add3A_353 : i32
        %get3A_355 = arith.index_cast %add3A_354 : i32 to index
        %get3A_356 = arith.constant 16 : index
        %get3A_357 = tpu.vector_load %arg10[%get3A_355, %get3A_356] {strides = array<i32>} : memref<1664x32xf32, #tpu.memory_space<vmem>>, vector<16xf32>,
        %add3A_358 = arith.addf %add3A_330, %get3A_357 : vector<16xf32>
        %add3A_359 = arith.constant 10 : i32
        %add3A_360 = arith.addi %add3A_218, %add3A_359 : i32
        %get3A_361 = arith.index_cast %add3A_360 : i32 to index
        %get3A_362 = arith.constant 0 : index
        %get3A_363 = tpu.vector_load %arg10[%get3A_361, %get3A_362] {strides = array<i32>} : memref<1664x32xf32, #tpu.memory_space<vmem>>, vector<16xf32>,
        %add3A_364 = arith.addf %add3A_336, %get3A_363 : vector<16xf32>
        %add3A_365 = arith.constant 10 : i32
        %add3A_366 = arith.addi %add3A_218, %add3A_365 : i32
        %get3A_367 = arith.index_cast %add3A_366 : i32 to index
        %get3A_368 = arith.constant 16 : index
        %get3A_369 = tpu.vector_load %arg10[%get3A_367, %get3A_368] {strides = array<i32>} : memref<1664x32xf32, #tpu.memory_space<vmem>>, vector<16xf32>,
        %add3A_370 = arith.addf %add3A_342, %get3A_369 : vector<16xf32>
        %add3A_371 = arith.constant 10 : i32
        %add3A_372 = arith.addi %add3A_218, %add3A_371 : i32
        %add3A_373 = arith.constant 1 : i32
        %add3A_374 = arith.addi %add3A_372, %add3A_373 : i32
        %get3A_375 = arith.index_cast %add3A_374 : i32 to index
        %get3A_376 = arith.constant 0 : index
        %get3A_377 = tpu.vector_load %arg10[%get3A_375, %get3A_376] {strides = array<i32>} : memref<1664x32xf32, #tpu.memory_space<vmem>>, vector<16xf32>,
        %add3A_378 = arith.addf %add3A_350, %get3A_377 : vector<16xf32>
        %add3A_379 = arith.constant 10 : i32
        %add3A_380 = arith.addi %add3A_218, %add3A_379 : i32
        %add3A_381 = arith.constant 1 : i32
        %add3A_382 = arith.addi %add3A_380, %add3A_381 : i32
        %get3A_383 = arith.index_cast %add3A_382 : i32 to index
        %get3A_384 = arith.constant 16 : index
        %get3A_385 = tpu.vector_load %arg10[%get3A_383, %get3A_384] {strides = array<i32>} : memref<1664x32xf32, #tpu.memory_space<vmem>>, vector<16xf32>,
        %add3A_386 = arith.addf %add3A_358, %get3A_385 : vector<16xf32>
        %add3A_387 = arith.constant 12 : i32
        %add3A_388 = arith.addi %add3A_218, %add3A_387 : i32
        %get3A_389 = arith.index_cast %add3A_388 : i32 to index
        %get3A_390 = arith.constant 0 : index
        %get3A_391 = tpu.vector_load %arg10[%get3A_389, %get3A_390] {strides = array<i32>} : memref<1664x32xf32, #tpu.memory_space<vmem>>, vector<16xf32>,
        %add3A_392 = arith.addf %add3A_364, %get3A_391 : vector<16xf32>
        %add3A_393 = arith.constant 12 : i32
        %add3A_394 = arith.addi %add3A_218, %add3A_393 : i32
        %get3A_395 = arith.index_cast %add3A_394 : i32 to index
        %get3A_396 = arith.constant 16 : index
        %get3A_397 = tpu.vector_load %arg10[%get3A_395, %get3A_396] {strides = array<i32>} : memref<1664x32xf32, #tpu.memory_space<vmem>>, vector<16xf32>,
        %add3A_398 = arith.addf %add3A_370, %get3A_397 : vector<16xf32>
        %add3A_399 = arith.constant 12 : i32
        %add3A_400 = arith.addi %add3A_218, %add3A_399 : i32
        %add3A_401 = arith.constant 1 : i32
        %add3A_402 = arith.addi %add3A_400, %add3A_401 : i32
        %get3A_403 = arith.index_cast %add3A_402 : i32 to index
        %get3A_404 = arith.constant 0 : index
        %get3A_405 = tpu.vector_load %arg10[%get3A_403, %get3A_404] {strides = array<i32>} : memref<1664x32xf32, #tpu.memory_space<vmem>>, vector<16xf32>,
        %add3A_406 = arith.addf %add3A_378, %get3A_405 : vector<16xf32>
        %add3A_407 = arith.constant 12 : i32
        %add3A_408 = arith.addi %add3A_218, %add3A_407 : i32
        %add3A_409 = arith.constant 1 : i32
        %add3A_410 = arith.addi %add3A_408, %add3A_409 : i32
        %get3A_411 = arith.index_cast %add3A_410 : i32 to index
        %get3A_412 = arith.constant 16 : index
        %get3A_413 = tpu.vector_load %arg10[%get3A_411, %get3A_412] {strides = array<i32>} : memref<1664x32xf32, #tpu.memory_space<vmem>>, vector<16xf32>,
        %add3A_414 = arith.addf %add3A_386, %get3A_413 : vector<16xf32>
        %add3A_415 = arith.constant 14 : i32
        %add3A_416 = arith.addi %add3A_218, %add3A_415 : i32
        %get3A_417 = arith.index_cast %add3A_416 : i32 to index
        %get3A_418 = arith.constant 0 : index
        %get3A_419 = tpu.vector_load %arg10[%get3A_417, %get3A_418] {strides = array<i32>} : memref<1664x32xf32, #tpu.memory_space<vmem>>, vector<16xf32>,
        %add3A_420 = arith.addf %add3A_392, %get3A_419 : vector<16xf32>
        %add3A_421 = arith.constant 14 : i32
        %add3A_422 = arith.addi %add3A_218, %add3A_421 : i32
        %get3A_423 = arith.index_cast %add3A_422 : i32 to index
        %get3A_424 = arith.constant 16 : index
        %get3A_425 = tpu.vector_load %arg10[%get3A_423, %get3A_424] {strides = array<i32>} : memref<1664x32xf32, #tpu.memory_space<vmem>>, vector<16xf32>,
        %add3A_426 = arith.addf %add3A_398, %get3A_425 : vector<16xf32>
        %add3A_427 = arith.constant 14 : i32
        %add3A_428 = arith.addi %add3A_218, %add3A_427 : i32
        %add3A_429 = arith.constant 1 : i32
        %add3A_430 = arith.addi %add3A_428, %add3A_429 : i32
        %get3A_431 = arith.index_cast %add3A_430 : i32 to index
        %get3A_432 = arith.constant 0 : index
        %get3A_433 = tpu.vector_load %arg10[%get3A_431, %get3A_432] {strides = array<i32>} : memref<1664x32xf32, #tpu.memory_space<vmem>>, vector<16xf32>,
        %add3A_434 = arith.addf %add3A_406, %get3A_433 : vector<16xf32>
        %add3A_435 = arith.constant 14 : i32
        %add3A_436 = arith.addi %add3A_218, %add3A_435 : i32
        %add3A_437 = arith.constant 1 : i32
        %add3A_438 = arith.addi %add3A_436, %add3A_437 : i32
        %get3A_439 = arith.index_cast %add3A_438 : i32 to index
        %get3A_440 = arith.constant 16 : index
        %get3A_441 = tpu.vector_load %arg10[%get3A_439, %get3A_440] {strides = array<i32>} : memref<1664x32xf32, #tpu.memory_space<vmem>>, vector<16xf32>,
        %add3A_442 = arith.addf %add3A_414, %get3A_441 : vector<16xf32>
        scf.yield %add3A_420, %add3A_426, %add3A_434, %add3A_442 : vector<16xf32>, vector<16xf32>, vector<16xf32>, vector<16xf32>
      }
      %while3A_159 = arith.constant 1 : i32
      %while3A_160:4 = scf.for %while3A_211 = %while3A_156 to %while3A_152 step %while3A_159 iter_args(%while3A_212 = %while3A_158#0, %while3A_213 = %while3A_158#1, %while3A_214 = %while3A_158#2, %while3A_215 = %while3A_158#3) -> (vector<16xf32>, vector<16xf32>, vector<16xf32>, vector<16xf32>)  : i32 {
        %mul3A_216 = arith.constant 16 : i32
        %mul3A_217 = arith.muli %while3A_211, %mul3A_216 : i32
        %add3A_218 = arith.addi %scan3A_128, %mul3A_217 : i32
        %add3A_219 = arith.constant 0 : i32
        %add3A_220 = arith.addi %add3A_218, %add3A_219 : i32
        %get3A_221 = arith.index_cast %add3A_220 : i32 to index
        %get3A_222 = arith.constant 0 : index
        %get3A_223 = tpu.vector_load %arg10[%get3A_221, %get3A_222] {strides = array<i32>} : memref<1664x32xf32, #tpu.memory_space<vmem>>, vector<16xf32>,
        %add3A_224 = arith.addf %while3A_212, %get3A_223 : vector<16xf32>
        %add3A_225 = arith.constant 0 : i32
        %add3A_226 = arith.addi %add3A_218, %add3A_225 : i32
        %get3A_227 = arith.index_cast %add3A_226 : i32 to index
        %get3A_228 = arith.constant 16 : index
        %get3A_229 = tpu.vector_load %arg10[%get3A_227, %get3A_228] {strides = array<i32>} : memref<1664x32xf32, #tpu.memory_space<vmem>>, vector<16xf32>,
        %add3A_230 = arith.addf %while3A_213, %get3A_229 : vector<16xf32>
        %add3A_231 = arith.constant 0 : i32
        %add3A_232 = arith.addi %add3A_218, %add3A_231 : i32
        %add3A_233 = arith.constant 1 : i32
        %add3A_234 = arith.addi %add3A_232, %add3A_233 : i32
        %get3A_235 = arith.index_cast %add3A_234 : i32 to index
        %get3A_236 = arith.constant 0 : index
        %get3A_237 = tpu.vector_load %arg10[%get3A_235, %get3A_236] {strides = array<i32>} : memref<1664x32xf32, #tpu.memory_space<vmem>>, vector<16xf32>,
        %add3A_238 = arith.addf %while3A_214, %get3A_237 : vector<16xf32>
        %add3A_239 = arith.constant 0 : i32
        %add3A_240 = arith.addi %add3A_218, %add3A_239 : i32
        %add3A_241 = arith.constant 1 : i32
        %add3A_242 = arith.addi %add3A_240, %add3A_241 : i32
        %get3A_243 = arith.index_cast %add3A_242 : i32 to index
        %get3A_244 = arith.constant 16 : index
        %get3A_245 = tpu.vector_load %arg10[%get3A_243, %get3A_244] {strides = array<i32>} : memref<1664x32xf32, #tpu.memory_space<vmem>>, vector<16xf32>,
        %add3A_246 = arith.addf %while3A_215, %get3A_245 : vector<16xf32>
        %add3A_247 = arith.constant 2 : i32
        %add3A_248 = arith.addi %add3A_218, %add3A_247 : i32
        %get3A_249 = arith.index_cast %add3A_248 : i32 to index
        %get3A_250 = arith.constant 0 : index
        %get3A_251 = tpu.vector_load %arg10[%get3A_249, %get3A_250] {strides = array<i32>} : memref<1664x32xf32, #tpu.memory_space<vmem>>, vector<16xf32>,
        %add3A_252 = arith.addf %add3A_224, %get3A_251 : vector<16xf32>
        %add3A_253 = arith.constant 2 : i32
        %add3A_254 = arith.addi %add3A_218, %add3A_253 : i32
        %get3A_255 = arith.index_cast %add3A_254 : i32 to index
        %get3A_256 = arith.constant 16 : index
        %get3A_257 = tpu.vector_load %arg10[%get3A_255, %get3A_256] {strides = array<i32>} : memref<1664x32xf32, #tpu.memory_space<vmem>>, vector<16xf32>,
        %add3A_258 = arith.addf %add3A_230, %get3A_257 : vector<16xf32>
        %add3A_259 = arith.constant 2 : i32
        %add3A_260 = arith.addi %add3A_218, %add3A_259 : i32
        %add3A_261 = arith.constant 1 : i32
        %add3A_262 = arith.addi %add3A_260, %add3A_261 : i32
        %get3A_263 = arith.index_cast %add3A_262 : i32 to index
        %get3A_264 = arith.constant 0 : index
        %get3A_265 = tpu.vector_load %arg10[%get3A_263, %get3A_264] {strides = array<i32>} : memref<1664x32xf32, #tpu.memory_space<vmem>>, vector<16xf32>,
        %add3A_266 = arith.addf %add3A_238, %get3A_265 : vector<16xf32>
        %add3A_267 = arith.constant 2 : i32
        %add3A_268 = arith.addi %add3A_218, %add3A_267 : i32
        %add3A_269 = arith.constant 1 : i32
        %add3A_270 = arith.addi %add3A_268, %add3A_269 : i32
        %get3A_271 = arith.index_cast %add3A_270 : i32 to index
        %get3A_272 = arith.constant 16 : index
        %get3A_273 = tpu.vector_load %arg10[%get3A_271, %get3A_272] {strides = array<i32>} : memref<1664x32xf32, #tpu.memory_space<vmem>>, vector<16xf32>,
        %add3A_274 = arith.addf %add3A_246, %get3A_273 : vector<16xf32>
        %add3A_275 = arith.constant 4 : i32
        %add3A_276 = arith.addi %add3A_218, %add3A_275 : i32
        %get3A_277 = arith.index_cast %add3A_276 : i32 to index
        %get3A_278 = arith.constant 0 : index
        %get3A_279 = tpu.vector_load %arg10[%get3A_277, %get3A_278] {strides = array<i32>} : memref<1664x32xf32, #tpu.memory_space<vmem>>, vector<16xf32>,
        %add3A_280 = arith.addf %add3A_252, %get3A_279 : vector<16xf32>
        %add3A_281 = arith.constant 4 : i32
        %add3A_282 = arith.addi %add3A_218, %add3A_281 : i32
        %get3A_283 = arith.index_cast %add3A_282 : i32 to index
        %get3A_284 = arith.constant 16 : index
        %get3A_285 = tpu.vector_load %arg10[%get3A_283, %get3A_284] {strides = array<i32>} : memref<1664x32xf32, #tpu.memory_space<vmem>>, vector<16xf32>,
        %add3A_286 = arith.addf %add3A_258, %get3A_285 : vector<16xf32>
        %add3A_287 = arith.constant 4 : i32
        %add3A_288 = arith.addi %add3A_218, %add3A_287 : i32
        %add3A_289 = arith.constant 1 : i32
        %add3A_290 = arith.addi %add3A_288, %add3A_289 : i32
        %get3A_291 = arith.index_cast %add3A_290 : i32 to index
        %get3A_292 = arith.constant 0 : index
        %get3A_293 = tpu.vector_load %arg10[%get3A_291, %get3A_292] {strides = array<i32>} : memref<1664x32xf32, #tpu.memory_space<vmem>>, vector<16xf32>,
        %add3A_294 = arith.addf %add3A_266, %get3A_293 : vector<16xf32>
        %add3A_295 = arith.constant 4 : i32
        %add3A_296 = arith.addi %add3A_218, %add3A_295 : i32
        %add3A_297 = arith.constant 1 : i32
        %add3A_298 = arith.addi %add3A_296, %add3A_297 : i32
        %get3A_299 = arith.index_cast %add3A_298 : i32 to index
        %get3A_300 = arith.constant 16 : index
        %get3A_301 = tpu.vector_load %arg10[%get3A_299, %get3A_300] {strides = array<i32>} : memref<1664x32xf32, #tpu.memory_space<vmem>>, vector<16xf32>,
        %add3A_302 = arith.addf %add3A_274, %get3A_301 : vector<16xf32>
        %add3A_303 = arith.constant 6 : i32
        %add3A_304 = arith.addi %add3A_218, %add3A_303 : i32
        %get3A_305 = arith.index_cast %add3A_304 : i32 to index
        %get3A_306 = arith.constant 0 : index
        %get3A_307 = tpu.vector_load %arg10[%get3A_305, %get3A_306] {strides = array<i32>} : memref<1664x32xf32, #tpu.memory_space<vmem>>, vector<16xf32>,
        %add3A_308 = arith.addf %add3A_280, %get3A_307 : vector<16xf32>
        %add3A_309 = arith.constant 6 : i32
        %add3A_310 = arith.addi %add3A_218, %add3A_309 : i32
        %get3A_311 = arith.index_cast %add3A_310 : i32 to index
        %get3A_312 = arith.constant 16 : index
        %get3A_313 = tpu.vector_load %arg10[%get3A_311, %get3A_312] {strides = array<i32>} : memref<1664x32xf32, #tpu.memory_space<vmem>>, vector<16xf32>,
        %add3A_314 = arith.addf %add3A_286, %get3A_313 : vector<16xf32>
        %add3A_315 = arith.constant 6 : i32
        %add3A_316 = arith.addi %add3A_218, %add3A_315 : i32
        %add3A_317 = arith.constant 1 : i32
        %add3A_318 = arith.addi %add3A_316, %add3A_317 : i32
        %get3A_319 = arith.index_cast %add3A_318 : i32 to index
        %get3A_320 = arith.constant 0 : index
        %get3A_321 = tpu.vector_load %arg10[%get3A_319, %get3A_320] {strides = array<i32>} : memref<1664x32xf32, #tpu.memory_space<vmem>>, vector<16xf32>,
        %add3A_322 = arith.addf %add3A_294, %get3A_321 : vector<16xf32>
        %add3A_323 = arith.constant 6 : i32
        %add3A_324 = arith.addi %add3A_218, %add3A_323 : i32
        %add3A_325 = arith.constant 1 : i32
        %add3A_326 = arith.addi %add3A_324, %add3A_325 : i32
        %get3A_327 = arith.index_cast %add3A_326 : i32 to index
        %get3A_328 = arith.constant 16 : index
        %get3A_329 = tpu.vector_load %arg10[%get3A_327, %get3A_328] {strides = array<i32>} : memref<1664x32xf32, #tpu.memory_space<vmem>>, vector<16xf32>,
        %add3A_330 = arith.addf %add3A_302, %get3A_329 : vector<16xf32>
        %add3A_331 = arith.constant 8 : i32
        %add3A_332 = arith.addi %add3A_218, %add3A_331 : i32
        %get3A_333 = arith.index_cast %add3A_332 : i32 to index
        %get3A_334 = arith.constant 0 : index
        %get3A_335 = tpu.vector_load %arg10[%get3A_333, %get3A_334] {strides = array<i32>} : memref<1664x32xf32, #tpu.memory_space<vmem>>, vector<16xf32>,
        %add3A_336 = arith.addf %add3A_308, %get3A_335 : vector<16xf32>
        %add3A_337 = arith.constant 8 : i32
        %add3A_338 = arith.addi %add3A_218, %add3A_337 : i32
        %get3A_339 = arith.index_cast %add3A_338 : i32 to index
        %get3A_340 = arith.constant 16 : index
        %get3A_341 = tpu.vector_load %arg10[%get3A_339, %get3A_340] {strides = array<i32>} : memref<1664x32xf32, #tpu.memory_space<vmem>>, vector<16xf32>,
        %add3A_342 = arith.addf %add3A_314, %get3A_341 : vector<16xf32>
        %add3A_343 = arith.constant 8 : i32
        %add3A_344 = arith.addi %add3A_218, %add3A_343 : i32
        %add3A_345 = arith.constant 1 : i32
        %add3A_346 = arith.addi %add3A_344, %add3A_345 : i32
        %get3A_347 = arith.index_cast %add3A_346 : i32 to index
        %get3A_348 = arith.constant 0 : index
        %get3A_349 = tpu.vector_load %arg10[%get3A_347, %get3A_348] {strides = array<i32>} : memref<1664x32xf32, #tpu.memory_space<vmem>>, vector<16xf32>,
        %add3A_350 = arith.addf %add3A_322, %get3A_349 : vector<16xf32>
        %add3A_351 = arith.constant 8 : i32
        %add3A_352 = arith.addi %add3A_218, %add3A_351 : i32
        %add3A_353 = arith.constant 1 : i32
        %add3A_354 = arith.addi %add3A_352, %add3A_353 : i32
        %get3A_355 = arith.index_cast %add3A_354 : i32 to index
        %get3A_356 = arith.constant 16 : index
        %get3A_357 = tpu.vector_load %arg10[%get3A_355, %get3A_356] {strides = array<i32>} : memref<1664x32xf32, #tpu.memory_space<vmem>>, vector<16xf32>,
        %add3A_358 = arith.addf %add3A_330, %get3A_357 : vector<16xf32>
        %add3A_359 = arith.constant 10 : i32
        %add3A_360 = arith.addi %add3A_218, %add3A_359 : i32
        %get3A_361 = arith.index_cast %add3A_360 : i32 to index
        %get3A_362 = arith.constant 0 : index
        %get3A_363 = tpu.vector_load %arg10[%get3A_361, %get3A_362] {strides = array<i32>} : memref<1664x32xf32, #tpu.memory_space<vmem>>, vector<16xf32>,
        %add3A_364 = arith.addf %add3A_336, %get3A_363 : vector<16xf32>
        %add3A_365 = arith.constant 10 : i32
        %add3A_366 = arith.addi %add3A_218, %add3A_365 : i32
        %get3A_367 = arith.index_cast %add3A_366 : i32 to index
        %get3A_368 = arith.constant 16 : index
        %get3A_369 = tpu.vector_load %arg10[%get3A_367, %get3A_368] {strides = array<i32>} : memref<1664x32xf32, #tpu.memory_space<vmem>>, vector<16xf32>,
        %add3A_370 = arith.addf %add3A_342, %get3A_369 : vector<16xf32>
        %add3A_371 = arith.constant 10 : i32
        %add3A_372 = arith.addi %add3A_218, %add3A_371 : i32
        %add3A_373 = arith.constant 1 : i32
        %add3A_374 = arith.addi %add3A_372, %add3A_373 : i32
        %get3A_375 = arith.index_cast %add3A_374 : i32 to index
        %get3A_376 = arith.constant 0 : index
        %get3A_377 = tpu.vector_load %arg10[%get3A_375, %get3A_376] {strides = array<i32>} : memref<1664x32xf32, #tpu.memory_space<vmem>>, vector<16xf32>,
        %add3A_378 = arith.addf %add3A_350, %get3A_377 : vector<16xf32>
        %add3A_379 = arith.constant 10 : i32
        %add3A_380 = arith.addi %add3A_218, %add3A_379 : i32
        %add3A_381 = arith.constant 1 : i32
        %add3A_382 = arith.addi %add3A_380, %add3A_381 : i32
        %get3A_383 = arith.index_cast %add3A_382 : i32 to index
        %get3A_384 = arith.constant 16 : index
        %get3A_385 = tpu.vector_load %arg10[%get3A_383, %get3A_384] {strides = array<i32>} : memref<1664x32xf32, #tpu.memory_space<vmem>>, vector<16xf32>,
        %add3A_386 = arith.addf %add3A_358, %get3A_385 : vector<16xf32>
        %add3A_387 = arith.constant 12 : i32
        %add3A_388 = arith.addi %add3A_218, %add3A_387 : i32
        %get3A_389 = arith.index_cast %add3A_388 : i32 to index
        %get3A_390 = arith.constant 0 : index
        %get3A_391 = tpu.vector_load %arg10[%get3A_389, %get3A_390] {strides = array<i32>} : memref<1664x32xf32, #tpu.memory_space<vmem>>, vector<16xf32>,
        %add3A_392 = arith.addf %add3A_364, %get3A_391 : vector<16xf32>
        %add3A_393 = arith.constant 12 : i32
        %add3A_394 = arith.addi %add3A_218, %add3A_393 : i32
        %get3A_395 = arith.index_cast %add3A_394 : i32 to index
        %get3A_396 = arith.constant 16 : index
        %get3A_397 = tpu.vector_load %arg10[%get3A_395, %get3A_396] {strides = array<i32>} : memref<1664x32xf32, #tpu.memory_space<vmem>>, vector<16xf32>,
        %add3A_398 = arith.addf %add3A_370, %get3A_397 : vector<16xf32>
        %add3A_399 = arith.constant 12 : i32
        %add3A_400 = arith.addi %add3A_218, %add3A_399 : i32
        %add3A_401 = arith.constant 1 : i32
        %add3A_402 = arith.addi %add3A_400, %add3A_401 : i32
        %get3A_403 = arith.index_cast %add3A_402 : i32 to index
        %get3A_404 = arith.constant 0 : index
        %get3A_405 = tpu.vector_load %arg10[%get3A_403, %get3A_404] {strides = array<i32>} : memref<1664x32xf32, #tpu.memory_space<vmem>>, vector<16xf32>,
        %add3A_406 = arith.addf %add3A_378, %get3A_405 : vector<16xf32>
        %add3A_407 = arith.constant 12 : i32
        %add3A_408 = arith.addi %add3A_218, %add3A_407 : i32
        %add3A_409 = arith.constant 1 : i32
        %add3A_410 = arith.addi %add3A_408, %add3A_409 : i32
        %get3A_411 = arith.index_cast %add3A_410 : i32 to index
        %get3A_412 = arith.constant 16 : index
        %get3A_413 = tpu.vector_load %arg10[%get3A_411, %get3A_412] {strides = array<i32>} : memref<1664x32xf32, #tpu.memory_space<vmem>>, vector<16xf32>,
        %add3A_414 = arith.addf %add3A_386, %get3A_413 : vector<16xf32>
        %add3A_415 = arith.constant 14 : i32
        %add3A_416 = arith.addi %add3A_218, %add3A_415 : i32
        %get3A_417 = arith.index_cast %add3A_416 : i32 to index
        %get3A_418 = arith.constant 0 : index
        %get3A_419 = tpu.vector_load %arg10[%get3A_417, %get3A_418] {strides = array<i32>} : memref<1664x32xf32, #tpu.memory_space<vmem>>, vector<16xf32>,
        %add3A_420 = arith.addf %add3A_392, %get3A_419 : vector<16xf32>
        %add3A_421 = arith.constant 14 : i32
        %add3A_422 = arith.addi %add3A_218, %add3A_421 : i32
        %get3A_423 = arith.index_cast %add3A_422 : i32 to index
        %get3A_424 = arith.constant 16 : index
        %get3A_425 = tpu.vector_load %arg10[%get3A_423, %get3A_424] {strides = array<i32>} : memref<1664x32xf32, #tpu.memory_space<vmem>>, vector<16xf32>,
        %add3A_426 = arith.addf %add3A_398, %get3A_425 : vector<16xf32>
        %add3A_427 = arith.constant 14 : i32
        %add3A_428 = arith.addi %add3A_218, %add3A_427 : i32
        %add3A_429 = arith.constant 1 : i32
        %add3A_430 = arith.addi %add3A_428, %add3A_429 : i32
        %get3A_431 = arith.index_cast %add3A_430 : i32 to index
        %get3A_432 = arith.constant 0 : index
        %get3A_433 = tpu.vector_load %arg10[%get3A_431, %get3A_432] {strides = array<i32>} : memref<1664x32xf32, #tpu.memory_space<vmem>>, vector<16xf32>,
        %add3A_434 = arith.addf %add3A_406, %get3A_433 : vector<16xf32>
        %add3A_435 = arith.constant 14 : i32
        %add3A_436 = arith.addi %add3A_218, %add3A_435 : i32
        %add3A_437 = arith.constant 1 : i32
        %add3A_438 = arith.addi %add3A_436, %add3A_437 : i32
        %get3A_439 = arith.index_cast %add3A_438 : i32 to index
        %get3A_440 = arith.constant 16 : index
        %get3A_441 = tpu.vector_load %arg10[%get3A_439, %get3A_440] {strides = array<i32>} : memref<1664x32xf32, #tpu.memory_space<vmem>>, vector<16xf32>,
        %add3A_442 = arith.addf %add3A_414, %get3A_441 : vector<16xf32>
        scf.yield %add3A_420, %add3A_426, %add3A_434, %add3A_442 : vector<16xf32>, vector<16xf32>, vector<16xf32>, vector<16xf32>
      }
      %add3A_161 = arith.addf %while3A_160#0, %while3A_160#2 : vector<16xf32>
      %add3A_162 = arith.addf %while3A_160#1, %while3A_160#3 : vector<16xf32>
      %shift_left3A_163 = arith.constant 4 : i32
      %shift_left3A_164 = arith.shli %shift_right_arithmetic3A_143, %shift_left3A_163 : i32
      %while3A_165 = arith.subi %reduce_sum3A_141, %shift_left3A_164 : i32
      %while3A_166 = arith.addi %shift_left3A_164, %while3A_165 : i32
      %while3A_167 = arith.constant 1 : i32
      %while3A_168 = arith.divsi %while3A_165, %while3A_167 : i32
      %while3A_169 = arith.muli %while3A_168, %while3A_167 : i32
      %while3A_170 = arith.addi %shift_left3A_164, %while3A_169 : i32
      %while3A_171 = arith.constant 1 : i32
      %while3A_172:2 = scf.for %while3A_211 = %shift_left3A_164 to %while3A_170 step %while3A_171 iter_args(%while3A_212 = %add3A_161, %while3A_213 = %add3A_162) -> (vector<16xf32>, vector<16xf32>)  : i32 {
        %add3A_214 = arith.addi %scan3A_128, %while3A_211 : i32
        %get3A_215 = arith.index_cast %add3A_214 : i32 to index
        %get3A_216 = arith.constant 0 : index
        %get3A_217 = tpu.vector_load %arg10[%get3A_215, %get3A_216] {strides = array<i32>} : memref<1664x32xf32, #tpu.memory_space<vmem>>, vector<16xf32>,
        %add3A_218 = arith.addf %while3A_212, %get3A_217 : vector<16xf32>
        %get3A_219 = arith.index_cast %add3A_214 : i32 to index
        %get3A_220 = arith.constant 16 : index
        %get3A_221 = tpu.vector_load %arg10[%get3A_219, %get3A_220] {strides = array<i32>} : memref<1664x32xf32, #tpu.memory_space<vmem>>, vector<16xf32>,
        %add3A_222 = arith.addf %while3A_213, %get3A_221 : vector<16xf32>
        scf.yield %add3A_218, %add3A_222 : vector<16xf32>, vector<16xf32>
      }
      %while3A_173 = arith.constant 1 : i32
      %while3A_174:2 = scf.for %while3A_211 = %while3A_170 to %while3A_166 step %while3A_173 iter_args(%while3A_212 = %while3A_172#0, %while3A_213 = %while3A_172#1) -> (vector<16xf32>, vector<16xf32>)  : i32 {
        %add3A_214 = arith.addi %scan3A_128, %while3A_211 : i32
        %get3A_215 = arith.index_cast %add3A_214 : i32 to index
        %get3A_216 = arith.constant 0 : index
        %get3A_217 = tpu.vector_load %arg10[%get3A_215, %get3A_216] {strides = array<i32>} : memref<1664x32xf32, #tpu.memory_space<vmem>>, vector<16xf32>,
        %add3A_218 = arith.addf %while3A_212, %get3A_217 : vector<16xf32>
        %get3A_219 = arith.index_cast %add3A_214 : i32 to index
        %get3A_220 = arith.constant 16 : index
        %get3A_221 = tpu.vector_load %arg10[%get3A_219, %get3A_220] {strides = array<i32>} : memref<1664x32xf32, #tpu.memory_space<vmem>>, vector<16xf32>,
        %add3A_222 = arith.addf %while3A_213, %get3A_221 : vector<16xf32>
        scf.yield %add3A_218, %add3A_222 : vector<16xf32>, vector<16xf32>
      }
      %while3A_175 = arith.constant 0 : i32
      %while3A_176 = arith.subi %shift_right_arithmetic3A_147, %while3A_175 : i32
      %while3A_177 = arith.addi %while3A_175, %while3A_176 : i32
      %while3A_178 = arith.constant 1 : i32
      %while3A_179 = arith.divsi %while3A_176, %while3A_178 : i32
      %while3A_180 = arith.muli %while3A_179, %while3A_178 : i32
      %while3A_181 = arith.addi %while3A_175, %while3A_180 : i32
      %while3A_182 = arith.constant 1 : i32
      %while3A_183 = scf.for %while3A_211 = %while3A_175 to %while3A_181 step %while3A_182 iter_args(%while3A_212 = %broadcast_in_dim3A_3) -> (vector<16xi32>)  : i32 {
        %mul3A_213 = arith.constant 16 : i32
        %mul3A_214 = arith.muli %while3A_211, %mul3A_213 : i32
        %add3A_215 = arith.addi %scan3A_128, %mul3A_214 : i32
        %shift_right_arithmetic3A_216 = arith.constant 7 : i32
        %shift_right_arithmetic3A_217 = arith.shrsi %add3A_215, %shift_right_arithmetic3A_216 : i32
        %and3A_218 = arith.constant 127 : i32
        %and3A_219 = arith.andi %add3A_215, %and3A_218 : i32
        %get3A_220 = arith.index_cast %shift_right_arithmetic3A_217 : i32 to index
        %get3A_221 = arith.index_cast %and3A_219 : i32 to index
        %get3A_222 = tpu.vector_load %arg8[%get3A_220, %get3A_221] {strides = array<i32>} : memref<13x128xi32, #tpu.memory_space<vmem>>, vector<16xi32>,
        %mul3A_223 = arith.constant 16 : i32
        %mul3A_224 = arith.muli %while3A_211, %mul3A_223 : i32
        %add3A_225 = vector.broadcast %mul3A_224 : i32 to vector<16xi32>
        %add3A_226 = arith.addi %add3A_225, %iota3A : vector<16xi32>
        %lt3A = vector.broadcast %reduce_sum3A_141 : i32 to vector<16xi32>
        %lt3A_227 = arith.cmpi slt, %add3A_226, %lt3A : vector<16xi32>
        %eq3A_228 = arith.constant 0 : i32
        %eq3A_229 = vector.broadcast %eq3A_228 : i32 to vector<16xi32>
        %eq3A_230 = arith.cmpi eq, %get3A_222, %eq3A_229 : vector<16xi32>
        %and3A_231 = arith.andi %lt3A_227, %eq3A_230 : vector<16xi1>
        %jit3A_232 = arith.constant 1 : i32
        %jit3A_233 = arith.constant 0 : i32
        %broadcast_in_dim3A_234 = vector.broadcast %jit3A_232 : i32 to vector<16xi32>
        %broadcast_in_dim3A_235 = vector.broadcast %jit3A_233 : i32 to vector<16xi32>
        %select_n3A_236 = arith.select %and3A_231, %broadcast_in_dim3A_234, %broadcast_in_dim3A_235 : vector<16xi1>, vector<16xi32>
        %add3A_237 = arith.addi %while3A_212, %select_n3A_236 : vector<16xi32>
        scf.yield %add3A_237 : vector<16xi32>
      }
      %while3A_184 = arith.constant 1 : i32
      %while3A_185 = scf.for %while3A_211 = %while3A_181 to %while3A_177 step %while3A_184 iter_args(%while3A_212 = %while3A_183) -> (vector<16xi32>)  : i32 {
        %mul3A_213 = arith.constant 16 : i32
        %mul3A_214 = arith.muli %while3A_211, %mul3A_213 : i32
        %add3A_215 = arith.addi %scan3A_128, %mul3A_214 : i32
        %shift_right_arithmetic3A_216 = arith.constant 7 : i32
        %shift_right_arithmetic3A_217 = arith.shrsi %add3A_215, %shift_right_arithmetic3A_216 : i32
        %and3A_218 = arith.constant 127 : i32
        %and3A_219 = arith.andi %add3A_215, %and3A_218 : i32
        %get3A_220 = arith.index_cast %shift_right_arithmetic3A_217 : i32 to index
        %get3A_221 = arith.index_cast %and3A_219 : i32 to index
        %get3A_222 = tpu.vector_load %arg8[%get3A_220, %get3A_221] {strides = array<i32>} : memref<13x128xi32, #tpu.memory_space<vmem>>, vector<16xi32>,
        %mul3A_223 = arith.constant 16 : i32
        %mul3A_224 = arith.muli %while3A_211, %mul3A_223 : i32
        %add3A_225 = vector.broadcast %mul3A_224 : i32 to vector<16xi32>
        %add3A_226 = arith.addi %add3A_225, %iota3A : vector<16xi32>
        %lt3A = vector.broadcast %reduce_sum3A_141 : i32 to vector<16xi32>
        %lt3A_227 = arith.cmpi slt, %add3A_226, %lt3A : vector<16xi32>
        %eq3A_228 = arith.constant 0 : i32
        %eq3A_229 = vector.broadcast %eq3A_228 : i32 to vector<16xi32>
        %eq3A_230 = arith.cmpi eq, %get3A_222, %eq3A_229 : vector<16xi32>
        %and3A_231 = arith.andi %lt3A_227, %eq3A_230 : vector<16xi1>
        %jit3A_232 = arith.constant 1 : i32
        %jit3A_233 = arith.constant 0 : i32
        %broadcast_in_dim3A_234 = vector.broadcast %jit3A_232 : i32 to vector<16xi32>
        %broadcast_in_dim3A_235 = vector.broadcast %jit3A_233 : i32 to vector<16xi32>
        %select_n3A_236 = arith.select %and3A_231, %broadcast_in_dim3A_234, %broadcast_in_dim3A_235 : vector<16xi1>, vector<16xi32>
        %add3A_237 = arith.addi %while3A_212, %select_n3A_236 : vector<16xi32>
        scf.yield %add3A_237 : vector<16xi32>
      }
      %reduce_sum3A_186 = arith.constant true
      %reduce_sum3A_187 = vector.broadcast %reduce_sum3A_186 : i1 to vector<16xi1>
      %reduce_sum3A_188 = tpu.scan <sum>, %while3A_185 masked %reduce_sum3A_187 : vector<16xi32>, vector<16xi1> -> vector<16xi32>
      %reduce_sum3A_189 = vector.extract %reduce_sum3A_188[15] : i32 from vector<16xi32>
      %broadcast_in_dim3A_190 = vector.broadcast %reduce_sum3A_189 : i32 to vector<16xi32>
      %convert_element_type3A = arith.sitofp %broadcast_in_dim3A_190 : vector<16xi32> to vector<16xf32>
      %max3A = arith.constant 1 : i32
      %max3A_191 = arith.maxsi %reduce_sum3A_141, %max3A : i32
      %broadcast_in_dim3A_192 = vector.broadcast %max3A_191 : i32 to vector<16xi32>
      %broadcast_in_dim3A_193 = arith.constant 1.000000e+00 : f32
      %broadcast_in_dim3A_194 = vector.broadcast %broadcast_in_dim3A_193 : f32 to vector<16xf32>
      %convert_element_type3A_195 = arith.sitofp %broadcast_in_dim3A_192 : vector<16xi32> to vector<16xf32>
      %div3A = arith.divf %broadcast_in_dim3A_194, %convert_element_type3A_195 : vector<16xf32>
      %mul3A_196 = arith.mulf %convert_element_type3A, %get3A_6 : vector<16xf32>
      %sub3A_197 = arith.subf %while3A_174#0, %mul3A_196 : vector<16xf32>
      %mul3A_198 = arith.mulf %sub3A_197, %div3A : vector<16xf32>
      %swap3A_199 = arith.index_cast %scan3A_127 : i32 to index
      %swap3A_200 = arith.constant 0 : index
      %swap3A_201 = tpu.vector_load %arg12[%swap3A_199, %swap3A_200] {strides = array<i32>} : memref<8x32xf32, #tpu.memory_space<vmem>>, vector<16xf32>,
      tpu.vector_store %arg12[%swap3A_199, %swap3A_200], %mul3A_198 {strides = array<i32>} : memref<8x32xf32, #tpu.memory_space<vmem>>, vector<16xf32>,
      %mul3A_202 = arith.mulf %convert_element_type3A, %get3A_10 : vector<16xf32>
      %sub3A_203 = arith.subf %while3A_174#1, %mul3A_202 : vector<16xf32>
      %mul3A_204 = arith.mulf %sub3A_203, %div3A : vector<16xf32>
      %swap3A_205 = arith.index_cast %scan3A_127 : i32 to index
      %swap3A_206 = arith.constant 16 : index
      %swap3A_207 = tpu.vector_load %arg12[%swap3A_205, %swap3A_206] {strides = array<i32>} : memref<8x32xf32, #tpu.memory_space<vmem>>, vector<16xf32>,
      tpu.vector_store %arg12[%swap3A_205, %swap3A_206], %mul3A_204 {strides = array<i32>} : memref<8x32xf32, #tpu.memory_space<vmem>>, vector<16xf32>,
      %shift_left3A_208 = arith.constant 4 : i32
      %shift_left3A_209 = arith.shli %shift_right_arithmetic3A_147, %shift_left3A_208 : i32
      %add3A_210 = arith.addi %scan3A_128, %shift_left3A_209 : i32
      scf.yield %add3A_210 : i32
    }
    %scan3A_126 = arith.constant 8 : i32
    "tpu.region"() ({
      %run_scoped3A = tpu.sem_alloc : memref<!tpu.dma_semaphore, #tpu.memory_space<semaphore_mem>>
      %dma_start3A = arith.constant 0 : i32
      %dma_start3A_127 = tpu.memref_slice %arg5[%add3A_107, %dma_start3A] : memref<16384x32xf32, #tpu.memory_space<hbm>> -> memref<8x32xf32, #tpu.memory_space<hbm>>
      %dma_start3A_128 = arith.constant 0 : i32
      %dma_start3A_129 = tpu.memref_slice %arg5[%add3A_107, %dma_start3A_128] : memref<16384x32xf32, #tpu.memory_space<hbm>> -> memref<8x32xf32, #tpu.memory_space<hbm>>
      tpu.enqueue_dma source(%arg12 : memref<8x32xf32, #tpu.memory_space<vmem>>) target(%dma_start3A_129 : memref<8x32xf32, #tpu.memory_space<hbm>>) target_semaphore(%run_scoped3A : memref<!tpu.dma_semaphore, #tpu.memory_space<semaphore_mem>>)
      %dma_wait3A = arith.constant 0 : i32
      %dma_wait3A_130 = tpu.memref_slice %arg5[%add3A_107, %dma_wait3A] : memref<16384x32xf32, #tpu.memory_space<hbm>> -> memref<8x32xf32, #tpu.memory_space<hbm>>
      %dma_wait3A_131 = arith.constant 0 : i32
      %dma_wait3A_132 = tpu.memref_slice %arg5[%add3A_107, %dma_wait3A_131] : memref<16384x32xf32, #tpu.memory_space<hbm>> -> memref<8x32xf32, #tpu.memory_space<hbm>>
      tpu.wait_dma2 semaphore(%run_scoped3A : memref<!tpu.dma_semaphore, #tpu.memory_space<semaphore_mem>>) src(%arg12 : memref<8x32xf32, #tpu.memory_space<vmem>>) dst(%dma_wait3A_132 : memref<8x32xf32, #tpu.memory_space<hbm>>)
      tpu.yield
    }) : () -> ()
    return
  }
}

</mosaic_0001>

<sc_bundles>
// kernel: _run.3.cloned.1.call-start
scs
__scs_entry_jumppad:
0x0: {  	(pc) =	sbr.rel $0x88, $3  }
0x1: {  	(tag) =	ssettag $0x0;
	lr =	simm.s32 $0x1  }
0x2: {  	[smem:$0x3F9E] =	sst lr;
	_ =	strace $0xD0000000  }
0x3: {  	_ = 	snop  }
0x4: {  	_ = 	snop  }
0x5: {  	_ = 	snop  }
0x6: {  	_ = 	snop  }
0x7: {  	_ = 	snop  }
__scs_overlays_trampoline_lowered:
0x8: {  	[smem:$0x3FAD] =	sst s0  }
0x9: {  	[smem:$0x3FAE] =	sst s1  }
0xa: {  	[smem:$0x3FAF] =	sst s2  }
0xb: {  	[smem:$0x3FB0] =	sst s3  }
0xc: {  	[smem:$0x3FB1] =	sst s4  }
0xd: {  	[smem:$0x3FB2] =	sst s5  }
0xe: {  	[smem:$0x3FB3] =	sst s6  }
0xf: {  	[smem:$0x3FB4] =	sst s7  }
0x10: {  	[smem:$0x3FB5] =	sst s8  }
0x11: {  	[smem:$0x3FB6] =	sst s9;
	s0 =	simm.s32 @!p0 $0x0  }
0x12: {  	s1 =	sld [smem:$0x3F9C];
	s0 =	simm.s32 @p0 $0x1  }
0x13: {  	[smem:$0x3FB7] =	sst s0;
	s0 =	simm.s32 @!p1 $0x0  }
0x14: {  	s2 =	sld [smem:$0x3F9B];
	s0 =	simm.s32 @p1 $0x1  }
0x15: {  	[smem:$0x3FB8] =	sst s0;
	s0 =	simm.s32 @!p2 $0x0  }
0x16: {  	s3 =	sld [smem:$0x3FDB];
	s0 =	simm.s32 @p2 $0x1  }
0x17: {  	s4 =	simm.s32 $0x1BF5;
	[smem:$0x3FBA] =	sst s0  }
0x18: {  	s0 =	sld [smem:$0x3F9D];
	_ =	swait.ge [sflag:s4], $0x0  }
0x19: {  	s7 =	sld [smem:$0x3F9E]  }
0x1a: {  	s8 =	sadd.s32 $0xFFFFE003, lr  }
0x1b: {  	s9 =	sadd.s32 $0xFFFFFEF7, lr;
	s5 =	simm.s32 $0xFFFFFFFF;
	p2 =	slt.u32 s8, $0xFFFFF086  }
0x1c: {  	p1 =	slt.u32 s9, $0xF7A;
	s5 =	simm.s32 @!p2 $0x0  }
0x1d: {  	s5 =	simm.s32 @p1 $0x1;
	p0 =	seq.s32 s7, s2  }
0x1e: {  	s7 =	smul.u32 @!p0 $0xF7A, s2;
	p2 =	seq.s32 @!p0 s5, $0x0  }
0x1f: {  	s9 =	smul.u32 $0xF7A, s1;
	s8 =	simm.s32 @!p0 $0x1BF5;
	p2 =	por !p2, p0  }
0x20: {  	[sflag:s8] =	ssyncset.s32 @!p0 $0xFFFFF086;
	s6 =	sadd.s32 @!p0 s3, s7;
	s7 =	simm.s32 @!p0 $0x108  }
0x21: {  	s3 =	sadd.s32 s3, s9;
	s6 =	sadd.s32 @!p0 $0x88, s6;
	s7 =	simm.s32 @p2 $0x1082  }
0x22: {  	[simem:s7], [sflag:s8] =	dma.local @!p0 [hbm:s6], $0xF7A  }
0x23: {  	s9 =	sor.u32 $0xD0000000, s2;
	s6 =	simm.s32 $0x108;
	_ =	swait.ge @!p0 [sflag:s8], $0x0  }
0x24: {  	s3 =	sadd.s32 $0x88, s3;
	s6 =	simm.s32 @!p1 $0x1082;
	[sflag:s4] =	ssyncset.s32 $0xFFFFF086  }
0x25: {  	[simem:s6], [sflag:s4] =	dma.local [hbm:s3], $0xF7A  }
0x26: {  	[smem:$0x3F9E] =	sst s1;
	(tag) =	ssettag s2;
	_ =	strace s9  }
0x27: {  	s1 =	sld [smem:$0x3FAE]  }
0x28: {  	s2 =	sld [smem:$0x3FAF]  }
0x29: {  	s4 =	sld [smem:$0x3FB1]  }
0x2a: {  	p0 =	seq.s32 s5, $0x0;
	s5 =	sld [smem:$0x3FB2]  }
0x2b: {  	s6 =	sld [smem:$0x3FB3]  }
0x2c: {  	s7 =	sld [smem:$0x3FB4]  }
0x2d: {  	s3 =	simm.s32 $0x108;
	s8 =	sld [smem:$0x3FB5]  }
0x2e: {  	s3 =	simm.s32 @!p0 $0x1082;
	s9 =	sld [smem:$0x3FB6]  }
0x2f: {  	lr =	sadd.s32 s0, s3;
	s0 =	sld [smem:$0x3FAD]  }
0x30: {  	s3 =	sld [smem:$0x3FB0]  }
0x31: {  	[smem:$0x3FB9] =	sst s10  }
0x32: {  	s10 =	sld [smem:$0x3FB7];
	_ =	sdelay $0x3  }
0x33: {  	p0 =	seq.s32 s10, $0x1;
	s10 =	sld [smem:$0x3FB9];
	_ =	sdelay $0x3  }
0x34: {  	[smem:$0x3FB9] =	sst s10  }
0x35: {  	s10 =	sld [smem:$0x3FB8];
	_ =	sdelay $0x3  }
0x36: {  	p1 =	seq.s32 s10, $0x1;
	s10 =	sld [smem:$0x3FB9];
	_ =	sdelay $0x3  }
0x37: {  	[smem:$0x3FB9] =	sst s10  }
0x38: {  	s10 =	sld [smem:$0x3FBA]  }
0x39: {  	_ = 	snop;
	(pc) =	sbr.ind lr, $3  }
0x3a: {  	_ = 	snop  }
0x3b: {  	_ = 	snop  }
0x3c: {  	p2 =	seq.s32 s10, $0x1;
	s10 =	sld [smem:$0x3FB9]  }
0x3d: {  	_ =	shalt  }
0x3e: {  	_ =	shalt  }
0x3f: {  	_ =	shalt  }
0x40: {  	_ =	shalt  }
0x41: {  	_ =	shalt  }
0x42: {  	_ =	shalt  }
0x43: {  	_ =	shalt  }
0x44: {  	_ =	shalt  }
0x45: {  	_ =	shalt  }
0x46: {  	_ =	shalt  }
0x47: {  	_ =	shalt  }
0x48: {  	_ =	shalt  }
0x49: {  	_ =	shalt  }
0x4a: {  	_ =	shalt  }
0x4b: {  	_ =	shalt  }
0x4c: {  	_ =	shalt  }
0x4d: {  	_ =	shalt  }
0x4e: {  	_ =	shalt  }
0x4f: {  	_ =	shalt  }
0x50: {  	_ =	shalt  }
0x51: {  	_ =	shalt  }
0x52: {  	_ =	shalt  }
0x53: {  	_ =	shalt  }
0x54: {  	_ =	shalt  }
0x55: {  	_ =	shalt  }
0x56: {  	_ =	shalt  }
0x57: {  	_ =	shalt  }
0x58: {  	_ =	shalt  }
0x59: {  	_ =	shalt  }
0x5a: {  	_ =	shalt  }
0x5b: {  	_ =	shalt  }
0x5c: {  	_ =	shalt  }
0x5d: {  	_ =	shalt  }
0x5e: {  	_ =	shalt  }
0x5f: {  	_ =	shalt  }
0x60: {  	_ =	shalt  }
0x61: {  	_ =	shalt  }
0x62: {  	_ =	shalt  }
0x63: {  	_ =	shalt  }
0x64: {  	_ =	shalt  }
0x65: {  	_ =	shalt  }
0x66: {  	_ =	shalt  }
0x67: {  	_ =	shalt  }
0x68: {  	_ =	shalt  }
0x69: {  	_ =	shalt  }
0x6a: {  	_ =	shalt  }
0x6b: {  	_ =	shalt  }
0x6c: {  	_ =	shalt  }
0x6d: {  	_ =	shalt  }
0x6e: {  	_ =	shalt  }
0x6f: {  	_ =	shalt  }
0x70: {  	_ =	shalt  }
0x71: {  	_ =	shalt  }
0x72: {  	_ =	shalt  }
0x73: {  	_ =	shalt  }
0x74: {  	_ =	shalt  }
0x75: {  	_ =	shalt  }
0x76: {  	_ =	shalt  }
0x77: {  	_ =	shalt  }
0x78: {  	_ =	shalt  }
0x79: {  	_ =	shalt  }
0x7a: {  	_ =	shalt  }
0x7b: {  	_ =	shalt  }
0x7c: {  	_ =	shalt  }
0x7d: {  	_ =	shalt  }
0x7e: {  	_ =	shalt  }
0x7f: {  	_ =	shalt  }
0x80: {  	_ =	shalt  }
0x81: {  	_ =	shalt  }
0x82: {  	_ =	shalt  }
0x83: {  	_ =	shalt  }
0x84: {  	_ =	shalt  }
0x85: {  	_ =	shalt  }
0x86: {  	_ =	shalt  }
0x87: {  	_ =	shalt  }
.Lfunc_end0:
.L_simem_size_0:
called_computation_lowered:
.L_overlay_start_0:
0x88: {  	s2 =	sld [smem:$0x3FD9]  }
0x89: {  	s3 =	sld [smem:$0x3FFE];
	_ =	sdelay $0x1  }
0x8a: {  	s1 =	srdreg.scid  }
0x8b: {  	s0 =	sand.u32 $0x1, s1  }
0x8c: {  	s17 =	sshll.u32 s0, $0xA;
	s2 =	sadd.s32 s3, s2  }
0x8d: {  	s2 =	sadd.s32 s2, s17  }
0x8e: {  	[smem:$0x3FC5] =	sst s2  }
0x8f: {  	_ = 	snop  }
0x90: {  	s2 =	sld [smem:$0x3FC8]  }
0x91: {  	s18 =	sld [smem:$0x3FD0];
	(tm) =	ssettm $0x1  }
0x92: {  	s4 =	sld [smem:$0x3FFB];
	_ =	sdelay $0x3  }
0x93: {  	_ =	strace s4  }
0x94: {  	s4 =	sld [smem:$0x3FFC];
	_ =	sdelay $0x3  }
0x95: {  	_ =	strace s4  }
0x96: {  	s4 =	sld [smem:$0x3FFD];
	_ =	sdelay $0x3  }
0x97: {  	_ =	strace s4  }
0x98: {  	_ =	strace $0x8FFFFFFF  }
0x99: {  	s19 =	sld [smem:$0x3FDB];
	_ =	sdelay $0x1  }
0x9a: {  	s5 =	simm.s32 $_scs_section_size  }
0x9b: {  	s6 =	simm.s32 $_size__tile_overlayer_lowered;
	s7 =	simm.s32 $_tile_overlayer_lowered  }
0x9c: {  	s22 =	simm.s32 $0x1BFF;
	s21 =	sshll.u32 s7, $0x1;
	s4 =	sadd.s32 s5, s19  }
0x9d: {  	s8 =	simm.s32 $0x0;
	s20 =	sshll.u32 s6, $0x1;
	s6 =	sadd.s32 s21, s4  }
0x9e: {  	[timem:s8], [sflag:s22] =	dma.local [hbm:s6], s20  }
0x9f: {  	_ =	swait.ge [sflag:s22], s20  }
0xa0: {  	s5 =	ssub.s32 $0x0, s20;
	[sflag:s22] =	ssyncset.done $0x0  }
0xa1: {  	[sflag:s22] =	ssyncadd.s32 s5;
	_ =	sdelay $0x1  }
0xa2: {  	s23 =	simm.s32 $0x1B8B  }
0xa3: {  	_ =	swait.ge [sflag:s23], $0x1  }
0xa4: {  	[sflag:s23] =	ssyncset.done $0x0  }
0xa5: {  	s25 =	simm.s32 $0x1B8E;
	s24 =	sld [smem:$0x3FFE];
	[sflag:s23] =	ssyncadd.s32 $0xFFFFFFFF  }
0xa6: {  	s26 =	simm.s32 $execute0_lowered;
	[smem:$0x3FD2] =	sst s25  }
0xa7: {  	s6 =	sshll.u32 s26, $0x1;
	_ =	strace $0x80000046;
	[dreg:$0x1] =	wrdreg $0xFFFFFFFF  }
0xa8: {  	s28 =	simm.s32 $_size_execute0_lowered;
	s4 =	sadd.s32 s4, s6;
	[dreg:$0x0] =	wrdreg $0x0  }
0xa9: {  	s6 =	sshll.u32 s28, $0x1;
	[dreg:$0x2] =	wrdreg s4  }
0xaa: {  	[dreg:$0x3] =	wrdreg s6  }
0xab: {  	[dreg:$0x4] =	wrdreg $0xC0  }
0xac: {  	_ =	task [dreg:s8], $0x5FFFF  }
0xad: {  	[dreg:$0x1] =	wrdreg $0xFFFFFFFF  }
0xae: {  	[dreg:$0x0] =	wrdreg $0x60  }
0xaf: {  	[dreg:$0x2] =	wrdreg s24  }
0xb0: {  	[dreg:$0x3] =	wrdreg s2  }
0xb1: {  	[dreg:$0x4] =	wrdreg s18  }
0xb2: {  	[dreg:$0x5] =	wrdreg $0x9  }
0xb3: {  	_ =	task.clear_ibuf [dreg:s8], $0x6FFFF;
	_ =	strace $0x90000046  }
0xb4: {  	s29 =	simm.s32 $0x9;
	_ =	strace $0x80000048  }
0xb5: {  	_ =	swait.ge [sflag:s29], $0x1  }
0xb6: {  	[sflag:s29] =	ssyncadd.s32 $0xFFFFFFFF  }
0xb7: {  	_ =	strace $0x90000048  }
0xb8: {  	_ =	sfence  }
0xb9: {  	s30 =	sld [smem:$0x0];
	_ =	sdelay $0x2  }
0xba: {  	s31 =	sshll.u32 s1, $0xD;
	s1 =	sshrl.u32 s1, $0x2  }
0xbb: {  	s3 =	sand.u32 $0x4000, s31;
	s1 =	sadd.s32 s1, s30  }
0xbc: {  	s0 =	sor.u32 s3, s0;
	s1 =	sshll.u32 s1, $0x11  }
0xbd: {  	s0 =	sor.u32 s1, s0  }
0xbe: {  	s0 =	sadd.s32 $0x8F2B, s0  }
0xbf: {  	[sflag:s0] =	ssyncadd.remote.s32 $0x1  }
0xc0: {  	_ =	sfence.sel $0xFFFF  }
0xc1: {  	[dreg:$0x0] =	wrdreg $0xFFFFFFFF;
	(pc) =	sbr.abs _section_cstart, $3  }
0xc2: {  	[dreg:$0x1] =	wrdreg $0xFFFFFFFF  }
0xc3: {  	_ =	task.clear_ibuf [dreg:s8], $0x2FFFF;
	_ =	strace $0x9FFFFFFF  }
0xc4: {  	(tm) =	ssettm $0x7FFFFFFF  }
0xc5: {  	_ =	shalt  }
tec
execute0_lowered:
.L_overlay_start_1:
0x0: {  	(tag) =	ssettag $0x1  }
0x1: {  	s0 =	rddreg [dreg:$0x0]  }
0x2: {  	s2 =	rddreg [dreg:$0x1]  }
0x3: {  	s1 =	rddreg [dreg:$0x2]  }
0x4: {  	s3 =	simm.s32 $0x0;
	s4 =	srdreg.scid;
	s5 =	stileid.u32  }
0x5: {  	s10 =	simm.s32 $0x3;
	s16 =	simm.s32 $0xD0;
	s18 =	simm.s32 $0x1A0  }
0x6: {  	s28 =	simm.s32 $0x2;
	s29 =	simm.s32 $0x1B580;
	s30 =	simm.s32 $0x1  }
0x7: {  	s31 =	simm.s32 $0x0;
	[smem:$0x7FF] =	sst s3;
	s6 =	sand.u32 $0x1, s4  }
0x8: {  	s4 =	sadd.s32 $0x600, s0;
	s8 =	sshll.u32 s5, $0x1;
	s5 =	sadd.s32 $0xF42A00, s0  }
0x9: {  	_ =	strace $0x80000047;
	s7 =	ssub.s32 $0x2, s6;
	s8 =	sor.u32 s6, s8  }
0xa: {  	s20 =	sshrl.u32 s7, $0x1;
	s21 =	sshll.u32 s8, $0x6;
	s9 =	smul.u32 $0x3200, s8  }
0xb: {  	s6 =	sshll.u32 s8, $0x9;
	s0 =	ssub.s32 s7, s20;
	s2 =	sadd.s32 s2, s21  }
0xc: {  	s22 =	sshll.u32 s8, $0xB;
	[dreg:$0x4] =	wrdreg s2;
	s0 =	smax.u32 s0, $0x1  }
0xd: {  	v0 =	vlaneseq.u32;
	s23 =	sadd.s32 s4, s9;
	s2 =	sadd.s32 s22, s1;
	[dreg:$0x7] =	wrdreg s0  }
0xe: {  	v9 =	vimm.s32 $0x0;
	v1 =	vor.u32 $0x680, v0;
	s8 =	sshll.u32 s8, $0xC;
	s2 =	sadd.s32 $0x7E0, s2;
	[dreg:$0x5] =	wrdreg s23  }
.Ltmp0:
0xf: {  	v2 =	vor.u32 $0x690, v0;
	v3 =	vor.u32 $0x6A0, v0;
	v4 =	vor.u32 $0x6B0, v0;
	s24 =	sadd.s32 $0x19, s23;
	[dreg:$0x6] =	wrdreg s2;
	(pc) =	sbr.rel .LBB2_1-.Ltmp0, $4  }
0x10: {  	v5 =	vor.u32 $0x6C0, v0;
	v6 =	vor.u32 $0x6D0, v0;
	v7 =	vor.u32 $0x6E0, v0;
	s20 =	simm.s32 $0x270;
	s25 =	sadd.s32 $0x32, s23;
	[dreg:$0x8] =	wrdreg s24  }
0x11: {  	v8 =	vor.u32 $0x6F0, v0;
	v1 =	vor.u32 s8, v1;
	v2 =	vor.u32 s8, v2;
	s21 =	simm.s32 $0x340;
	s26 =	sadd.s32 $0x4B, s23;
	[dreg:$0x9] =	wrdreg s25  }
0x12: {  	v3 =	vor.u32 s8, v3;
	v4 =	vor.u32 s8, v4;
	v5 =	vor.u32 s8, v5;
	s22 =	simm.s32 $0x410;
	s23 =	simm.s32 $0x4E0;
	[dreg:$0xa] =	wrdreg s26  }
0x13: {  	v6 =	vor.u32 s8, v6;
	v7 =	vor.u32 s8, v7;
	v8 =	vor.u32 s8, v8;
	s24 =	simm.s32 $0x5B0;
	s25 =	simm.s32 $0x80;
	s26 =	simm.s32 $0x5  }
.LBB2_92:
0x14: {  	s0 =	rddreg [dreg:$0x6];
	s10 =	simm.s32 $0x3  }
0x15: {  	[hbm4b:s0+s3] =	stream.linear.scatter [tilespmem:s29], [sflag:$0x3], $0x100, $0x38;
	[tilespmem:$0x1B6A0] =	vst v63  }
0x16: {  	_ =	swait.ge [sflag:s10], $0x100  }
0x17: {  	s31 =	sadd.s32 $0x1, s31;
	s19 =	rddreg [dreg:$0x7]  }
0x18: {  	p0 =	sne.s32 s31, s19  }
.Ltmp1:
0x19: {  	_ = 	snop;
	(pc) =	sbr.rel @!p0 .LBB2_93-.Ltmp1, $3  }
0x1a: {  	_ =	sdelay $0x1  }
0x1b: {  	[sflag:s10] =	ssyncset.done $0x0  }
0x1c: {  	[sflag:s10] =	ssyncadd.s32 $0xFFFFFF00  }
.LBB2_1:
0x1d: {  	s0 =	rddreg [dreg:$0x4];
	s2 =	simm.s32 $0x1B380  }
0x1e: {  	[tilespmem:s2], [sflag:$0x3] =	stream.linear.gather [hbm4b:s0+s3], $0x200, $0x38;
	[tilespmem:$0x1B6A0] =	vst v63  }
0x1f: {  	_ =	swait.ge [sflag:s10], $0x200  }
0x20: {  	[sflag:s10] =	ssyncset.done $0x0  }
0x21: {  	s17 =	simm.s32 $0x1B680;
	[sflag:s10] =	ssyncadd.s32 $0xFFFFFE00  }
0x22: {  	[tilespmem:s17], [sflag:$0x3] =	stream.linear.gather [hbm4b:s5+s3], $0x20, $0x38;
	[tilespmem:$0x1B6A0] =	vst v63  }
0x23: {  	_ =	swait.ge [sflag:s10], $0x20  }
0x24: {  	[sflag:s10] =	ssyncset.done $0x0  }
0x25: {  	s19 =	sor.u32 s8, s3;
	[sflag:s10] =	ssyncadd.s32 $0xFFFFFFE0  }
0x26: {  	s0 =	simm.s32 $0x680;
	v12 =	vor.u32 s19, v0;
	v10 =	vld [tilespmem:$0x1B680]  }
0x27: {  	s2 =	simm.s32 $0xD00;
	v11 =	vld [tilespmem:$0x1B690];
	[tilespmem:s0+$0x0] =	vst v12  }
0x28: {  	s7 =	simm.s32 $0x10;
	[tilespmem:s2+$0x0] =	vst v12  }
.LBB2_2:
0x29: {  	p0 =	sne.s32 s7, $0x670  }
.Ltmp2:
0x2a: {  	_ = 	snop;
	(pc) =	sbr.rel @p0 .LBB2_2-.Ltmp2, $4  }
0x2b: {  	s9 =	sor.u32 s8, s7  }
0x2c: {  	s0 =	sadd.s32 $0x10, s0;
	v12 =	vor.u32 s9, v0  }
0x2d: {  	s2 =	sadd.s32 $0x10, s2;
	[tilespmem:s0+$0x0] =	vst v12  }
0x2e: {  	s7 =	sadd.s32 $0x10, s7;
	[tilespmem:s2+$0x0] =	vst v12  }
0x2f: {  	[tilespmem:$0xC0] =	vst v1  }
0x30: {  	[tilespmem:$0x190] =	vst v2  }
0x31: {  	[tilespmem:$0x260] =	vst v3  }
0x32: {  	[tilespmem:$0x330] =	vst v4  }
0x33: {  	[tilespmem:$0x400] =	vst v5  }
0x34: {  	[tilespmem:$0x4D0] =	vst v6  }
0x35: {  	[tilespmem:$0x5A0] =	vst v7  }
0x36: {  	[tilespmem:$0x670] =	vst v8;
	s0 =	simm.s32 $0x0;
	s7 =	rddreg [dreg:$0x5]  }
0x37: {  	[tilespmem:s0], [sflag:$0x3] =	stream.linear.gather [hbm4b:s7+s0], $0xC8, $0x38;
	[tilespmem:$0x1B6A0] =	vst v63  }
0x38: {  	s2 =	rddreg [dreg:$0x8]  }
0x39: {  	[tilespmem:s16], [sflag:$0x3] =	stream.linear.gather [hbm4b:s2+s0], $0xC8, $0x38;
	[tilespmem:$0x1B6A0] =	vst v63  }
0x3a: {  	s12 =	rddreg [dreg:$0x9]  }
0x3b: {  	[tilespmem:s18], [sflag:$0x3] =	stream.linear.gather [hbm4b:s12+s0], $0xC8, $0x38;
	[tilespmem:$0x1B6A0] =	vst v63  }
0x3c: {  	s13 =	rddreg [dreg:$0xa]  }
0x3d: {  	[tilespmem:s20], [sflag:$0x3] =	stream.linear.gather [hbm4b:s13+s0], $0xC8, $0x38;
	[tilespmem:$0x1B6A0] =	vst v63  }
0x3e: {  	s14 =	sadd.s32 $0x64, s7  }
0x3f: {  	[tilespmem:s21], [sflag:$0x3] =	stream.linear.gather [hbm4b:s14+s0], $0xC8, $0x38;
	[tilespmem:$0x1B6A0] =	vst v63  }
0x40: {  	s15 =	sadd.s32 $0x7D, s7  }
0x41: {  	[tilespmem:s22], [sflag:$0x3] =	stream.linear.gather [hbm4b:s15+s0], $0xC8, $0x38;
	[tilespmem:$0x1B6A0] =	vst v63  }
0x42: {  	s17 =	sadd.s32 $0x96, s7  }
0x43: {  	[tilespmem:s23], [sflag:$0x3] =	stream.linear.gather [hbm4b:s17+s0], $0xC8, $0x38;
	[tilespmem:$0x1B6A0] =	vst v63  }
.Ltmp3:
0x44: {  	s19 =	sadd.s32 $0xAF, s7;
	(pc) =	sbr.rel .LBB2_4-.Ltmp3, $4  }
0x45: {  	[tilespmem:s24], [sflag:$0x3] =	stream.linear.gather [hbm4b:s19+s0], $0xC8, $0x38;
	[tilespmem:$0x1B6A0] =	vst v63  }
0x46: {  	_ =	swait.ge [sflag:s10], $0x640  }
0x47: {  	[sflag:s10] =	ssyncset.done $0x0  }
0x48: {  	s7 =	simm.s32 $0x0;
	s2 =	simm.s32 $0x0;
	[sflag:s10] =	ssyncadd.s32 $0xFFFFF9C0  }
.LBB2_7:
0x49: {  	s7 =	sadd.s32 $0x1, s7  }
0x4a: {  	p0 =	sne.s32 s7, $0x8  }
.Ltmp4:
0x4b: {  	_ = 	snop;
	(pc) =	sbr.rel @!p0 .LBB2_8-.Ltmp4, $3  }
0x4c: {  	_ =	sdelay $0x1  }
0x4d: {  	s9 =	sand.u32 $0xFFFFFFF0, s10  }
0x4e: {  	s0 =	sadd.s32 $0xD0, s0;
	s2 =	sadd.s32 s2, s9  }
.LBB2_4:
0x4f: {  	v12 =	vld [tilespmem:$0x1B380];
	_ =	sdelay $0x2  }
0x50: {  	v13 =	vmov s7  }
0x51: {  	vm0 =	veq.s32 v13, v0  }
0x52: {  	v12 =	vnsel vm0, $0x0, v12  }
0x53: {  	(xrf0) =	vadd.scan.msk.s32 $0xffff, v12;
	_ =	sdelay $0x5  }
0x54: {  	v12, _, _ =	vpop (xrf0)  }
0x55: {  	(v2sf) =	vpush v12, $0xF;
	_ =	sdelay $0xe  }
0x56: {  	s9 =	spop (v2sf)  }
0x57: {  	s10 =	sadd.s32 $0xF, s9  }
0x58: {  	s11 =	sshra.s32 s10, $0x4  }
0x59: {  	p0 =	slt.s32 s11, $0x1  }
.Ltmp5:
0x5a: {  	_ = 	snop;
	(pc) =	sbr.rel @p0 .LBB2_7-.Ltmp5, $1  }
0x5b: {  	_ =	sdelay $0x3  }
0x5c: {  	v12 =	vld [tilespmem:s0+$0x0];
	p0 =	sne.s32 s11, $0x1  }
.Ltmp6:
0x5d: {  	_ = 	snop;
	(pc) =	sbr.rel @!p0 .LBB2_7-.Ltmp6, $3  }
0x5e: {  	_ =	sdelay $0x1  }
0x5f: {  	s9 =	sadd.s32 $0x680, s2  }
0x60: {  	s11 =	sadd.s32 $0xFFFFFFFF, s11;
	s12 =	sadd.s32 $0x10, s0;
	[tilespmem:s9+$0x0] =	vst v12  }
.LBB2_6:
0x61: {  	v12 =	vld [tilespmem:s12+$0x0];
	p0 =	sne.s32 s11, $0x1;
	s11 =	sadd.s32 $0xFFFFFFFF, s11  }
.Ltmp7:
0x62: {  	(pc) =	sbr.rel @p0 .LBB2_6-.Ltmp7, $3  }
0x63: {  	_ =	sdelay $0x1  }
0x64: {  	s9 =	sadd.s32 $0x10, s9  }
0x65: {  	s12 =	sadd.s32 $0x10, s12;
	[tilespmem:s9+$0x0] =	vst v12  }
.Ltmp8:
0x66: {  	_ = 	snop;
	(pc) =	sbr.rel .LBB2_7-.Ltmp8, $1  }
0x67: {  	_ =	sdelay $0x3  }
.LBB2_8:
0x68: {  	s0 =	sadd.s32 $0x70, s2  }
0x69: {  	s7 =	sshra.s32 s0, $0x7  }
0x6a: {  	p0 =	sgt.s32 s7, $0x0  }
.Ltmp9:
0x6b: {  	_ = 	snop;
	(pc) =	sbr.rel @!p0 .LBB2_11-.Ltmp9, $1  }
0x6c: {  	_ =	sdelay $0x3  }
0x6d: {  	p0 =	seq.s32 s7, $0x1  }
.Ltmp10:
0x6e: {  	_ = 	snop;
	(pc) =	sbr.rel @p0 .LBB2_11-.Ltmp10, $3  }
0x6f: {  	_ =	sdelay $0x1  }
0x70: {  	s0 =	simm.s32 $0x680;
	s2 =	simm.s32 $0x1380;
	s9 =	sadd.s32 $0xFFFFFFFF, s7  }
0x71: {  	[tilespmem:s2], [sflag:$0x1] =	stream.indirect.gather [hbm4b:s5+s25], $0x20, s0, s25, $0xb8;
	[tilespmem:$0x1B6A0] =	vst v63  }
.LBB2_10:
0x72: {  	p0 =	seq.s32 s9, $0x1  }
.Ltmp11:
0x73: {  	_ = 	snop;
	(pc) =	sbr.rel @!p0 .LBB2_10-.Ltmp11, $4  }
0x74: {  	_ = 	snop  }
0x75: {  	s0 =	sadd.s32 $0x80, s0;
	s2 =	sadd.s32 $0x1000, s2  }
0x76: {  	s9 =	sadd.s32 $0xFFFFFFFF, s9  }
0x77: {  	[tilespmem:s2], [sflag:$0x1] =	stream.indirect.gather [hbm4b:s5+s25], $0x20, s0, s25, $0xb8;
	[tilespmem:$0x1B6A0] =	vst v63  }
.LBB2_11:
.Ltmp12:
0x78: {  	(pc) =	sbr.rel .LBB2_12-.Ltmp12, $2  }
0x79: {  	_ =	sdelay $0x2  }
0x7a: {  	s0 =	simm.s32 $0x1  }
.LBB2_70:
0x7b: {  	s10 =	sshll.u32 s12, $0x2;
	s9 =	simm.s32 $0x4;
	s7 =	smov.u32 s2  }
.LBB2_71:
0x7c: {  	s0 =	sadd.s32 $0x1, s0  }
0x7d: {  	p0 =	seq.s32 s0, $0x40  }
.Ltmp13:
0x7e: {  	s2 =	sadd.s32 s1, s10;
	(pc) =	sbr.rel @p0 .LBB2_72-.Ltmp13, $4  }
0x7f: {  	[hbm4b:s2+s3] =	stream.linear.scatter [tilespmem:s29], [sflag:s9], $0x100, $0x38;
	[tilespmem:$0x1B6A0] =	vst v63  }
0x80: {  	_ =	swait.ge [sflag:s9], $0x100  }
0x81: {  	[sflag:s9] =	ssyncset.done $0x0  }
0x82: {  	[sflag:s9] =	ssyncadd.s32 $0xFFFFFF00  }
.LBB2_12:
0x83: {  	s10 =	sshll.u32 s0, $0x3  }
0x84: {  	s2 =	sadd.s32 s6, s10  }
0x85: {  	s2 =	smul.u32 $0x19, s2;
	_ =	sdelay $0x1  }
0x86: {  	s2 =	sadd.s32 s4, s2  }
0x87: {  	[tilespmem:s3], [sflag:$0x5] =	stream.linear.gather [hbm4b:s2+s3], $0xC8, $0x38;
	[tilespmem:$0x1B6A0] =	vst v63  }
0x88: {  	s9 =	sadd.s32 $0x19, s2  }
0x89: {  	[tilespmem:s16], [sflag:$0x5] =	stream.linear.gather [hbm4b:s9+s3], $0xC8, $0x38;
	[tilespmem:$0x1B6A0] =	vst v63  }
0x8a: {  	s12 =	sadd.s32 $0x32, s2  }
0x8b: {  	[tilespmem:s18], [sflag:$0x5] =	stream.linear.gather [hbm4b:s12+s3], $0xC8, $0x38;
	[tilespmem:$0x1B6A0] =	vst v63  }
0x8c: {  	s13 =	sadd.s32 $0x4B, s2  }
0x8d: {  	[tilespmem:s20], [sflag:$0x5] =	stream.linear.gather [hbm4b:s13+s3], $0xC8, $0x38;
	[tilespmem:$0x1B6A0] =	vst v63  }
0x8e: {  	s14 =	sadd.s32 $0x64, s2  }
0x8f: {  	[tilespmem:s21], [sflag:$0x5] =	stream.linear.gather [hbm4b:s14+s3], $0xC8, $0x38;
	[tilespmem:$0x1B6A0] =	vst v63  }
0x90: {  	s19 =	sand.u32 $0x1, s0;
	s15 =	sadd.s32 $0x7D, s2  }
0x91: {  	[tilespmem:s22], [sflag:$0x5] =	stream.linear.gather [hbm4b:s15+s3], $0xC8, $0x38;
	[tilespmem:$0x1B6A0] =	vst v63  }
0x92: {  	p0 =	seq.s32 s19, $0x0;
	s17 =	sadd.s32 $0x96, s2  }
0x93: {  	[tilespmem:s23], [sflag:$0x5] =	stream.linear.gather [hbm4b:s17+s3], $0xC8, $0x38;
	[tilespmem:$0x1B6A0] =	vst v63  }
.Ltmp14:
0x94: {  	s2 =	sadd.s32 $0xAF, s2;
	(pc) =	sbr.rel @!p0 .LBB2_13-.Ltmp14, $4  }
0x95: {  	[tilespmem:s24], [sflag:$0x5] =	stream.linear.gather [hbm4b:s2+s3], $0xC8, $0x38;
	[tilespmem:$0x1B6A0] =	vst v63  }
0x96: {  	_ =	swait.ge [sflag:s26], $0x640  }
0x97: {  	[sflag:s26] =	ssyncset.done $0x0  }
0x98: {  	[sflag:s26] =	ssyncadd.s32 $0xFFFFF9C0  }
.Ltmp15:
0x99: {  	(pc) =	sbr.rel .LBB2_43-.Ltmp15, $2  }
0x9a: {  	_ =	sdelay $0x2  }
0x9b: {  	s11 =	simm.s32 $0x0;
	s2 =	simm.s32 $0x0;
	s12 =	simm.s32 $0x0  }
.LBB2_46:
0x9c: {  	s12 =	sadd.s32 $0x1, s12  }
0x9d: {  	p0 =	sne.s32 s12, $0x8  }
.Ltmp16:
0x9e: {  	_ = 	snop;
	(pc) =	sbr.rel @!p0 .LBB2_47-.Ltmp16, $3  }
0x9f: {  	_ =	sdelay $0x1  }
0xa0: {  	s9 =	sand.u32 $0xFFFFFFF0, s14  }
0xa1: {  	s11 =	sadd.s32 $0xD0, s11;
	s2 =	sadd.s32 s2, s9  }
.LBB2_43:
0xa2: {  	v12 =	vld [tilespmem:s10+$0x1B380];
	_ =	sdelay $0x2  }
0xa3: {  	v13 =	vmov s12  }
0xa4: {  	vm0 =	veq.s32 v13, v0  }
0xa5: {  	v12 =	vnsel vm0, $0x0, v12  }
0xa6: {  	(xrf0) =	vadd.scan.msk.s32 $0xffff, v12;
	_ =	sdelay $0x5  }
0xa7: {  	v12, _, _ =	vpop (xrf0)  }
0xa8: {  	(v2sf) =	vpush v12, $0xF;
	_ =	sdelay $0xe  }
0xa9: {  	s9 =	spop (v2sf)  }
0xaa: {  	s14 =	sadd.s32 $0xF, s9  }
0xab: {  	s13 =	sshra.s32 s14, $0x4  }
0xac: {  	p0 =	slt.s32 s13, $0x1  }
.Ltmp17:
0xad: {  	_ = 	snop;
	(pc) =	sbr.rel @p0 .LBB2_46-.Ltmp17, $1  }
0xae: {  	_ =	sdelay $0x3  }
0xaf: {  	v12 =	vld [tilespmem:s11+$0x0];
	p0 =	sne.s32 s13, $0x1  }
.Ltmp18:
0xb0: {  	_ = 	snop;
	(pc) =	sbr.rel @!p0 .LBB2_46-.Ltmp18, $3  }
0xb1: {  	_ =	sdelay $0x1  }
0xb2: {  	s9 =	sadd.s32 $0x680, s2  }
0xb3: {  	s15 =	sadd.s32 $0xFFFFFFFF, s13;
	s17 =	sadd.s32 $0x10, s11;
	[tilespmem:s9+$0x0] =	vst v12  }
.LBB2_45:
0xb4: {  	v12 =	vld [tilespmem:s17+$0x0];
	p0 =	sne.s32 s15, $0x1;
	s15 =	sadd.s32 $0xFFFFFFFF, s15  }
.Ltmp19:
0xb5: {  	(pc) =	sbr.rel @p0 .LBB2_45-.Ltmp19, $3  }
0xb6: {  	_ =	sdelay $0x1  }
0xb7: {  	s9 =	sadd.s32 $0x10, s9  }
0xb8: {  	s17 =	sadd.s32 $0x10, s17;
	[tilespmem:s9+$0x0] =	vst v12  }
.Ltmp20:
0xb9: {  	_ = 	snop;
	(pc) =	sbr.rel .LBB2_46-.Ltmp20, $1  }
0xba: {  	_ =	sdelay $0x3  }
.LBB2_13:
.Ltmp21:
0xbb: {  	(pc) =	sbr.rel .LBB2_14-.Ltmp21, $3  }
0xbc: {  	_ =	sdelay $0x1  }
0xbd: {  	s2 =	sand.u32 $0x1F0, s10  }
0xbe: {  	s12 =	simm.s32 $0x0;
	s11 =	simm.s32 $0x0;
	s14 =	simm.s32 $0x0  }
.LBB2_17:
0xbf: {  	s14 =	sadd.s32 $0x1, s14  }
0xc0: {  	p0 =	sne.s32 s14, $0x8  }
.Ltmp22:
0xc1: {  	_ = 	snop;
	(pc) =	sbr.rel @!p0 .LBB2_18-.Ltmp22, $3  }
0xc2: {  	_ =	sdelay $0x1  }
0xc3: {  	s9 =	sand.u32 $0xFFFFFFF0, s15  }
0xc4: {  	s12 =	sadd.s32 $0xD0, s12;
	s11 =	sadd.s32 s11, s9  }
.LBB2_14:
0xc5: {  	v12 =	vld [tilespmem:s2+$0x1B380];
	_ =	sdelay $0x1  }
0xc6: {  	s9 =	sor.u32 $0x8, s14  }
0xc7: {  	v13 =	vmov s9  }
0xc8: {  	vm0 =	veq.s32 v13, v0  }
0xc9: {  	v12 =	vnsel vm0, $0x0, v12  }
0xca: {  	(xrf0) =	vadd.scan.msk.s32 $0xffff, v12;
	_ =	sdelay $0x5  }
0xcb: {  	v12, _, _ =	vpop (xrf0)  }
0xcc: {  	(v2sf) =	vpush v12, $0xF;
	_ =	sdelay $0xe  }
0xcd: {  	s19 =	spop (v2sf)  }
0xce: {  	s15 =	sadd.s32 $0xF, s19  }
0xcf: {  	s13 =	sshra.s32 s15, $0x4  }
0xd0: {  	p0 =	slt.s32 s13, $0x1  }
.Ltmp23:
0xd1: {  	_ = 	snop;
	(pc) =	sbr.rel @p0 .LBB2_17-.Ltmp23, $1  }
0xd2: {  	_ =	sdelay $0x3  }
0xd3: {  	v12 =	vld [tilespmem:s12+$0x0];
	p0 =	sne.s32 s13, $0x1  }
.Ltmp24:
0xd4: {  	_ = 	snop;
	(pc) =	sbr.rel @!p0 .LBB2_17-.Ltmp24, $3  }
0xd5: {  	_ =	sdelay $0x1  }
0xd6: {  	s9 =	sadd.s32 $0xD00, s11  }
0xd7: {  	s17 =	sadd.s32 $0xFFFFFFFF, s13;
	s19 =	sadd.s32 $0x10, s12;
	[tilespmem:s9+$0x0] =	vst v12  }
.LBB2_16:
0xd8: {  	v12 =	vld [tilespmem:s19+$0x0];
	p0 =	sne.s32 s17, $0x1;
	s17 =	sadd.s32 $0xFFFFFFFF, s17  }
.Ltmp25:
0xd9: {  	(pc) =	sbr.rel @p0 .LBB2_16-.Ltmp25, $3  }
0xda: {  	_ =	sdelay $0x1  }
0xdb: {  	s9 =	sadd.s32 $0x10, s9  }
0xdc: {  	s19 =	sadd.s32 $0x10, s19;
	[tilespmem:s9+$0x0] =	vst v12  }
.Ltmp26:
0xdd: {  	_ = 	snop;
	(pc) =	sbr.rel .LBB2_17-.Ltmp26, $1  }
0xde: {  	_ =	sdelay $0x3  }
.LBB2_47:
0xdf: {  	s2 =	sadd.s32 $0x70, s2  }
0xe0: {  	s2 =	sshra.s32 s2, $0x7  }
0xe1: {  	p0 =	slt.s32 s2, $0x1  }
.Ltmp27:
0xe2: {  	_ = 	snop;
	(pc) =	sbr.rel @p0 .LBB2_50-.Ltmp27, $1  }
0xe3: {  	_ =	sdelay $0x3  }
0xe4: {  	p0 =	sne.s32 s2, $0x1  }
.Ltmp28:
0xe5: {  	_ = 	snop;
	(pc) =	sbr.rel @!p0 .LBB2_50-.Ltmp28, $3  }
0xe6: {  	_ =	sdelay $0x1  }
0xe7: {  	s9 =	simm.s32 $0x680;
	s11 =	simm.s32 $0x1380;
	s12 =	sadd.s32 $0xFFFFFFFF, s2  }
0xe8: {  	[tilespmem:s11], [sflag:$0x1] =	stream.indirect.gather [hbm4b:s5+s25], $0x20, s9, s25, $0xb8;
	[tilespmem:$0x1B6A0] =	vst v63  }
.LBB2_49:
0xe9: {  	p0 =	sne.s32 s12, $0x1  }
.Ltmp29:
0xea: {  	_ = 	snop;
	(pc) =	sbr.rel @p0 .LBB2_49-.Ltmp29, $4  }
0xeb: {  	_ = 	snop  }
0xec: {  	s9 =	sadd.s32 $0x80, s9;
	s11 =	sadd.s32 $0x1000, s11  }
0xed: {  	s12 =	sadd.s32 $0xFFFFFFFF, s12  }
0xee: {  	[tilespmem:s11], [sflag:$0x1] =	stream.indirect.gather [hbm4b:s5+s25], $0x20, s9, s25, $0xb8;
	[tilespmem:$0x1B6A0] =	vst v63  }
.LBB2_50:
0xef: {  	p0 =	sgt.s32 s7, $0x0  }
.Ltmp30:
0xf0: {  	_ = 	snop;
	(pc) =	sbr.rel @!p0 .LBB2_51-.Ltmp30, $1  }
0xf1: {  	_ =	sdelay $0x3  }
0xf2: {  	p0 =	seq.s32 s7, $0x1  }
.Ltmp31:
0xf3: {  	_ = 	snop;
	(pc) =	sbr.rel @p0 .LBB2_56-.Ltmp31, $3  }
0xf4: {  	_ =	sdelay $0x1  }
0xf5: {  	_ =	swait.ge [sflag:s28], $0x1000  }
0xf6: {  	s7 =	sadd.s32 $0xFFFFFFFF, s7;
	[sflag:s28] =	ssyncset.done $0x0  }
.LBB2_55:
0xf7: {  	p0 =	seq.s32 s7, $0x1;
	s7 =	sadd.s32 $0xFFFFFFFF, s7;
	[sflag:s28] =	ssyncadd.s32 $0xFFFFF000  }
.Ltmp32:
0xf8: {  	(pc) =	sbr.rel @!p0 .LBB2_55-.Ltmp32, $3  }
0xf9: {  	_ =	sdelay $0x1  }
0xfa: {  	_ =	swait.ge [sflag:s28], $0x1000  }
0xfb: {  	[sflag:s28] =	ssyncset.done $0x0  }
.LBB2_56:
0xfc: {  	[sflag:s28] =	ssyncadd.s32 $0xFFFFF000  }
.LBB2_51:
.Ltmp33:
0xfd: {  	(pc) =	sbr.rel .LBB2_52-.Ltmp33, $3  }
0xfe: {  	_ =	sdelay $0x1  }
0xff: {  	s7 =	sadd.s32 $0xFFFFFFF8, s10;
	s10 =	simm.s32 $0x0  }
0x100: {  	s12 =	sadd.s32 s6, s7;
	s14 =	sand.u32 $0xFFFFFFF0, s7;
	s7 =	simm.s32 $0x0  }
.LBB2_65:
0x101: {  	v12 =	vimm.s32 $0x0  }
.LBB2_69:
0x102: {  	p0 =	sgt.s32 s11, $0x1  }
0x103: {  	s11 =	simm.s32 @!p0 $0x1  }
0x104: {  	(xrf0) =	vadd.scan.msk.s32 $0xffff, v12;
	v61 =	vmov s11  }
0x105: {  	v12 =	vcvt.s32.f32 v61;
	_ =	sdelay $0x1  }
0x106: {  	v12 =	vbroadcast v12, $0x0;
	_ =	sdelay $0x1  }
0x107: {  	(erf) = vrcp.f32 v12  }
0x108: {  	v62, _, _ =	vpop (xrf0)  }
0x109: {  	v12 =	vcvt.s32.f32 v62;
	_ =	sdelay $0x1  }
0x10a: {  	v12 =	vbroadcast v12, $0xF;
	_ =	sdelay $0x1  }
0x10b: {  	v15 =	vmul.f32 v12, v10  }
0x10c: {  	s9 =	sshll.u32 s10, $0x5;
	s10 =	sadd.s32 $0x1, s10;
	v12 =	vmul.f32 v12, v11  }
0x10d: {  	p0 =	sne.s32 s10, $0x8;
	v13 =	vsub.f32 v13, v15  }
.Ltmp34:
0x10e: {  	v12 =	vsub.f32 v14, v12;
	v63 =	vpop (erf);
	(pc) =	sbr.rel @!p0 .LBB2_70-.Ltmp34, $4  }
0x10f: {  	v13 =	vmul.f32 v13, v63  }
0x110: {  	s9 =	sand.u32 $0x3FFFFFE0, s9;
	v12 =	vmul.f32 v12, v63  }
0x111: {  	s19 =	sand.u32 $0xFFFFFFF0, s15;
	[tilespmem:s9+$0x1B580] =	vst v13  }
0x112: {  	s7 =	sadd.s32 s7, s19;
	[tilespmem:s9+$0x1B590] =	vst v12  }
.LBB2_52:
0x113: {  	v12 =	vld [tilespmem:s14+$0x1B380];
	_ =	sdelay $0x1  }
0x114: {  	s9 =	sor.u32 $0x8, s10  }
0x115: {  	v13 =	vmov s9  }
0x116: {  	vm0 =	veq.s32 v13, v0  }
0x117: {  	v12 =	vnsel vm0, $0x0, v12  }
0x118: {  	(xrf0) =	vadd.scan.msk.s32 $0xffff, v12;
	_ =	sdelay $0x5  }
0x119: {  	v12, _, _ =	vpop (xrf0)  }
0x11a: {  	(v2sf) =	vpush v12, $0xF;
	_ =	sdelay $0xe  }
0x11b: {  	s11 =	spop (v2sf)  }
0x11c: {  	s19 =	sshra.s32 s11, $0x4  }
0x11d: {  	p0 =	slt.s32 s19, $0x1  }
.Ltmp35:
0x11e: {  	_ = 	snop;
	(pc) =	sbr.rel @p0 .LBB2_53-.Ltmp35, $2  }
0x11f: {  	_ =	sdelay $0x2  }
0x120: {  	s15 =	sshll.u32 s7, $0x7  }
0x121: {  	s9 =	sshra.s32 s15, $0x2  }
0x122: {  	s17 =	sadd.s32 $0xE480, s9  }
0x123: {  	v13 =	vld [tilespmem:s17+$0xC0]  }
0x124: {  	v15 =	vld [tilespmem:s17+$0xD0]  }
0x125: {  	v14 =	vld [tilespmem:s17+$0x80]  }
0x126: {  	v16 =	vld [tilespmem:s17+$0x90]  }
0x127: {  	v17 =	vld [tilespmem:s17+$0x40]  }
0x128: {  	v18 =	vld [tilespmem:s17+$0x50]  }
0x129: {  	v19 =	vld [tilespmem:s17+$0x0]  }
0x12a: {  	v20 =	vld [tilespmem:s17+$0x10]  }
0x12b: {  	v21 =	vld [tilespmem:s17+$0xFFFFFFC0]  }
0x12c: {  	v22 =	vld [tilespmem:s17+$0xFFFFFFD0]  }
0x12d: {  	v23 =	vld [tilespmem:s17+$0xFFFFFF80]  }
0x12e: {  	v24 =	vld [tilespmem:s17+$0xFFFFFF90]  }
0x12f: {  	p0 =	sne.s32 s19, $0x1;
	v29 =	vld [tilespmem:s17+$0xFFFFFF40]  }
.Ltmp36:
0x130: {  	v30 =	vld [tilespmem:s17+$0xFFFFFF50];
	(pc) =	sbr.rel @!p0 .LBB2_59-.Ltmp36, $4  }
0x131: {  	v31 =	vld [tilespmem:s17+$0xFFFFFF00]  }
0x132: {  	v32 =	vld [tilespmem:s17+$0xFFFFFF10]  }
0x133: {  	v25 =	vimm.f32 $0.0e+00;
	v33 =	vld [tilespmem:s17+$0xFFFFFF20]  }
0x134: {  	s19 =	sadd.s32 $0xFFFFFFFF, s19;
	v28 =	vimm.f32 $0.0e+00;
	v26 =	vimm.f32 $0.0e+00;
	v27 =	vimm.f32 $0.0e+00;
	v34 =	vld [tilespmem:s17+$0xFFFFFF30]  }
.LBB2_58:
0x135: {  	p0 =	sne.s32 s19, $0x1;
	v35 =	vld [tilespmem:s17+$0xFFFFFF60]  }
0x136: {  	v36 =	vld [tilespmem:s17+$0xFFFFFF70]  }
0x137: {  	v37 =	vld [tilespmem:s17+$0xFFFFFFA0]  }
0x138: {  	v25 =	vadd.f32 v31, v25;
	v28 =	vadd.f32 v32, v28;
	v31 =	vld [tilespmem:s17+$0xFFFFFFB0]  }
0x139: {  	v26 =	vadd.f32 v33, v26;
	v27 =	vadd.f32 v34, v27;
	v32 =	vld [tilespmem:s17+$0xFFFFFFE0]  }
0x13a: {  	v25 =	vadd.f32 v29, v25;
	v28 =	vadd.f32 v30, v28;
	v29 =	vld [tilespmem:s17+$0xFFFFFFF0]  }
0x13b: {  	v26 =	vadd.f32 v35, v26;
	v27 =	vadd.f32 v36, v27;
	v30 =	vld [tilespmem:s17+$0x20]  }
0x13c: {  	v23 =	vadd.f32 v23, v25;
	v24 =	vadd.f32 v24, v28;
	v25 =	vld [tilespmem:s17+$0x30]  }
0x13d: {  	v26 =	vadd.f32 v37, v26;
	v27 =	vadd.f32 v31, v27;
	v28 =	vld [tilespmem:s17+$0x60]  }
0x13e: {  	v21 =	vadd.f32 v21, v23;
	v22 =	vadd.f32 v22, v24;
	v23 =	vld [tilespmem:s17+$0x70]  }
0x13f: {  	v24 =	vadd.f32 v32, v26;
	v26 =	vadd.f32 v29, v27;
	v27 =	vld [tilespmem:s17+$0xA0]  }
0x140: {  	v19 =	vadd.f32 v19, v21;
	v20 =	vadd.f32 v20, v22;
	v21 =	vld [tilespmem:s17+$0xB0]  }
0x141: {  	v22 =	vadd.f32 v30, v24;
	v24 =	vadd.f32 v25, v26;
	v26 =	vld [tilespmem:s17+$0xE0]  }
0x142: {  	v17 =	vadd.f32 v17, v19;
	v18 =	vadd.f32 v18, v20;
	v19 =	vld [tilespmem:s17+$0xF0];
	s17 =	sadd.s32 $0x200, s17  }
0x143: {  	v22 =	vadd.f32 v28, v22;
	v20 =	vld [tilespmem:s17+$0xC0];
	v23 =	vadd.f32 v23, v24  }
0x144: {  	v17 =	vadd.f32 v14, v17;
	v18 =	vadd.f32 v16, v18;
	v24 =	vld [tilespmem:s17+$0xD0]  }
0x145: {  	v22 =	vadd.f32 v27, v22;
	v14 =	vld [tilespmem:s17+$0x80];
	v21 =	vadd.f32 v21, v23  }
0x146: {  	v25 =	vadd.f32 v13, v17;
	v28 =	vadd.f32 v15, v18;
	v16 =	vld [tilespmem:s17+$0x90]  }
0x147: {  	v26 =	vadd.f32 v26, v22;
	v17 =	vld [tilespmem:s17+$0x40];
	v27 =	vadd.f32 v19, v21  }
0x148: {  	v18 =	vld [tilespmem:s17+$0x50];
	v13 =	vmov v20  }
0x149: {  	v19 =	vld [tilespmem:s17+$0x0];
	v15 =	vmov v24  }
0x14a: {  	v20 =	vld [tilespmem:s17+$0x10]  }
0x14b: {  	v21 =	vld [tilespmem:s17+$0xFFFFFFC0]  }
0x14c: {  	v22 =	vld [tilespmem:s17+$0xFFFFFFD0]  }
0x14d: {  	v23 =	vld [tilespmem:s17+$0xFFFFFF80]  }
0x14e: {  	v24 =	vld [tilespmem:s17+$0xFFFFFF90]  }
0x14f: {  	v29 =	vld [tilespmem:s17+$0xFFFFFF40]  }
.Ltmp37:
0x150: {  	v30 =	vld [tilespmem:s17+$0xFFFFFF50];
	(pc) =	sbr.rel @p0 .LBB2_58-.Ltmp37, $4  }
0x151: {  	v31 =	vld [tilespmem:s17+$0xFFFFFF00]  }
0x152: {  	v32 =	vld [tilespmem:s17+$0xFFFFFF10]  }
0x153: {  	v33 =	vld [tilespmem:s17+$0xFFFFFF20]  }
0x154: {  	s19 =	sadd.s32 $0xFFFFFFFF, s19;
	v34 =	vld [tilespmem:s17+$0xFFFFFF30]  }
.LBB2_59:
0x155: {  	v35 =	vld [tilespmem:s17+$0xFFFFFF60]  }
0x156: {  	v36 =	vld [tilespmem:s17+$0xFFFFFF70]  }
0x157: {  	v37 =	vld [tilespmem:s17+$0xFFFFFFA0]  }
0x158: {  	v44 =	vld [tilespmem:s17+$0xFFFFFFB0];
	v25 =	vadd.f32 v31, v25;
	v28 =	vadd.f32 v32, v28  }
0x159: {  	v45 =	vld [tilespmem:s17+$0xFFFFFFE0];
	v26 =	vadd.f32 v33, v26;
	v27 =	vadd.f32 v34, v27  }
0x15a: {  	v46 =	vld [tilespmem:s17+$0xFFFFFFF0];
	v25 =	vadd.f32 v29, v25;
	v28 =	vadd.f32 v30, v28  }
0x15b: {  	v47 =	vld [tilespmem:s17+$0x20];
	v26 =	vadd.f32 v35, v26;
	v27 =	vadd.f32 v36, v27  }
0x15c: {  	v48 =	vld [tilespmem:s17+$0x30];
	v23 =	vadd.f32 v23, v25;
	v24 =	vadd.f32 v24, v28  }
0x15d: {  	v49 =	vld [tilespmem:s17+$0x60];
	v26 =	vadd.f32 v37, v26;
	v27 =	vadd.f32 v44, v27  }
0x15e: {  	v50 =	vld [tilespmem:s17+$0x70];
	v21 =	vadd.f32 v21, v23;
	v22 =	vadd.f32 v22, v24  }
0x15f: {  	v53 =	vld [tilespmem:s17+$0xA0];
	v51 =	vadd.f32 v45, v26;
	v52 =	vadd.f32 v46, v27  }
0x160: {  	v54 =	vld [tilespmem:s17+$0xB0];
	v19 =	vadd.f32 v19, v21;
	v20 =	vadd.f32 v20, v22  }
0x161: {  	v57 =	vld [tilespmem:s17+$0xE0];
	v55 =	vadd.f32 v47, v51;
	v56 =	vadd.f32 v48, v52  }
0x162: {  	v58 =	vld [tilespmem:s17+$0xF0];
	v17 =	vadd.f32 v17, v19;
	v18 =	vadd.f32 v18, v20  }
0x163: {  	v59 =	vadd.f32 v49, v55;
	v60 =	vadd.f32 v50, v56  }
0x164: {  	v14 =	vadd.f32 v14, v17;
	v16 =	vadd.f32 v16, v18  }
.Ltmp38:
0x165: {  	v61 =	vadd.f32 v53, v59;
	v62 =	vadd.f32 v54, v60;
	(pc) =	sbr.rel .LBB2_60-.Ltmp38, $3  }
0x166: {  	v13 =	vadd.f32 v13, v14;
	v14 =	vadd.f32 v15, v16  }
0x167: {  	v15 =	vadd.f32 v57, v61;
	v63 =	vadd.f32 v58, v62;
	_ =	sdelay $0x1  }
0x168: {  	v13 =	vadd.f32 v15, v13;
	v14 =	vadd.f32 v63, v14  }
.LBB2_53:
0x169: {  	v13 =	vimm.f32 $0.0e+00;
	v14 =	vimm.f32 $0.0e+00  }
.LBB2_60:
0x16a: {  	s9 =	sand.u32 $0xFFFFFFF0, s11  }
0x16b: {  	p0 =	seq.s32 s9, s11  }
.Ltmp39:
0x16c: {  	_ = 	snop;
	(pc) =	sbr.rel @p0 .LBB2_64-.Ltmp39, $1  }
0x16d: {  	_ =	sdelay $0x3  }
0x16e: {  	s13 =	sshll.u32 s11, $0x7  }
0x16f: {  	s13 =	sand.u32 $0xFFFFF800, s13  }
0x170: {  	s13 =	sadd.s32 s15, s13  }
0x171: {  	s13 =	sshra.s32 s13, $0x2  }
0x172: {  	s9 =	sadd.s32 $0x1, s9;
	s13 =	sadd.s32 $0xE390, s13  }
0x173: {  	p0 =	slt.s32 s9, s11;
	v16 =	vld [tilespmem:s13+$0xFFFFFFF0]  }
.Ltmp40:
0x174: {  	_ = 	snop;
	(pc) =	sbr.rel @!p0 .LBB2_63-.Ltmp40, $2  }
0x175: {  	v15 =	vld [tilespmem:s13+$0x0];
	_ =	sdelay $0x2  }
0x176: {  	s15 =	sadd.s32 $0x20, s13;
	v13 =	vadd.f32 v16, v13  }
.LBB2_62:
0x177: {  	s9 =	sadd.s32 $0x1, s9  }
0x178: {  	v16 =	vld [tilespmem:s15+$0xFFFFFFF0];
	v14 =	vadd.f32 v15, v14;
	p0 =	slt.s32 s9, s11  }
.Ltmp41:
0x179: {  	v15 =	vld [tilespmem:s15+$0x0];
	(pc) =	sbr.rel @p0 .LBB2_62-.Ltmp41, $2  }
0x17a: {  	_ =	sdelay $0x2  }
0x17b: {  	s15 =	sadd.s32 $0x20, s15;
	v13 =	vadd.f32 v16, v13  }
.LBB2_63:
0x17c: {  	_ = 	snop  }
0x17d: {  	v14 =	vadd.f32 v15, v14  }
.LBB2_64:
0x17e: {  	s15 =	sadd.s32 $0xF, s11  }
0x17f: {  	s9 =	sshra.s32 s15, $0x4  }
0x180: {  	p0 =	slt.s32 s9, $0x1  }
.Ltmp42:
0x181: {  	_ = 	snop;
	(pc) =	sbr.rel @p0 .LBB2_65-.Ltmp42, $1  }
0x182: {  	_ =	sdelay $0x3  }
0x183: {  	s13 =	sadd.s32 $0xD00, s7  }
0x184: {  	p0 =	sne.s32 s9, $0x1;
	v16 =	vld [tilespmem:s13+$0x0]  }
.Ltmp43:
0x185: {  	_ = 	snop;
	(pc) =	sbr.rel @!p0 .LBB2_68-.Ltmp43, $4  }
0x186: {  	_ = 	snop  }
0x187: {  	v15 =	vbroadcast v12, $0xF;
	s17 =	simm.s32 $0x0  }
0x188: {  	v17 =	vor.u32 s17, v0  }
0x189: {  	v12 =	vimm.s32 $0x0;
	s19 =	sadd.s32 $0xFFFFFFFF, s9;
	s9 =	sadd.s32 $0x10, s13;
	vm0 =	vlt.s32 v17, v15;
	vm1 =	veq.s32 v16, $0x0  }
.LBB2_67:
0x18a: {  	v16 =	vld [tilespmem:s9+$0x0];
	p0 =	sne.s32 s19, $0x1;
	s19 =	sadd.s32 $0xFFFFFFFF, s19;
	vm0 =	vmand vm0, vm1  }
.Ltmp44:
0x18b: {  	v17 =	vsel vm0, $0x1, v9;
	(pc) =	sbr.rel @p0 .LBB2_67-.Ltmp44, $4  }
0x18c: {  	v12 =	vadd.s32 v17, v12  }
0x18d: {  	s17 =	sadd.s32 $0x10, s17  }
0x18e: {  	v17 =	vor.u32 s17, v0  }
0x18f: {  	s9 =	sadd.s32 $0x10, s9;
	vm0 =	vlt.s32 v17, v15;
	vm1 =	veq.s32 v16, $0x0  }
.LBB2_68:
.Ltmp45:
0x190: {  	(pc) =	sbr.rel .LBB2_69-.Ltmp45, $4  }
0x191: {  	_ = 	snop  }
0x192: {  	vm0 =	vmand vm0, vm1  }
0x193: {  	v15 =	vsel vm0, $0x1, v9  }
0x194: {  	v12 =	vadd.s32 v15, v12  }
.LBB2_18:
0x195: {  	s2 =	sadd.s32 $0x70, s11  }
0x196: {  	s2 =	sshra.s32 s2, $0x7  }
0x197: {  	p0 =	slt.s32 s2, $0x1  }
.Ltmp46:
0x198: {  	_ = 	snop;
	(pc) =	sbr.rel @p0 .LBB2_21-.Ltmp46, $1  }
0x199: {  	_ =	sdelay $0x3  }
0x19a: {  	p0 =	sne.s32 s2, $0x1  }
.Ltmp47:
0x19b: {  	_ = 	snop;
	(pc) =	sbr.rel @!p0 .LBB2_21-.Ltmp47, $3  }
0x19c: {  	_ =	sdelay $0x1  }
0x19d: {  	s9 =	simm.s32 $0xD00;
	s11 =	simm.s32 $0xE380;
	s12 =	sadd.s32 $0xFFFFFFFF, s2  }
0x19e: {  	[tilespmem:s11], [sflag:$0x2] =	stream.indirect.gather [hbm4b:s5+s25], $0x20, s9, s25, $0xb8;
	[tilespmem:$0x1B6A0] =	vst v63  }
.LBB2_20:
0x19f: {  	p0 =	sne.s32 s12, $0x1  }
.Ltmp48:
0x1a0: {  	_ = 	snop;
	(pc) =	sbr.rel @p0 .LBB2_20-.Ltmp48, $4  }
0x1a1: {  	_ = 	snop  }
0x1a2: {  	s9 =	sadd.s32 $0x80, s9;
	s11 =	sadd.s32 $0x1000, s11  }
0x1a3: {  	s12 =	sadd.s32 $0xFFFFFFFF, s12  }
0x1a4: {  	[tilespmem:s11], [sflag:$0x2] =	stream.indirect.gather [hbm4b:s5+s25], $0x20, s9, s25, $0xb8;
	[tilespmem:$0x1B6A0] =	vst v63  }
.LBB2_21:
0x1a5: {  	p0 =	sgt.s32 s7, $0x0  }
.Ltmp49:
0x1a6: {  	_ = 	snop;
	(pc) =	sbr.rel @!p0 .LBB2_22-.Ltmp49, $1  }
0x1a7: {  	_ =	sdelay $0x3  }
0x1a8: {  	p0 =	seq.s32 s7, $0x1  }
.Ltmp50:
0x1a9: {  	_ = 	snop;
	(pc) =	sbr.rel @p0 .LBB2_27-.Ltmp50, $3  }
0x1aa: {  	_ =	sdelay $0x1  }
0x1ab: {  	_ =	swait.ge [sflag:s30], $0x1000  }
0x1ac: {  	s7 =	sadd.s32 $0xFFFFFFFF, s7;
	[sflag:s30] =	ssyncset.done $0x0  }
.LBB2_26:
0x1ad: {  	p0 =	seq.s32 s7, $0x1;
	s7 =	sadd.s32 $0xFFFFFFFF, s7;
	[sflag:s30] =	ssyncadd.s32 $0xFFFFF000  }
.Ltmp51:
0x1ae: {  	(pc) =	sbr.rel @!p0 .LBB2_26-.Ltmp51, $3  }
0x1af: {  	_ =	sdelay $0x1  }
0x1b0: {  	_ =	swait.ge [sflag:s30], $0x1000  }
0x1b1: {  	[sflag:s30] =	ssyncset.done $0x0  }
.LBB2_27:
0x1b2: {  	[sflag:s30] =	ssyncadd.s32 $0xFFFFF000  }
.LBB2_22:
.Ltmp52:
0x1b3: {  	(pc) =	sbr.rel .LBB2_23-.Ltmp52, $3  }
0x1b4: {  	_ =	sdelay $0x1  }
0x1b5: {  	s14 =	sadd.s32 $0xFFFFFFF8, s10  }
0x1b6: {  	s7 =	simm.s32 $0x0;
	s10 =	simm.s32 $0x0;
	s12 =	sadd.s32 s6, s14  }
.LBB2_36:
0x1b7: {  	v12 =	vimm.s32 $0x0  }
.LBB2_40:
0x1b8: {  	p0 =	sgt.s32 s11, $0x1  }
0x1b9: {  	s11 =	simm.s32 @!p0 $0x1  }
0x1ba: {  	(xrf0) =	vadd.scan.msk.s32 $0xffff, v12;
	v61 =	vmov s11  }
0x1bb: {  	v12 =	vcvt.s32.f32 v61;
	_ =	sdelay $0x1  }
0x1bc: {  	v12 =	vbroadcast v12, $0x0;
	_ =	sdelay $0x1  }
0x1bd: {  	(erf) = vrcp.f32 v12  }
0x1be: {  	v62, _, _ =	vpop (xrf0)  }
0x1bf: {  	v12 =	vcvt.s32.f32 v62;
	_ =	sdelay $0x1  }
0x1c0: {  	v12 =	vbroadcast v12, $0xF;
	_ =	sdelay $0x1  }
0x1c1: {  	v15 =	vmul.f32 v12, v10  }
0x1c2: {  	s9 =	sshll.u32 s10, $0x5;
	s10 =	sadd.s32 $0x1, s10;
	v12 =	vmul.f32 v12, v11  }
0x1c3: {  	p0 =	sne.s32 s10, $0x8;
	v13 =	vsub.f32 v13, v15  }
.Ltmp53:
0x1c4: {  	v12 =	vsub.f32 v14, v12;
	v63 =	vpop (erf);
	(pc) =	sbr.rel @!p0 .LBB2_41-.Ltmp53, $4  }
0x1c5: {  	v13 =	vmul.f32 v13, v63  }
0x1c6: {  	s9 =	sand.u32 $0x3FFFFFE0, s9;
	v12 =	vmul.f32 v12, v63  }
0x1c7: {  	s19 =	sand.u32 $0xFFFFFFF0, s15;
	[tilespmem:s9+$0x1B580] =	vst v13  }
0x1c8: {  	s7 =	sadd.s32 s7, s19;
	[tilespmem:s9+$0x1B590] =	vst v12  }
.LBB2_23:
0x1c9: {  	v12 =	vld [tilespmem:s14+$0x1B380];
	_ =	sdelay $0x2  }
0x1ca: {  	v13 =	vmov s10  }
0x1cb: {  	vm0 =	veq.s32 v13, v0  }
0x1cc: {  	v12 =	vnsel vm0, $0x0, v12  }
0x1cd: {  	(xrf0) =	vadd.scan.msk.s32 $0xffff, v12;
	_ =	sdelay $0x5  }
0x1ce: {  	v12, _, _ =	vpop (xrf0)  }
0x1cf: {  	(v2sf) =	vpush v12, $0xF;
	_ =	sdelay $0xe  }
0x1d0: {  	s11 =	spop (v2sf)  }
0x1d1: {  	s19 =	sshra.s32 s11, $0x4  }
0x1d2: {  	p0 =	slt.s32 s19, $0x1  }
.Ltmp54:
0x1d3: {  	_ = 	snop;
	(pc) =	sbr.rel @p0 .LBB2_24-.Ltmp54, $2  }
0x1d4: {  	_ =	sdelay $0x2  }
0x1d5: {  	s15 =	sshll.u32 s7, $0x7  }
0x1d6: {  	s9 =	sshra.s32 s15, $0x2  }
0x1d7: {  	s17 =	sadd.s32 $0x1480, s9  }
0x1d8: {  	v13 =	vld [tilespmem:s17+$0xC0]  }
0x1d9: {  	v15 =	vld [tilespmem:s17+$0xD0]  }
0x1da: {  	v14 =	vld [tilespmem:s17+$0x80]  }
0x1db: {  	v16 =	vld [tilespmem:s17+$0x90]  }
0x1dc: {  	v17 =	vld [tilespmem:s17+$0x40]  }
0x1dd: {  	v18 =	vld [tilespmem:s17+$0x50]  }
0x1de: {  	v19 =	vld [tilespmem:s17+$0x0]  }
0x1df: {  	v20 =	vld [tilespmem:s17+$0x10]  }
0x1e0: {  	v21 =	vld [tilespmem:s17+$0xFFFFFFC0]  }
0x1e1: {  	v22 =	vld [tilespmem:s17+$0xFFFFFFD0]  }
0x1e2: {  	v23 =	vld [tilespmem:s17+$0xFFFFFF80]  }
0x1e3: {  	v24 =	vld [tilespmem:s17+$0xFFFFFF90]  }
0x1e4: {  	p0 =	sne.s32 s19, $0x1;
	v29 =	vld [tilespmem:s17+$0xFFFFFF40]  }
.Ltmp55:
0x1e5: {  	v30 =	vld [tilespmem:s17+$0xFFFFFF50];
	(pc) =	sbr.rel @!p0 .LBB2_30-.Ltmp55, $4  }
0x1e6: {  	v31 =	vld [tilespmem:s17+$0xFFFFFF00]  }
0x1e7: {  	v32 =	vld [tilespmem:s17+$0xFFFFFF10]  }
0x1e8: {  	v25 =	vimm.f32 $0.0e+00;
	v33 =	vld [tilespmem:s17+$0xFFFFFF20]  }
0x1e9: {  	s19 =	sadd.s32 $0xFFFFFFFF, s19;
	v28 =	vimm.f32 $0.0e+00;
	v26 =	vimm.f32 $0.0e+00;
	v27 =	vimm.f32 $0.0e+00;
	v34 =	vld [tilespmem:s17+$0xFFFFFF30]  }
.LBB2_29:
0x1ea: {  	p0 =	sne.s32 s19, $0x1;
	v35 =	vld [tilespmem:s17+$0xFFFFFF60]  }
0x1eb: {  	v36 =	vld [tilespmem:s17+$0xFFFFFF70]  }
0x1ec: {  	v37 =	vld [tilespmem:s17+$0xFFFFFFA0]  }
0x1ed: {  	v25 =	vadd.f32 v31, v25;
	v28 =	vadd.f32 v32, v28;
	v31 =	vld [tilespmem:s17+$0xFFFFFFB0]  }
0x1ee: {  	v26 =	vadd.f32 v33, v26;
	v27 =	vadd.f32 v34, v27;
	v32 =	vld [tilespmem:s17+$0xFFFFFFE0]  }
0x1ef: {  	v25 =	vadd.f32 v29, v25;
	v28 =	vadd.f32 v30, v28;
	v29 =	vld [tilespmem:s17+$0xFFFFFFF0]  }
0x1f0: {  	v26 =	vadd.f32 v35, v26;
	v27 =	vadd.f32 v36, v27;
	v30 =	vld [tilespmem:s17+$0x20]  }
0x1f1: {  	v23 =	vadd.f32 v23, v25;
	v24 =	vadd.f32 v24, v28;
	v25 =	vld [tilespmem:s17+$0x30]  }
0x1f2: {  	v26 =	vadd.f32 v37, v26;
	v27 =	vadd.f32 v31, v27;
	v28 =	vld [tilespmem:s17+$0x60]  }
0x1f3: {  	v21 =	vadd.f32 v21, v23;
	v22 =	vadd.f32 v22, v24;
	v23 =	vld [tilespmem:s17+$0x70]  }
0x1f4: {  	v24 =	vadd.f32 v32, v26;
	v26 =	vadd.f32 v29, v27;
	v27 =	vld [tilespmem:s17+$0xA0]  }
0x1f5: {  	v19 =	vadd.f32 v19, v21;
	v20 =	vadd.f32 v20, v22;
	v21 =	vld [tilespmem:s17+$0xB0]  }
0x1f6: {  	v22 =	vadd.f32 v30, v24;
	v24 =	vadd.f32 v25, v26;
	v26 =	vld [tilespmem:s17+$0xE0]  }
0x1f7: {  	v17 =	vadd.f32 v17, v19;
	v18 =	vadd.f32 v18, v20;
	v19 =	vld [tilespmem:s17+$0xF0];
	s17 =	sadd.s32 $0x200, s17  }
0x1f8: {  	v22 =	vadd.f32 v28, v22;
	v20 =	vld [tilespmem:s17+$0xC0];
	v23 =	vadd.f32 v23, v24  }
0x1f9: {  	v17 =	vadd.f32 v14, v17;
	v18 =	vadd.f32 v16, v18;
	v24 =	vld [tilespmem:s17+$0xD0]  }
0x1fa: {  	v22 =	vadd.f32 v27, v22;
	v14 =	vld [tilespmem:s17+$0x80];
	v21 =	vadd.f32 v21, v23  }
0x1fb: {  	v25 =	vadd.f32 v13, v17;
	v28 =	vadd.f32 v15, v18;
	v16 =	vld [tilespmem:s17+$0x90]  }
0x1fc: {  	v26 =	vadd.f32 v26, v22;
	v17 =	vld [tilespmem:s17+$0x40];
	v27 =	vadd.f32 v19, v21  }
0x1fd: {  	v18 =	vld [tilespmem:s17+$0x50];
	v13 =	vmov v20  }
0x1fe: {  	v19 =	vld [tilespmem:s17+$0x0];
	v15 =	vmov v24  }
0x1ff: {  	v20 =	vld [tilespmem:s17+$0x10]  }
0x200: {  	v21 =	vld [tilespmem:s17+$0xFFFFFFC0]  }
0x201: {  	v22 =	vld [tilespmem:s17+$0xFFFFFFD0]  }
0x202: {  	v23 =	vld [tilespmem:s17+$0xFFFFFF80]  }
0x203: {  	v24 =	vld [tilespmem:s17+$0xFFFFFF90]  }
0x204: {  	v29 =	vld [tilespmem:s17+$0xFFFFFF40]  }
.Ltmp56:
0x205: {  	v30 =	vld [tilespmem:s17+$0xFFFFFF50];
	(pc) =	sbr.rel @p0 .LBB2_29-.Ltmp56, $4  }
0x206: {  	v31 =	vld [tilespmem:s17+$0xFFFFFF00]  }
0x207: {  	v32 =	vld [tilespmem:s17+$0xFFFFFF10]  }
0x208: {  	v33 =	vld [tilespmem:s17+$0xFFFFFF20]  }
0x209: {  	s19 =	sadd.s32 $0xFFFFFFFF, s19;
	v34 =	vld [tilespmem:s17+$0xFFFFFF30]  }
.LBB2_30:
0x20a: {  	v35 =	vld [tilespmem:s17+$0xFFFFFF60]  }
0x20b: {  	v36 =	vld [tilespmem:s17+$0xFFFFFF70]  }
0x20c: {  	v37 =	vld [tilespmem:s17+$0xFFFFFFA0]  }
0x20d: {  	v44 =	vld [tilespmem:s17+$0xFFFFFFB0];
	v25 =	vadd.f32 v31, v25;
	v28 =	vadd.f32 v32, v28  }
0x20e: {  	v45 =	vld [tilespmem:s17+$0xFFFFFFE0];
	v26 =	vadd.f32 v33, v26;
	v27 =	vadd.f32 v34, v27  }
0x20f: {  	v46 =	vld [tilespmem:s17+$0xFFFFFFF0];
	v25 =	vadd.f32 v29, v25;
	v28 =	vadd.f32 v30, v28  }
0x210: {  	v47 =	vld [tilespmem:s17+$0x20];
	v26 =	vadd.f32 v35, v26;
	v27 =	vadd.f32 v36, v27  }
0x211: {  	v48 =	vld [tilespmem:s17+$0x30];
	v23 =	vadd.f32 v23, v25;
	v24 =	vadd.f32 v24, v28  }
0x212: {  	v49 =	vld [tilespmem:s17+$0x60];
	v26 =	vadd.f32 v37, v26;
	v27 =	vadd.f32 v44, v27  }
0x213: {  	v50 =	vld [tilespmem:s17+$0x70];
	v21 =	vadd.f32 v21, v23;
	v22 =	vadd.f32 v22, v24  }
0x214: {  	v53 =	vld [tilespmem:s17+$0xA0];
	v51 =	vadd.f32 v45, v26;
	v52 =	vadd.f32 v46, v27  }
0x215: {  	v54 =	vld [tilespmem:s17+$0xB0];
	v19 =	vadd.f32 v19, v21;
	v20 =	vadd.f32 v20, v22  }
0x216: {  	v57 =	vld [tilespmem:s17+$0xE0];
	v55 =	vadd.f32 v47, v51;
	v56 =	vadd.f32 v48, v52  }
0x217: {  	v58 =	vld [tilespmem:s17+$0xF0];
	v17 =	vadd.f32 v17, v19;
	v18 =	vadd.f32 v18, v20  }
0x218: {  	v59 =	vadd.f32 v49, v55;
	v60 =	vadd.f32 v50, v56  }
0x219: {  	v14 =	vadd.f32 v14, v17;
	v16 =	vadd.f32 v16, v18  }
.Ltmp57:
0x21a: {  	v61 =	vadd.f32 v53, v59;
	v62 =	vadd.f32 v54, v60;
	(pc) =	sbr.rel .LBB2_31-.Ltmp57, $3  }
0x21b: {  	v13 =	vadd.f32 v13, v14;
	v14 =	vadd.f32 v15, v16  }
0x21c: {  	v15 =	vadd.f32 v57, v61;
	v63 =	vadd.f32 v58, v62;
	_ =	sdelay $0x1  }
0x21d: {  	v13 =	vadd.f32 v15, v13;
	v14 =	vadd.f32 v63, v14  }
.LBB2_24:
0x21e: {  	v13 =	vimm.f32 $0.0e+00;
	v14 =	vimm.f32 $0.0e+00  }
.LBB2_31:
0x21f: {  	s9 =	sand.u32 $0xFFFFFFF0, s11  }
0x220: {  	p0 =	seq.s32 s9, s11  }
.Ltmp58:
0x221: {  	_ = 	snop;
	(pc) =	sbr.rel @p0 .LBB2_35-.Ltmp58, $1  }
0x222: {  	_ =	sdelay $0x3  }
0x223: {  	s13 =	sshll.u32 s11, $0x7  }
0x224: {  	s13 =	sand.u32 $0xFFFFF800, s13  }
0x225: {  	s13 =	sadd.s32 s15, s13  }
0x226: {  	s13 =	sshra.s32 s13, $0x2  }
0x227: {  	s15 =	sadd.s32 $0x1, s9;
	s13 =	sadd.s32 $0x1390, s13  }
0x228: {  	p0 =	slt.s32 s15, s11;
	v16 =	vld [tilespmem:s13+$0xFFFFFFF0]  }
.Ltmp59:
0x229: {  	_ = 	snop;
	(pc) =	sbr.rel @!p0 .LBB2_34-.Ltmp59, $2  }
0x22a: {  	v15 =	vld [tilespmem:s13+$0x0];
	_ =	sdelay $0x2  }
0x22b: {  	s9 =	sadd.s32 $0x20, s13;
	v13 =	vadd.f32 v16, v13  }
.LBB2_33:
0x22c: {  	s15 =	sadd.s32 $0x1, s15  }
0x22d: {  	v16 =	vld [tilespmem:s9+$0xFFFFFFF0];
	v14 =	vadd.f32 v15, v14;
	p0 =	slt.s32 s15, s11  }
.Ltmp60:
0x22e: {  	v15 =	vld [tilespmem:s9+$0x0];
	(pc) =	sbr.rel @p0 .LBB2_33-.Ltmp60, $2  }
0x22f: {  	_ =	sdelay $0x2  }
0x230: {  	s9 =	sadd.s32 $0x20, s9;
	v13 =	vadd.f32 v16, v13  }
.LBB2_34:
0x231: {  	_ = 	snop  }
0x232: {  	v14 =	vadd.f32 v15, v14  }
.LBB2_35:
0x233: {  	s15 =	sadd.s32 $0xF, s11  }
0x234: {  	s9 =	sshra.s32 s15, $0x4  }
0x235: {  	p0 =	slt.s32 s9, $0x1  }
.Ltmp61:
0x236: {  	_ = 	snop;
	(pc) =	sbr.rel @p0 .LBB2_36-.Ltmp61, $1  }
0x237: {  	_ =	sdelay $0x3  }
0x238: {  	s13 =	sadd.s32 $0x680, s7  }
0x239: {  	p0 =	sne.s32 s9, $0x1;
	v16 =	vld [tilespmem:s13+$0x0]  }
.Ltmp62:
0x23a: {  	_ = 	snop;
	(pc) =	sbr.rel @!p0 .LBB2_39-.Ltmp62, $4  }
0x23b: {  	_ = 	snop  }
0x23c: {  	v15 =	vbroadcast v12, $0xF;
	s17 =	simm.s32 $0x0  }
0x23d: {  	v17 =	vor.u32 s17, v0  }
0x23e: {  	v12 =	vimm.s32 $0x0;
	s19 =	sadd.s32 $0xFFFFFFFF, s9;
	s9 =	sadd.s32 $0x10, s13;
	vm0 =	vlt.s32 v17, v15;
	vm1 =	veq.s32 v16, $0x0  }
.LBB2_38:
0x23f: {  	v16 =	vld [tilespmem:s9+$0x0];
	p0 =	sne.s32 s19, $0x1;
	s19 =	sadd.s32 $0xFFFFFFFF, s19;
	vm0 =	vmand vm0, vm1  }
.Ltmp63:
0x240: {  	v17 =	vsel vm0, $0x1, v9;
	(pc) =	sbr.rel @p0 .LBB2_38-.Ltmp63, $4  }
0x241: {  	v12 =	vadd.s32 v17, v12  }
0x242: {  	s17 =	sadd.s32 $0x10, s17  }
0x243: {  	v17 =	vor.u32 s17, v0  }
0x244: {  	s9 =	sadd.s32 $0x10, s9;
	vm0 =	vlt.s32 v17, v15;
	vm1 =	veq.s32 v16, $0x0  }
.LBB2_39:
.Ltmp64:
0x245: {  	(pc) =	sbr.rel .LBB2_40-.Ltmp64, $4  }
0x246: {  	_ = 	snop  }
0x247: {  	vm0 =	vmand vm0, vm1  }
0x248: {  	v15 =	vsel vm0, $0x1, v9  }
0x249: {  	v12 =	vadd.s32 v15, v12  }
.LBB2_41:
.Ltmp65:
0x24a: {  	(pc) =	sbr.rel .LBB2_71-.Ltmp65, $3  }
0x24b: {  	_ =	sdelay $0x1  }
0x24c: {  	s7 =	sshll.u32 s12, $0x2  }
0x24d: {  	s9 =	simm.s32 $0x3;
	s10 =	sand.u32 $0x1FFFFFC0, s7;
	s7 =	smov.u32 s2  }
.LBB2_72:
0x24e: {  	p0 =	sgt.s32 s7, $0x0  }
.Ltmp66:
0x24f: {  	_ = 	snop;
	(pc) =	sbr.rel @!p0 .LBB2_76-.Ltmp66, $1  }
0x250: {  	_ =	sdelay $0x3  }
0x251: {  	p0 =	sne.s32 s7, $0x1  }
.Ltmp67:
0x252: {  	_ = 	snop;
	(pc) =	sbr.rel @!p0 .LBB2_75-.Ltmp67, $3  }
0x253: {  	_ =	sdelay $0x1  }
0x254: {  	_ =	swait.ge [sflag:s28], $0x1000  }
0x255: {  	s0 =	sadd.s32 $0xFFFFFFFF, s7;
	[sflag:s28] =	ssyncset.done $0x0  }
.LBB2_74:
0x256: {  	p0 =	sne.s32 s0, $0x1;
	s0 =	sadd.s32 $0xFFFFFFFF, s0;
	[sflag:s28] =	ssyncadd.s32 $0xFFFFF000  }
.Ltmp68:
0x257: {  	(pc) =	sbr.rel @p0 .LBB2_74-.Ltmp68, $3  }
0x258: {  	_ =	sdelay $0x1  }
0x259: {  	_ =	swait.ge [sflag:s28], $0x1000  }
0x25a: {  	[sflag:s28] =	ssyncset.done $0x0  }
.LBB2_75:
0x25b: {  	[sflag:s28] =	ssyncadd.s32 $0xFFFFF000  }
.LBB2_76:
.Ltmp69:
0x25c: {  	(pc) =	sbr.rel .LBB2_77-.Ltmp69, $2  }
0x25d: {  	_ =	sdelay $0x2  }
0x25e: {  	s0 =	simm.s32 $0x0;
	s2 =	simm.s32 $0x0  }
.LBB2_87:
0x25f: {  	v12 =	vimm.s32 $0x0  }
.LBB2_91:
0x260: {  	p0 =	sgt.s32 s7, $0x1  }
0x261: {  	s7 =	simm.s32 @!p0 $0x1  }
0x262: {  	(xrf0) =	vadd.scan.msk.s32 $0xffff, v12;
	v61 =	vmov s7  }
0x263: {  	v12 =	vcvt.s32.f32 v61;
	_ =	sdelay $0x1  }
0x264: {  	v12 =	vbroadcast v12, $0x0;
	_ =	sdelay $0x1  }
0x265: {  	(erf) = vrcp.f32 v12  }
0x266: {  	v62, _, _ =	vpop (xrf0)  }
0x267: {  	v12 =	vcvt.s32.f32 v62;
	_ =	sdelay $0x1  }
0x268: {  	v12 =	vbroadcast v12, $0xF;
	_ =	sdelay $0x1  }
0x269: {  	v15 =	vmul.f32 v12, v10  }
0x26a: {  	s19 =	sshll.u32 s2, $0x5;
	s2 =	sadd.s32 $0x1, s2;
	v12 =	vmul.f32 v12, v11  }
0x26b: {  	p0 =	sne.s32 s2, $0x8;
	v13 =	vsub.f32 v13, v15  }
.Ltmp70:
0x26c: {  	v12 =	vsub.f32 v14, v12;
	v63 =	vpop (erf);
	(pc) =	sbr.rel @!p0 .LBB2_92-.Ltmp70, $4  }
0x26d: {  	v13 =	vmul.f32 v13, v63  }
0x26e: {  	s7 =	sand.u32 $0x3FFFFFE0, s19;
	v12 =	vmul.f32 v12, v63  }
0x26f: {  	s9 =	sand.u32 $0xFFFFFFF0, s10;
	[tilespmem:s7+$0x1B580] =	vst v13  }
0x270: {  	s0 =	sadd.s32 s0, s9;
	[tilespmem:s7+$0x1B590] =	vst v12  }
.LBB2_77:
0x271: {  	v12 =	vld [tilespmem:$0x1B570];
	_ =	sdelay $0x1  }
0x272: {  	s7 =	sor.u32 $0x8, s2  }
0x273: {  	v13 =	vmov s7  }
0x274: {  	vm0 =	veq.s32 v13, v0  }
0x275: {  	v12 =	vnsel vm0, $0x0, v12  }
0x276: {  	(xrf0) =	vadd.scan.msk.s32 $0xffff, v12;
	_ =	sdelay $0x5  }
0x277: {  	v12, _, _ =	vpop (xrf0)  }
0x278: {  	(v2sf) =	vpush v12, $0xF;
	_ =	sdelay $0xe  }
0x279: {  	s7 =	spop (v2sf)  }
0x27a: {  	s12 =	sshra.s32 s7, $0x4  }
0x27b: {  	p0 =	slt.s32 s12, $0x1  }
.Ltmp71:
0x27c: {  	_ = 	snop;
	(pc) =	sbr.rel @p0 .LBB2_78-.Ltmp71, $2  }
0x27d: {  	_ =	sdelay $0x2  }
0x27e: {  	s10 =	sshll.u32 s0, $0x7  }
0x27f: {  	s9 =	sshra.s32 s10, $0x2  }
0x280: {  	s11 =	sadd.s32 $0xE480, s9  }
0x281: {  	v13 =	vld [tilespmem:s11+$0xC0]  }
0x282: {  	v15 =	vld [tilespmem:s11+$0xD0]  }
0x283: {  	v14 =	vld [tilespmem:s11+$0x80]  }
0x284: {  	v16 =	vld [tilespmem:s11+$0x90]  }
0x285: {  	v17 =	vld [tilespmem:s11+$0x40]  }
0x286: {  	v18 =	vld [tilespmem:s11+$0x50]  }
0x287: {  	v19 =	vld [tilespmem:s11+$0x0]  }
0x288: {  	v20 =	vld [tilespmem:s11+$0x10]  }
0x289: {  	v21 =	vld [tilespmem:s11+$0xFFFFFFC0]  }
0x28a: {  	v22 =	vld [tilespmem:s11+$0xFFFFFFD0]  }
0x28b: {  	v23 =	vld [tilespmem:s11+$0xFFFFFF80]  }
0x28c: {  	v24 =	vld [tilespmem:s11+$0xFFFFFF90]  }
0x28d: {  	p0 =	sne.s32 s12, $0x1;
	v29 =	vld [tilespmem:s11+$0xFFFFFF40]  }
.Ltmp72:
0x28e: {  	v30 =	vld [tilespmem:s11+$0xFFFFFF50];
	(pc) =	sbr.rel @!p0 .LBB2_81-.Ltmp72, $4  }
0x28f: {  	v31 =	vld [tilespmem:s11+$0xFFFFFF00]  }
0x290: {  	v32 =	vld [tilespmem:s11+$0xFFFFFF10]  }
0x291: {  	v25 =	vimm.f32 $0.0e+00;
	v33 =	vld [tilespmem:s11+$0xFFFFFF20]  }
0x292: {  	s12 =	sadd.s32 $0xFFFFFFFF, s12;
	v28 =	vimm.f32 $0.0e+00;
	v26 =	vimm.f32 $0.0e+00;
	v27 =	vimm.f32 $0.0e+00;
	v34 =	vld [tilespmem:s11+$0xFFFFFF30]  }
.LBB2_80:
0x293: {  	p0 =	sne.s32 s12, $0x1;
	v35 =	vld [tilespmem:s11+$0xFFFFFF60]  }
0x294: {  	v36 =	vld [tilespmem:s11+$0xFFFFFF70]  }
0x295: {  	v37 =	vld [tilespmem:s11+$0xFFFFFFA0]  }
0x296: {  	v25 =	vadd.f32 v31, v25;
	v28 =	vadd.f32 v32, v28;
	v31 =	vld [tilespmem:s11+$0xFFFFFFB0]  }
0x297: {  	v26 =	vadd.f32 v33, v26;
	v27 =	vadd.f32 v34, v27;
	v32 =	vld [tilespmem:s11+$0xFFFFFFE0]  }
0x298: {  	v25 =	vadd.f32 v29, v25;
	v28 =	vadd.f32 v30, v28;
	v29 =	vld [tilespmem:s11+$0xFFFFFFF0]  }
0x299: {  	v26 =	vadd.f32 v35, v26;
	v27 =	vadd.f32 v36, v27;
	v30 =	vld [tilespmem:s11+$0x20]  }
0x29a: {  	v23 =	vadd.f32 v23, v25;
	v24 =	vadd.f32 v24, v28;
	v25 =	vld [tilespmem:s11+$0x30]  }
0x29b: {  	v26 =	vadd.f32 v37, v26;
	v27 =	vadd.f32 v31, v27;
	v28 =	vld [tilespmem:s11+$0x60]  }
0x29c: {  	v21 =	vadd.f32 v21, v23;
	v22 =	vadd.f32 v22, v24;
	v23 =	vld [tilespmem:s11+$0x70]  }
0x29d: {  	v24 =	vadd.f32 v32, v26;
	v26 =	vadd.f32 v29, v27;
	v27 =	vld [tilespmem:s11+$0xA0]  }
0x29e: {  	v19 =	vadd.f32 v19, v21;
	v20 =	vadd.f32 v20, v22;
	v21 =	vld [tilespmem:s11+$0xB0]  }
0x29f: {  	v22 =	vadd.f32 v30, v24;
	v24 =	vadd.f32 v25, v26;
	v26 =	vld [tilespmem:s11+$0xE0]  }
0x2a0: {  	v17 =	vadd.f32 v17, v19;
	v18 =	vadd.f32 v18, v20;
	v19 =	vld [tilespmem:s11+$0xF0];
	s11 =	sadd.s32 $0x200, s11  }
0x2a1: {  	v22 =	vadd.f32 v28, v22;
	v20 =	vld [tilespmem:s11+$0xC0];
	v23 =	vadd.f32 v23, v24  }
0x2a2: {  	v17 =	vadd.f32 v14, v17;
	v18 =	vadd.f32 v16, v18;
	v24 =	vld [tilespmem:s11+$0xD0]  }
0x2a3: {  	v22 =	vadd.f32 v27, v22;
	v14 =	vld [tilespmem:s11+$0x80];
	v21 =	vadd.f32 v21, v23  }
0x2a4: {  	v25 =	vadd.f32 v13, v17;
	v28 =	vadd.f32 v15, v18;
	v16 =	vld [tilespmem:s11+$0x90]  }
0x2a5: {  	v26 =	vadd.f32 v26, v22;
	v17 =	vld [tilespmem:s11+$0x40];
	v27 =	vadd.f32 v19, v21  }
0x2a6: {  	v18 =	vld [tilespmem:s11+$0x50];
	v13 =	vmov v20  }
0x2a7: {  	v19 =	vld [tilespmem:s11+$0x0];
	v15 =	vmov v24  }
0x2a8: {  	v20 =	vld [tilespmem:s11+$0x10]  }
0x2a9: {  	v21 =	vld [tilespmem:s11+$0xFFFFFFC0]  }
0x2aa: {  	v22 =	vld [tilespmem:s11+$0xFFFFFFD0]  }
0x2ab: {  	v23 =	vld [tilespmem:s11+$0xFFFFFF80]  }
0x2ac: {  	v24 =	vld [tilespmem:s11+$0xFFFFFF90]  }
0x2ad: {  	v29 =	vld [tilespmem:s11+$0xFFFFFF40]  }
.Ltmp73:
0x2ae: {  	v30 =	vld [tilespmem:s11+$0xFFFFFF50];
	(pc) =	sbr.rel @p0 .LBB2_80-.Ltmp73, $4  }
0x2af: {  	v31 =	vld [tilespmem:s11+$0xFFFFFF00]  }
0x2b0: {  	v32 =	vld [tilespmem:s11+$0xFFFFFF10]  }
0x2b1: {  	v33 =	vld [tilespmem:s11+$0xFFFFFF20]  }
0x2b2: {  	s12 =	sadd.s32 $0xFFFFFFFF, s12;
	v34 =	vld [tilespmem:s11+$0xFFFFFF30]  }
.LBB2_81:
0x2b3: {  	v35 =	vld [tilespmem:s11+$0xFFFFFF60]  }
0x2b4: {  	v36 =	vld [tilespmem:s11+$0xFFFFFF70]  }
0x2b5: {  	v37 =	vld [tilespmem:s11+$0xFFFFFFA0]  }
0x2b6: {  	v44 =	vld [tilespmem:s11+$0xFFFFFFB0];
	v25 =	vadd.f32 v31, v25;
	v28 =	vadd.f32 v32, v28  }
0x2b7: {  	v45 =	vld [tilespmem:s11+$0xFFFFFFE0];
	v26 =	vadd.f32 v33, v26;
	v27 =	vadd.f32 v34, v27  }
0x2b8: {  	v46 =	vld [tilespmem:s11+$0xFFFFFFF0];
	v25 =	vadd.f32 v29, v25;
	v28 =	vadd.f32 v30, v28  }
0x2b9: {  	v47 =	vld [tilespmem:s11+$0x20];
	v26 =	vadd.f32 v35, v26;
	v27 =	vadd.f32 v36, v27  }
0x2ba: {  	v48 =	vld [tilespmem:s11+$0x30];
	v23 =	vadd.f32 v23, v25;
	v24 =	vadd.f32 v24, v28  }
0x2bb: {  	v49 =	vld [tilespmem:s11+$0x60];
	v26 =	vadd.f32 v37, v26;
	v27 =	vadd.f32 v44, v27  }
0x2bc: {  	v50 =	vld [tilespmem:s11+$0x70];
	v21 =	vadd.f32 v21, v23;
	v22 =	vadd.f32 v22, v24  }
0x2bd: {  	v53 =	vld [tilespmem:s11+$0xA0];
	v51 =	vadd.f32 v45, v26;
	v52 =	vadd.f32 v46, v27  }
0x2be: {  	v54 =	vld [tilespmem:s11+$0xB0];
	v19 =	vadd.f32 v19, v21;
	v20 =	vadd.f32 v20, v22  }
0x2bf: {  	v57 =	vld [tilespmem:s11+$0xE0];
	v55 =	vadd.f32 v47, v51;
	v56 =	vadd.f32 v48, v52  }
0x2c0: {  	v58 =	vld [tilespmem:s11+$0xF0];
	v17 =	vadd.f32 v17, v19;
	v18 =	vadd.f32 v18, v20  }
0x2c1: {  	v59 =	vadd.f32 v49, v55;
	v60 =	vadd.f32 v50, v56  }
0x2c2: {  	v14 =	vadd.f32 v14, v17;
	v16 =	vadd.f32 v16, v18  }
.Ltmp74:
0x2c3: {  	v61 =	vadd.f32 v53, v59;
	v62 =	vadd.f32 v54, v60;
	(pc) =	sbr.rel .LBB2_82-.Ltmp74, $3  }
0x2c4: {  	v13 =	vadd.f32 v13, v14;
	v14 =	vadd.f32 v15, v16  }
0x2c5: {  	v15 =	vadd.f32 v57, v61;
	v63 =	vadd.f32 v58, v62;
	_ =	sdelay $0x1  }
0x2c6: {  	v13 =	vadd.f32 v15, v13;
	v14 =	vadd.f32 v63, v14  }
.LBB2_78:
0x2c7: {  	v13 =	vimm.f32 $0.0e+00;
	v14 =	vimm.f32 $0.0e+00  }
.LBB2_82:
0x2c8: {  	s9 =	sand.u32 $0xFFFFFFF0, s7  }
0x2c9: {  	p0 =	seq.s32 s9, s7  }
.Ltmp75:
0x2ca: {  	_ = 	snop;
	(pc) =	sbr.rel @p0 .LBB2_86-.Ltmp75, $1  }
0x2cb: {  	_ =	sdelay $0x3  }
0x2cc: {  	s11 =	sshll.u32 s7, $0x7  }
0x2cd: {  	s11 =	sand.u32 $0xFFFFF800, s11  }
0x2ce: {  	s10 =	sadd.s32 s10, s11  }
0x2cf: {  	s10 =	sshra.s32 s10, $0x2  }
0x2d0: {  	s9 =	sadd.s32 $0x1, s9;
	s10 =	sadd.s32 $0xE390, s10  }
0x2d1: {  	p0 =	slt.s32 s9, s7;
	v16 =	vld [tilespmem:s10+$0xFFFFFFF0]  }
.Ltmp76:
0x2d2: {  	_ = 	snop;
	(pc) =	sbr.rel @!p0 .LBB2_85-.Ltmp76, $2  }
0x2d3: {  	v15 =	vld [tilespmem:s10+$0x0];
	_ =	sdelay $0x2  }
0x2d4: {  	s10 =	sadd.s32 $0x20, s10;
	v13 =	vadd.f32 v16, v13  }
.LBB2_84:
0x2d5: {  	s9 =	sadd.s32 $0x1, s9  }
0x2d6: {  	v16 =	vld [tilespmem:s10+$0xFFFFFFF0];
	v14 =	vadd.f32 v15, v14;
	p0 =	slt.s32 s9, s7  }
.Ltmp77:
0x2d7: {  	v15 =	vld [tilespmem:s10+$0x0];
	(pc) =	sbr.rel @p0 .LBB2_84-.Ltmp77, $2  }
0x2d8: {  	_ =	sdelay $0x2  }
0x2d9: {  	s10 =	sadd.s32 $0x20, s10;
	v13 =	vadd.f32 v16, v13  }
.LBB2_85:
0x2da: {  	_ = 	snop  }
0x2db: {  	v14 =	vadd.f32 v15, v14  }
.LBB2_86:
0x2dc: {  	s10 =	sadd.s32 $0xF, s7  }
0x2dd: {  	s9 =	sshra.s32 s10, $0x4  }
0x2de: {  	p0 =	slt.s32 s9, $0x1  }
.Ltmp78:
0x2df: {  	_ = 	snop;
	(pc) =	sbr.rel @p0 .LBB2_87-.Ltmp78, $1  }
0x2e0: {  	_ =	sdelay $0x3  }
0x2e1: {  	s13 =	sadd.s32 $0xD00, s0  }
0x2e2: {  	p0 =	sne.s32 s9, $0x1;
	v16 =	vld [tilespmem:s13+$0x0]  }
.Ltmp79:
0x2e3: {  	_ = 	snop;
	(pc) =	sbr.rel @!p0 .LBB2_90-.Ltmp79, $4  }
0x2e4: {  	_ = 	snop  }
0x2e5: {  	v15 =	vbroadcast v12, $0xF;
	s11 =	simm.s32 $0x0  }
0x2e6: {  	v17 =	vor.u32 s11, v0  }
0x2e7: {  	v12 =	vimm.s32 $0x0;
	s12 =	sadd.s32 $0xFFFFFFFF, s9;
	s9 =	sadd.s32 $0x10, s13;
	vm0 =	vlt.s32 v17, v15;
	vm1 =	veq.s32 v16, $0x0  }
.LBB2_89:
0x2e8: {  	v16 =	vld [tilespmem:s9+$0x0];
	p0 =	sne.s32 s12, $0x1;
	s12 =	sadd.s32 $0xFFFFFFFF, s12;
	vm0 =	vmand vm0, vm1  }
.Ltmp80:
0x2e9: {  	v17 =	vsel vm0, $0x1, v9;
	(pc) =	sbr.rel @p0 .LBB2_89-.Ltmp80, $4  }
0x2ea: {  	v12 =	vadd.s32 v17, v12  }
0x2eb: {  	s11 =	sadd.s32 $0x10, s11  }
0x2ec: {  	v17 =	vor.u32 s11, v0  }
0x2ed: {  	s9 =	sadd.s32 $0x10, s9;
	vm0 =	vlt.s32 v17, v15;
	vm1 =	veq.s32 v16, $0x0  }
.LBB2_90:
.Ltmp81:
0x2ee: {  	(pc) =	sbr.rel .LBB2_91-.Ltmp81, $4  }
0x2ef: {  	_ = 	snop  }
0x2f0: {  	vm0 =	vmand vm0, vm1  }
0x2f1: {  	v15 =	vsel vm0, $0x1, v9  }
0x2f2: {  	v12 =	vadd.s32 v15, v12  }
.LBB2_93:
0x2f3: {  	_ =	sfence.sel $0x180000  }
0x2f4: {  	[bflag:$0x0] =	sbarrier.arrive $0xFFFF  }
0x2f5: {  	_ =	strace $0x90000047  }
0x2f6: {  	s0 =	stileid.u32;
	[bflag:$0x2] =	sbarrier.arrive $0xFFFF  }
0x2f7: {  	p0 =	sne.s32 s0, $0x0;
	s0 =	rddreg [dreg:$0x3]  }
0x2f8: {  	s0 =	sadd.s32 @!p0 $0x100000, s0  }
0x2f9: {  	[sflag:s0] =	ssyncadd.tile.s32 @!p0 $0x1;
	_ =	shalt  }
.Lfunc_end2:
_tile_overlayer_lowered:
.L_overlay_start_2:
0x2fa: {  	(tag) =	ssettag $0x2  }
0x2fb: {  	s0 =	rddreg [dreg:$0x0];
	s2 =	stileid.u32  }
0x2fc: {  	s1 =	rddreg [dreg:$0x1];
	p0 =	sne.s32 s2, $0x0  }
0x2fd: {  	s3 =	rddreg [dreg:$0x2];
	[bflag:$0x3] =	sbarrier.arrive $0xFFFF;
	s2 =	simm.s32 @!p0 $0x1C03  }
0x2fe: {  	[timem:s3], [sflag:s2] =	dma.local @!p0 [hbm:s0], s1  }
0x2ff: {  	s0 =	simm.s32 @!p0 $0x3  }
0x300: {  	_ =	swait.ge @!p0 [sflag:s0], s1  }
0x301: {  	s1 =	ssub.s32 @!p0 $0x0, s1;
	[sflag:s0] =	ssyncset.done @!p0 $0x0  }
0x302: {  	[sflag:s0] =	ssyncadd.s32 @!p0 s1  }
0x303: {  	[bflag:$0x3] =	sbarrier.arrive $0xFFFF  }
0x304: {  	_ =	shalt  }

</sc_bundles>
